<compile_context>
chip_gen: v7x
topology: tpu7x:2x2x1
jax: 0.10.2.dev20260603
libtpu: 0.0.44.dev20260713+nightly
codegen_flags: <defaults>
</compile_context>

<pallas_src>
import jax
import jax.numpy as jnp
from jax.experimental import pallas as pl
from jax.experimental.pallas import tpu as pltpu

_BATCH = 8
_N_AC = 20000
_N_SCORE = 2000
_N_PAD = 2048
_N_NMS = 1000
_N_NMS_PAD = 1024
_NMS_TH = 0.7


def _decode_rows(ac, dl):
    ha = ac[2:3] - ac[0:1]
    wa = ac[3:4] - ac[1:2]
    cya = ac[0:1] + 0.5 * ha
    cxa = ac[1:2] + 0.5 * wa
    cy = dl[0:1] * ha + cya
    cx = dl[1:2] * wa + cxa
    h = dl[2:3] * ha
    w = dl[3:4] * wa
    y1 = jnp.clip(cy - 0.5 * h, 0.0, 1.0)
    x1 = jnp.clip(cx - 0.5 * w, 0.0, 1.0)
    y2 = jnp.clip(cy + 0.5 * h, 0.0, 1.0)
    x2 = jnp.clip(cx + 0.5 * w, 0.0, 1.0)
    return y1, x1, y2, x2


def _decode_cols(ac, dl):
    ha = ac[:, 2:3] - ac[:, 0:1]
    wa = ac[:, 3:4] - ac[:, 1:2]
    cya = ac[:, 0:1] + 0.5 * ha
    cxa = ac[:, 1:2] + 0.5 * wa
    cy = dl[:, 0:1] * ha + cya
    cx = dl[:, 1:2] * wa + cxa
    h = dl[:, 2:3] * ha
    w = dl[:, 3:4] * wa
    y1 = jnp.clip(cy - 0.5 * h, 0.0, 1.0)
    x1 = jnp.clip(cx - 0.5 * w, 0.0, 1.0)
    y2 = jnp.clip(cy + 0.5 * h, 0.0, 1.0)
    x2 = jnp.clip(cx + 0.5 * w, 0.0, 1.0)
    return y1, x1, y2, x2


_BLK = 256
_NBLK = _N_PAD // _BLK


def _roi_kernel(acr_ref, dlr_ref, acc_ref, dlc_ref, out_ref, m_ref):
    acr = acr_ref[0]
    dlr = dlr_ref[0]
    acc = acc_ref[0]
    dlc = dlc_ref[0]

    y1r, x1r, y2r, x2r = _decode_rows(acr, dlr)
    y1c, x1c, y2c, x2c = _decode_cols(acc, dlc)

    arear = (y2r - y1r) * (x2r - x1r)
    areac = (y2c - y1c) * (x2c - x1c)

    zeros_blk = jnp.zeros((_BLK, _BLK), jnp.bfloat16)
    loc_i = jax.lax.broadcasted_iota(jnp.int32, (_BLK, _BLK), 0)
    loc_j = jax.lax.broadcasted_iota(jnp.int32, (_BLK, _BLK), 1)
    for r in range(_NBLK):
        r0, r1 = r * _BLK, (r + 1) * _BLK
        for c in range(_NBLK):
            c0, c1 = c * _BLK, (c + 1) * _BLK
            if c < r:
                m_ref[r0:r1, c0:c1] = zeros_blk
                continue
            ihb = jnp.maximum(
                jnp.minimum(y2c[r0:r1], y2r[:, c0:c1])
                - jnp.maximum(y1c[r0:r1], y1r[:, c0:c1]), 0.0)
            iwb = jnp.maximum(
                jnp.minimum(x2c[r0:r1], x2r[:, c0:c1])
                - jnp.maximum(x1c[r0:r1], x1r[:, c0:c1]), 0.0)
            inter = ihb * iwb
            union = jnp.maximum(
                areac[r0:r1] + arear[:, c0:c1] - inter, 1e-8)
            sup = (inter / union) > _NMS_TH
            if c == r:
                sup = sup & (loc_i < loc_j)
            m_ref[r0:r1, c0:c1] = jnp.where(
                sup, 1.0, 0.0).astype(jnp.bfloat16)
    m = m_ref[...]

    jrow = jax.lax.broadcasted_iota(jnp.int32, (1, _N_PAD), 1)
    valid = jrow < _N_SCORE
    keep0 = jnp.where(valid, 1.0, 0.0)

    def cond(st):
        return st[1]

    def body(st):
        keep, _ = st
        sup = jax.lax.dot_general(
            keep.astype(jnp.bfloat16), m, (((1,), (0,)), ((), ())),
            preferred_element_type=jnp.float32)
        knew = jnp.where(valid & (sup <= 0.0), 1.0, 0.0)
        return knew, jnp.any(knew != keep)

    keep, _ = jax.lax.while_loop(cond, body, (keep0, jnp.bool_(True)))

    ii = jax.lax.broadcasted_iota(jnp.int32, (_N_PAD, _N_PAD), 0)
    jj = jax.lax.broadcasted_iota(jnp.int32, (_N_PAD, _N_PAD), 1)
    lt = jnp.where(ii <= jj, 1.0, 0.0)
    pos = jax.lax.dot_general(
        keep, lt, (((1,), (0,)), ((), ())),
        preferred_element_type=jnp.float32) - 1.0

    ocol = jax.lax.broadcasted_iota(
        jnp.int32, (_N_NMS_PAD, 1), 0).astype(jnp.float32)
    onehot = jnp.where((pos == ocol) & (keep > 0), 1.0, 0.0)

    boxes_r = jnp.concatenate([y1r, x1r, y2r, x2r], axis=0)
    out = jax.lax.dot_general(
        boxes_r, onehot, (((1,), (1,)), ((), ())),
        preferred_element_type=jnp.float32,
        precision=jax.lax.Precision.HIGHEST)
    out_ref[0] = out


def kernel(rpn_prob, rpn_del, anchors):
    scores = jnp.squeeze(rpn_prob, axis=-1)
    _, top_idx = jax.lax.top_k(scores, _N_SCORE)
    top_del = jnp.take_along_axis(rpn_del, top_idx[..., None], axis=1)
    top_ac = jnp.take(anchors, top_idx, axis=0)
    top_del = jnp.concatenate(
        [top_del[..., :2], jnp.exp(top_del[..., 2:])], axis=-1)

    pad = ((0, 0), (0, _N_PAD - _N_SCORE), (0, 0))
    ac_c = jnp.pad(top_ac, pad)
    dl_c = jnp.pad(top_del, pad)
    ac_r = jnp.transpose(ac_c, (0, 2, 1))
    dl_r = jnp.transpose(dl_c, (0, 2, 1))

    out = pl.pallas_call(
        _roi_kernel,
        grid=(_BATCH,),
        in_specs=[
            pl.BlockSpec((1, 4, _N_PAD), lambda b: (b, 0, 0)),
            pl.BlockSpec((1, 4, _N_PAD), lambda b: (b, 0, 0)),
            pl.BlockSpec((1, _N_PAD, 4), lambda b: (b, 0, 0)),
            pl.BlockSpec((1, _N_PAD, 4), lambda b: (b, 0, 0)),
        ],
        out_specs=pl.BlockSpec((1, 4, _N_NMS_PAD), lambda b: (b, 0, 0)),
        out_shape=jax.ShapeDtypeStruct((_BATCH, 4, _N_NMS_PAD), jnp.float32),
        scratch_shapes=[pltpu.VMEM((_N_PAD, _N_PAD), jnp.bfloat16)],
    )(ac_r, dl_r, ac_c, dl_c)

    return jnp.transpose(out, (0, 2, 1))[:, :_N_NMS, :]

# --- scband reference (transcript-rebuilt; emitter-appended) ---
"""Pipeline reference for scband-roi-block-7516192768624 (READ-ONLY COPY).

The authoritative reference and input builder live on the scoring server;
editing this copy changes nothing except your own understanding.
"""

import jax, jax.numpy as jnp
import numpy as np

BATCH = 8
N_AC = 20000
N_SCORE = 2000
N_NMS = 1000
NMS_TH = 0.7


def setup_inputs(seed: int = 0) -> dict:
    key = jax.random.key(seed)
    k1, k2, k3, k4 = jax.random.split(key, 4)
    rpn_prob = jax.random.uniform(k1, (BATCH, N_AC, 1), dtype=jnp.float32)
    rpn_del = jax.random.normal(k2, (BATCH, N_AC, 4), dtype=jnp.float32) * 0.1
    # Anchors in normalized [0,1] (y1, x1, y2, x2) coords (plays the role of box.anchors)
    cy = jax.random.uniform(k3, (N_AC,), minval=0.1, maxval=0.9)
    cx = jax.random.uniform(jax.random.fold_in(k3, 1), (N_AC,), minval=0.1, maxval=0.9)
    h = jax.random.uniform(k4, (N_AC,), minval=0.05, maxval=0.3)
    w = jax.random.uniform(jax.random.fold_in(k4, 1), (N_AC,), minval=0.05, maxval=0.3)
    anchors = jnp.stack([cy - h / 2, cx - w / 2, cy + h / 2, cx + w / 2], axis=-1).astype(jnp.float32)
    return {"rpn_prob": rpn_prob, "rpn_del": rpn_del, "anchors": anchors}


def _bbox2delta(anchors, deltas):
    # Decode RPN deltas (dy, dx, dh, dw) against anchors (y1, x1, y2, x2)
    ha = anchors[:, 2] - anchors[:, 0]
    wa = anchors[:, 3] - anchors[:, 1]
    cya = anchors[:, 0] + 0.5 * ha
    cxa = anchors[:, 1] + 0.5 * wa
    dy, dx, dh, dw = deltas[:, 0], deltas[:, 1], deltas[:, 2], deltas[:, 3]
    cy = dy * ha + cya
    cx = dx * wa + cxa
    h = jnp.exp(dh) * ha
    w = jnp.exp(dw) * wa
    return jnp.stack([cy - 0.5 * h, cx - 0.5 * w, cy + 0.5 * h, cx + 0.5 * w], axis=-1)


def _clip01(boxes):
    # box.bbox.clip(rois, 1.0, 1.0): clip normalized boxes to the unit image
    return jnp.clip(boxes, 0.0, 1.0)


def _iou_matrix(boxes):
    area = (boxes[:, 2] - boxes[:, 0]) * (boxes[:, 3] - boxes[:, 1])
    tl = jnp.maximum(boxes[:, None, :2], boxes[None, :, :2])
    br = jnp.minimum(boxes[:, None, 2:], boxes[None, :, 2:])
    wh = jnp.maximum(br - tl, 0.0)
    inter = wh[..., 0] * wh[..., 1]
    union = area[:, None] + area[None, :] - inter
    return inter / jnp.maximum(union, 1e-8)


def _nms(boxes, max_out, iou_th):
    # boxes are already sorted descending by score (output of top_k gather)
    n = boxes.shape[0]
    ious = _iou_matrix(boxes)
    idxs = jnp.arange(n)

    def body(i, keep):
        suppress = (ious[i] > iou_th) & (idxs > i)
        return jnp.where(keep[i], keep & (~suppress), keep)

    keep = jax.lax.fori_loop(0, n, body, jnp.ones((n,), dtype=bool))
    sel = jnp.nonzero(keep, size=max_out, fill_value=n)[0]
    boxes_ext = jnp.concatenate([boxes, jnp.zeros((1, 4), boxes.dtype)], axis=0)
    return boxes_ext[sel]


def _get_roi(rpn_prob, rpn_del, anchors):
    scores = jnp.squeeze(rpn_prob, axis=-1)
    top_score, top_idx = jax.lax.top_k(scores, N_SCORE)
    top_delta = jnp.take(rpn_del, top_idx, axis=0)
    top_ac = jnp.take(anchors, top_idx, axis=0)
    rois_all = _bbox2delta(top_ac, top_delta)
    rois = _clip01(rois_all)
    rois = _nms(rois, N_NMS, NMS_TH)
    return rois


def reference(rpn_prob, rpn_del, anchors):
    # tf.map_fn over the batch -> vmap
    return jax.vmap(lambda p, d: _get_roi(p, d, anchors))(rpn_prob, rpn_del)

if __name__ == "__main__":
    import jax
    _d = setup_inputs()
    print(jax.jit(kernel)(*tuple(_d.values())))

</pallas_src>

<mosaic_0001>
module attributes {stable_mosaic.version = 14 : i64} {
  func.func @_roi_kernel(%arg0: i32, %arg1: memref<1x4x2048xf32, #tpu.memory_space<vmem>>, %arg2: memref<1x4x2048xf32, #tpu.memory_space<vmem>>, %arg3: memref<1x2048x4xf32, #tpu.memory_space<vmem>>, %arg4: memref<1x2048x4xf32, #tpu.memory_space<vmem>>, %arg5: memref<1x4x1024xf32, #tpu.memory_space<vmem>>, %arg6: memref<2048x2048xbf16, #tpu.memory_space<vmem>>) attributes {dimension_semantics = [#tpu.dimension_semantics<arbitrary>], iteration_bounds = array<i64: 8>, scalar_prefetch = 0 : i64, scratch_operands = 1 : i64, tpu.core_type = #tpu.core_type<tc>, window_params = [{transform_indices = @transform_0, window_bounds = array<i64: 1, 4, 2048>}, {transform_indices = @transform_1, window_bounds = array<i64: 1, 4, 2048>}, {transform_indices = @transform_2, window_bounds = array<i64: 1, 2048, 4>}, {transform_indices = @transform_3, window_bounds = array<i64: 1, 2048, 4>}, {transform_indices = @transform_4, window_bounds = array<i64: 1, 4, 1024>}]} {
    %get3A = arith.constant 0 : index
    %get3A_0 = arith.constant 0 : index
    %get3A_1 = arith.constant 0 : index
    %get3A_2 = vector.load %arg1[%get3A, %get3A_0, %get3A_1] : memref<1x4x2048xf32, #tpu.memory_space<vmem>>, vector<1x4x2048xf32>
    %get3A_3 = vector.shape_cast %get3A_2 : vector<1x4x2048xf32> to vector<4x2048xf32>
    %get3A_4 = arith.constant 0 : index
    %get3A_5 = arith.constant 0 : index
    %get3A_6 = arith.constant 0 : index
    %get3A_7 = vector.load %arg2[%get3A_4, %get3A_5, %get3A_6] : memref<1x4x2048xf32, #tpu.memory_space<vmem>>, vector<1x4x2048xf32>
    %get3A_8 = vector.shape_cast %get3A_7 : vector<1x4x2048xf32> to vector<4x2048xf32>
    %get3A_9 = arith.constant 0 : index
    %get3A_10 = arith.constant 0 : index
    %get3A_11 = arith.constant 0 : index
    %get3A_12 = vector.load %arg3[%get3A_9, %get3A_10, %get3A_11] : memref<1x2048x4xf32, #tpu.memory_space<vmem>>, vector<1x2048x4xf32>
    %get3A_13 = vector.shape_cast %get3A_12 : vector<1x2048x4xf32> to vector<2048x4xf32>
    %get3A_14 = arith.constant 0 : index
    %get3A_15 = arith.constant 0 : index
    %get3A_16 = arith.constant 0 : index
    %get3A_17 = vector.load %arg4[%get3A_14, %get3A_15, %get3A_16] : memref<1x2048x4xf32, #tpu.memory_space<vmem>>, vector<1x2048x4xf32>
    %get3A_18 = vector.shape_cast %get3A_17 : vector<1x2048x4xf32> to vector<2048x4xf32>
    %slice3A = vector.extract_strided_slice %get3A_3 {offsets = [2, 0], sizes = [1, 2048], strides = [1, 1]} : vector<4x2048xf32> to vector<1x2048xf32>
    %slice3A_19 = vector.extract_strided_slice %get3A_3 {offsets = [0, 0], sizes = [1, 2048], strides = [1, 1]} : vector<4x2048xf32> to vector<1x2048xf32>
    %sub3A = arith.subf %slice3A, %slice3A_19 : vector<1x2048xf32>
    %slice3A_20 = vector.extract_strided_slice %get3A_3 {offsets = [3, 0], sizes = [1, 2048], strides = [1, 1]} : vector<4x2048xf32> to vector<1x2048xf32>
    %slice3A_21 = vector.extract_strided_slice %get3A_3 {offsets = [1, 0], sizes = [1, 2048], strides = [1, 1]} : vector<4x2048xf32> to vector<1x2048xf32>
    %sub3A_22 = arith.subf %slice3A_20, %slice3A_21 : vector<1x2048xf32>
    %slice3A_23 = vector.extract_strided_slice %get3A_3 {offsets = [0, 0], sizes = [1, 2048], strides = [1, 1]} : vector<4x2048xf32> to vector<1x2048xf32>
    %mul3A = arith.constant 5.000000e-01 : f32
    %mul3A_24 = vector.broadcast %mul3A : f32 to vector<1x2048xf32>
    %mul3A_25 = arith.mulf %mul3A_24, %sub3A : vector<1x2048xf32>
    %add3A = arith.addf %slice3A_23, %mul3A_25 : vector<1x2048xf32>
    %slice3A_26 = vector.extract_strided_slice %get3A_3 {offsets = [1, 0], sizes = [1, 2048], strides = [1, 1]} : vector<4x2048xf32> to vector<1x2048xf32>
    %mul3A_27 = arith.constant 5.000000e-01 : f32
    %mul3A_28 = vector.broadcast %mul3A_27 : f32 to vector<1x2048xf32>
    %mul3A_29 = arith.mulf %mul3A_28, %sub3A_22 : vector<1x2048xf32>
    %add3A_30 = arith.addf %slice3A_26, %mul3A_29 : vector<1x2048xf32>
    %slice3A_31 = vector.extract_strided_slice %get3A_8 {offsets = [0, 0], sizes = [1, 2048], strides = [1, 1]} : vector<4x2048xf32> to vector<1x2048xf32>
    %mul3A_32 = arith.mulf %slice3A_31, %sub3A : vector<1x2048xf32>
    %add3A_33 = arith.addf %mul3A_32, %add3A : vector<1x2048xf32>
    %slice3A_34 = vector.extract_strided_slice %get3A_8 {offsets = [1, 0], sizes = [1, 2048], strides = [1, 1]} : vector<4x2048xf32> to vector<1x2048xf32>
    %mul3A_35 = arith.mulf %slice3A_34, %sub3A_22 : vector<1x2048xf32>
    %add3A_36 = arith.addf %mul3A_35, %add3A_30 : vector<1x2048xf32>
    %slice3A_37 = vector.extract_strided_slice %get3A_8 {offsets = [2, 0], sizes = [1, 2048], strides = [1, 1]} : vector<4x2048xf32> to vector<1x2048xf32>
    %mul3A_38 = arith.mulf %slice3A_37, %sub3A : vector<1x2048xf32>
    %slice3A_39 = vector.extract_strided_slice %get3A_8 {offsets = [3, 0], sizes = [1, 2048], strides = [1, 1]} : vector<4x2048xf32> to vector<1x2048xf32>
    %mul3A_40 = arith.mulf %slice3A_39, %sub3A_22 : vector<1x2048xf32>
    %mul3A_41 = arith.constant 5.000000e-01 : f32
    %mul3A_42 = vector.broadcast %mul3A_41 : f32 to vector<1x2048xf32>
    %mul3A_43 = arith.mulf %mul3A_42, %mul3A_38 : vector<1x2048xf32>
    %sub3A_44 = arith.subf %add3A_33, %mul3A_43 : vector<1x2048xf32>
    %jit3A = arith.constant 0.000000e+00 : f32
    %jit3A_45 = arith.constant 1.000000e+00 : f32
    %max3A = vector.broadcast %jit3A : f32 to vector<1x2048xf32>
    %max3A_46 = arith.maximumf %max3A, %sub3A_44 : vector<1x2048xf32>
    %min3A = vector.broadcast %jit3A_45 : f32 to vector<1x2048xf32>
    %min3A_47 = arith.minimumf %min3A, %max3A_46 : vector<1x2048xf32>
    %mul3A_48 = arith.constant 5.000000e-01 : f32
    %mul3A_49 = vector.broadcast %mul3A_48 : f32 to vector<1x2048xf32>
    %mul3A_50 = arith.mulf %mul3A_49, %mul3A_40 : vector<1x2048xf32>
    %sub3A_51 = arith.subf %add3A_36, %mul3A_50 : vector<1x2048xf32>
    %jit3A_52 = arith.constant 0.000000e+00 : f32
    %jit3A_53 = arith.constant 1.000000e+00 : f32
    %max3A_54 = vector.broadcast %jit3A_52 : f32 to vector<1x2048xf32>
    %max3A_55 = arith.maximumf %max3A_54, %sub3A_51 : vector<1x2048xf32>
    %min3A_56 = vector.broadcast %jit3A_53 : f32 to vector<1x2048xf32>
    %min3A_57 = arith.minimumf %min3A_56, %max3A_55 : vector<1x2048xf32>
    %mul3A_58 = arith.constant 5.000000e-01 : f32
    %mul3A_59 = vector.broadcast %mul3A_58 : f32 to vector<1x2048xf32>
    %mul3A_60 = arith.mulf %mul3A_59, %mul3A_38 : vector<1x2048xf32>
    %add3A_61 = arith.addf %add3A_33, %mul3A_60 : vector<1x2048xf32>
    %jit3A_62 = arith.constant 0.000000e+00 : f32
    %jit3A_63 = arith.constant 1.000000e+00 : f32
    %max3A_64 = vector.broadcast %jit3A_62 : f32 to vector<1x2048xf32>
    %max3A_65 = arith.maximumf %max3A_64, %add3A_61 : vector<1x2048xf32>
    %min3A_66 = vector.broadcast %jit3A_63 : f32 to vector<1x2048xf32>
    %min3A_67 = arith.minimumf %min3A_66, %max3A_65 : vector<1x2048xf32>
    %mul3A_68 = arith.constant 5.000000e-01 : f32
    %mul3A_69 = vector.broadcast %mul3A_68 : f32 to vector<1x2048xf32>
    %mul3A_70 = arith.mulf %mul3A_69, %mul3A_40 : vector<1x2048xf32>
    %add3A_71 = arith.addf %add3A_36, %mul3A_70 : vector<1x2048xf32>
    %jit3A_72 = arith.constant 0.000000e+00 : f32
    %jit3A_73 = arith.constant 1.000000e+00 : f32
    %max3A_74 = vector.broadcast %jit3A_72 : f32 to vector<1x2048xf32>
    %max3A_75 = arith.maximumf %max3A_74, %add3A_71 : vector<1x2048xf32>
    %min3A_76 = vector.broadcast %jit3A_73 : f32 to vector<1x2048xf32>
    %min3A_77 = arith.minimumf %min3A_76, %max3A_75 : vector<1x2048xf32>
    %slice3A_78 = vector.extract_strided_slice %get3A_13 {offsets = [0, 2], sizes = [2048, 1], strides = [1, 1]} : vector<2048x4xf32> to vector<2048x1xf32>
    %slice3A_79 = vector.extract_strided_slice %get3A_13 {offsets = [0, 0], sizes = [2048, 1], strides = [1, 1]} : vector<2048x4xf32> to vector<2048x1xf32>
    %sub3A_80 = arith.subf %slice3A_78, %slice3A_79 : vector<2048x1xf32>
    %slice3A_81 = vector.extract_strided_slice %get3A_13 {offsets = [0, 3], sizes = [2048, 1], strides = [1, 1]} : vector<2048x4xf32> to vector<2048x1xf32>
    %slice3A_82 = vector.extract_strided_slice %get3A_13 {offsets = [0, 1], sizes = [2048, 1], strides = [1, 1]} : vector<2048x4xf32> to vector<2048x1xf32>
    %sub3A_83 = arith.subf %slice3A_81, %slice3A_82 : vector<2048x1xf32>
    %slice3A_84 = vector.extract_strided_slice %get3A_13 {offsets = [0, 0], sizes = [2048, 1], strides = [1, 1]} : vector<2048x4xf32> to vector<2048x1xf32>
    %mul3A_85 = arith.constant 5.000000e-01 : f32
    %mul3A_86 = vector.broadcast %mul3A_85 : f32 to vector<2048x1xf32>
    %mul3A_87 = arith.mulf %mul3A_86, %sub3A_80 : vector<2048x1xf32>
    %add3A_88 = arith.addf %slice3A_84, %mul3A_87 : vector<2048x1xf32>
    %slice3A_89 = vector.extract_strided_slice %get3A_13 {offsets = [0, 1], sizes = [2048, 1], strides = [1, 1]} : vector<2048x4xf32> to vector<2048x1xf32>
    %mul3A_90 = arith.constant 5.000000e-01 : f32
    %mul3A_91 = vector.broadcast %mul3A_90 : f32 to vector<2048x1xf32>
    %mul3A_92 = arith.mulf %mul3A_91, %sub3A_83 : vector<2048x1xf32>
    %add3A_93 = arith.addf %slice3A_89, %mul3A_92 : vector<2048x1xf32>
    %slice3A_94 = vector.extract_strided_slice %get3A_18 {offsets = [0, 0], sizes = [2048, 1], strides = [1, 1]} : vector<2048x4xf32> to vector<2048x1xf32>
    %mul3A_95 = arith.mulf %slice3A_94, %sub3A_80 : vector<2048x1xf32>
    %add3A_96 = arith.addf %mul3A_95, %add3A_88 : vector<2048x1xf32>
    %slice3A_97 = vector.extract_strided_slice %get3A_18 {offsets = [0, 1], sizes = [2048, 1], strides = [1, 1]} : vector<2048x4xf32> to vector<2048x1xf32>
    %mul3A_98 = arith.mulf %slice3A_97, %sub3A_83 : vector<2048x1xf32>
    %add3A_99 = arith.addf %mul3A_98, %add3A_93 : vector<2048x1xf32>
    %slice3A_100 = vector.extract_strided_slice %get3A_18 {offsets = [0, 2], sizes = [2048, 1], strides = [1, 1]} : vector<2048x4xf32> to vector<2048x1xf32>
    %mul3A_101 = arith.mulf %slice3A_100, %sub3A_80 : vector<2048x1xf32>
    %slice3A_102 = vector.extract_strided_slice %get3A_18 {offsets = [0, 3], sizes = [2048, 1], strides = [1, 1]} : vector<2048x4xf32> to vector<2048x1xf32>
    %mul3A_103 = arith.mulf %slice3A_102, %sub3A_83 : vector<2048x1xf32>
    %mul3A_104 = arith.constant 5.000000e-01 : f32
    %mul3A_105 = vector.broadcast %mul3A_104 : f32 to vector<2048x1xf32>
    %mul3A_106 = arith.mulf %mul3A_105, %mul3A_101 : vector<2048x1xf32>
    %sub3A_107 = arith.subf %add3A_96, %mul3A_106 : vector<2048x1xf32>
    %jit3A_108 = arith.constant 0.000000e+00 : f32
    %jit3A_109 = arith.constant 1.000000e+00 : f32
    %max3A_110 = vector.broadcast %jit3A_108 : f32 to vector<2048x1xf32>
    %max3A_111 = arith.maximumf %max3A_110, %sub3A_107 : vector<2048x1xf32>
    %min3A_112 = vector.broadcast %jit3A_109 : f32 to vector<2048x1xf32>
    %min3A_113 = arith.minimumf %min3A_112, %max3A_111 : vector<2048x1xf32>
    %mul3A_114 = arith.constant 5.000000e-01 : f32
    %mul3A_115 = vector.broadcast %mul3A_114 : f32 to vector<2048x1xf32>
    %mul3A_116 = arith.mulf %mul3A_115, %mul3A_103 : vector<2048x1xf32>
    %sub3A_117 = arith.subf %add3A_99, %mul3A_116 : vector<2048x1xf32>
    %jit3A_118 = arith.constant 0.000000e+00 : f32
    %jit3A_119 = arith.constant 1.000000e+00 : f32
    %max3A_120 = vector.broadcast %jit3A_118 : f32 to vector<2048x1xf32>
    %max3A_121 = arith.maximumf %max3A_120, %sub3A_117 : vector<2048x1xf32>
    %min3A_122 = vector.broadcast %jit3A_119 : f32 to vector<2048x1xf32>
    %min3A_123 = arith.minimumf %min3A_122, %max3A_121 : vector<2048x1xf32>
    %mul3A_124 = arith.constant 5.000000e-01 : f32
    %mul3A_125 = vector.broadcast %mul3A_124 : f32 to vector<2048x1xf32>
    %mul3A_126 = arith.mulf %mul3A_125, %mul3A_101 : vector<2048x1xf32>
    %add3A_127 = arith.addf %add3A_96, %mul3A_126 : vector<2048x1xf32>
    %jit3A_128 = arith.constant 0.000000e+00 : f32
    %jit3A_129 = arith.constant 1.000000e+00 : f32
    %max3A_130 = vector.broadcast %jit3A_128 : f32 to vector<2048x1xf32>
    %max3A_131 = arith.maximumf %max3A_130, %add3A_127 : vector<2048x1xf32>
    %min3A_132 = vector.broadcast %jit3A_129 : f32 to vector<2048x1xf32>
    %min3A_133 = arith.minimumf %min3A_132, %max3A_131 : vector<2048x1xf32>
    %mul3A_134 = arith.constant 5.000000e-01 : f32
    %mul3A_135 = vector.broadcast %mul3A_134 : f32 to vector<2048x1xf32>
    %mul3A_136 = arith.mulf %mul3A_135, %mul3A_103 : vector<2048x1xf32>
    %add3A_137 = arith.addf %add3A_99, %mul3A_136 : vector<2048x1xf32>
    %jit3A_138 = arith.constant 0.000000e+00 : f32
    %jit3A_139 = arith.constant 1.000000e+00 : f32
    %max3A_140 = vector.broadcast %jit3A_138 : f32 to vector<2048x1xf32>
    %max3A_141 = arith.maximumf %max3A_140, %add3A_137 : vector<2048x1xf32>
    %min3A_142 = vector.broadcast %jit3A_139 : f32 to vector<2048x1xf32>
    %min3A_143 = arith.minimumf %min3A_142, %max3A_141 : vector<2048x1xf32>
    %sub3A_144 = arith.subf %min3A_67, %min3A_47 : vector<1x2048xf32>
    %sub3A_145 = arith.subf %min3A_77, %min3A_57 : vector<1x2048xf32>
    %mul3A_146 = arith.mulf %sub3A_144, %sub3A_145 : vector<1x2048xf32>
    %sub3A_147 = arith.subf %min3A_133, %min3A_113 : vector<2048x1xf32>
    %sub3A_148 = arith.subf %min3A_143, %min3A_123 : vector<2048x1xf32>
    %mul3A_149 = arith.mulf %sub3A_147, %sub3A_148 : vector<2048x1xf32>
    %broadcast_in_dim3A = arith.constant 0.000000e+00 : bf16
    %broadcast_in_dim3A_150 = vector.broadcast %broadcast_in_dim3A : bf16 to vector<256x256xbf16>
    %iota3A = tpu.iota {dimensions = array<i32: 0>} : vector<256x256xi32>
    %iota3A_151 = tpu.iota {dimensions = array<i32: 1>} : vector<256x256xi32>
    %slice3A_152 = vector.extract_strided_slice %min3A_133 {offsets = [0, 0], sizes = [256, 1], strides = [1, 1]} : vector<2048x1xf32> to vector<256x1xf32>
    %slice3A_153 = vector.extract_strided_slice %min3A_67 {offsets = [0, 0], sizes = [1, 256], strides = [1, 1]} : vector<1x2048xf32> to vector<1x256xf32>
    %min3A_154 = vector.broadcast %slice3A_152 : vector<256x1xf32> to vector<256x256xf32>
    %min3A_155 = vector.broadcast %slice3A_153 : vector<1x256xf32> to vector<256x256xf32>
    %min3A_156 = arith.minimumf %min3A_154, %min3A_155 : vector<256x256xf32>
    %slice3A_157 = vector.extract_strided_slice %min3A_113 {offsets = [0, 0], sizes = [256, 1], strides = [1, 1]} : vector<2048x1xf32> to vector<256x1xf32>
    %slice3A_158 = vector.extract_strided_slice %min3A_47 {offsets = [0, 0], sizes = [1, 256], strides = [1, 1]} : vector<1x2048xf32> to vector<1x256xf32>
    %max3A_159 = vector.broadcast %slice3A_157 : vector<256x1xf32> to vector<256x256xf32>
    %max3A_160 = vector.broadcast %slice3A_158 : vector<1x256xf32> to vector<256x256xf32>
    %max3A_161 = arith.maximumf %max3A_159, %max3A_160 : vector<256x256xf32>
    %sub3A_162 = arith.subf %min3A_156, %max3A_161 : vector<256x256xf32>
    %max3A_163 = arith.constant 0.000000e+00 : f32
    %max3A_164 = vector.broadcast %max3A_163 : f32 to vector<256x256xf32>
    %max3A_165 = arith.maximumf %sub3A_162, %max3A_164 : vector<256x256xf32>
    %slice3A_166 = vector.extract_strided_slice %min3A_143 {offsets = [0, 0], sizes = [256, 1], strides = [1, 1]} : vector<2048x1xf32> to vector<256x1xf32>
    %slice3A_167 = vector.extract_strided_slice %min3A_77 {offsets = [0, 0], sizes = [1, 256], strides = [1, 1]} : vector<1x2048xf32> to vector<1x256xf32>
    %min3A_168 = vector.broadcast %slice3A_166 : vector<256x1xf32> to vector<256x256xf32>
    %min3A_169 = vector.broadcast %slice3A_167 : vector<1x256xf32> to vector<256x256xf32>
    %min3A_170 = arith.minimumf %min3A_168, %min3A_169 : vector<256x256xf32>
    %slice3A_171 = vector.extract_strided_slice %min3A_123 {offsets = [0, 0], sizes = [256, 1], strides = [1, 1]} : vector<2048x1xf32> to vector<256x1xf32>
    %slice3A_172 = vector.extract_strided_slice %min3A_57 {offsets = [0, 0], sizes = [1, 256], strides = [1, 1]} : vector<1x2048xf32> to vector<1x256xf32>
    %max3A_173 = vector.broadcast %slice3A_171 : vector<256x1xf32> to vector<256x256xf32>
    %max3A_174 = vector.broadcast %slice3A_172 : vector<1x256xf32> to vector<256x256xf32>
    %max3A_175 = arith.maximumf %max3A_173, %max3A_174 : vector<256x256xf32>
    %sub3A_176 = arith.subf %min3A_170, %max3A_175 : vector<256x256xf32>
    %max3A_177 = arith.constant 0.000000e+00 : f32
    %max3A_178 = vector.broadcast %max3A_177 : f32 to vector<256x256xf32>
    %max3A_179 = arith.maximumf %sub3A_176, %max3A_178 : vector<256x256xf32>
    %mul3A_180 = arith.mulf %max3A_165, %max3A_179 : vector<256x256xf32>
    %slice3A_181 = vector.extract_strided_slice %mul3A_149 {offsets = [0, 0], sizes = [256, 1], strides = [1, 1]} : vector<2048x1xf32> to vector<256x1xf32>
    %slice3A_182 = vector.extract_strided_slice %mul3A_146 {offsets = [0, 0], sizes = [1, 256], strides = [1, 1]} : vector<1x2048xf32> to vector<1x256xf32>
    %add3A_183 = vector.broadcast %slice3A_181 : vector<256x1xf32> to vector<256x256xf32>
    %add3A_184 = vector.broadcast %slice3A_182 : vector<1x256xf32> to vector<256x256xf32>
    %add3A_185 = arith.addf %add3A_183, %add3A_184 : vector<256x256xf32>
    %sub3A_186 = arith.subf %add3A_185, %mul3A_180 : vector<256x256xf32>
    %max3A_187 = arith.constant 9.99999993E-9 : f32
    %max3A_188 = vector.broadcast %max3A_187 : f32 to vector<256x256xf32>
    %max3A_189 = arith.maximumf %sub3A_186, %max3A_188 : vector<256x256xf32>
    %div3A = arith.divf %mul3A_180, %max3A_189 : vector<256x256xf32>
    %gt3A = arith.constant 0.699999988 : f32
    %gt3A_190 = vector.broadcast %gt3A : f32 to vector<256x256xf32>
    %gt3A_191 = arith.cmpf ogt, %div3A, %gt3A_190 : vector<256x256xf32>
    %lt3A = arith.cmpi slt, %iota3A, %iota3A_151 : vector<256x256xi32>
    %and3A = arith.andi %gt3A_191, %lt3A : vector<256x256xi1>
    %jit3A_192 = arith.constant 1.000000e+00 : f32
    %jit3A_193 = arith.constant 0.000000e+00 : f32
    %broadcast_in_dim3A_194 = vector.broadcast %jit3A_192 : f32 to vector<256x256xf32>
    %broadcast_in_dim3A_195 = vector.broadcast %jit3A_193 : f32 to vector<256x256xf32>
    %select_n3A = arith.select %and3A, %broadcast_in_dim3A_194, %broadcast_in_dim3A_195 : vector<256x256xi1>, vector<256x256xf32>
    %convert_element_type3A = arith.truncf %select_n3A : vector<256x256xf32> to vector<256x256xbf16>
    %swap3A = arith.constant 0 : index
    %swap3A_196 = arith.constant 0 : index
    %swap3A_197 = vector.load %arg6[%swap3A, %swap3A_196] : memref<2048x2048xbf16, #tpu.memory_space<vmem>>, vector<256x256xbf16>
    tpu.vector_store %arg6[%swap3A, %swap3A_196], %convert_element_type3A {strides = array<i32>} : memref<2048x2048xbf16, #tpu.memory_space<vmem>>, vector<256x256xbf16>,
    %slice3A_198 = vector.extract_strided_slice %min3A_133 {offsets = [0, 0], sizes = [256, 1], strides = [1, 1]} : vector<2048x1xf32> to vector<256x1xf32>
    %slice3A_199 = vector.extract_strided_slice %min3A_67 {offsets = [0, 256], sizes = [1, 256], strides = [1, 1]} : vector<1x2048xf32> to vector<1x256xf32>
    %min3A_200 = vector.broadcast %slice3A_198 : vector<256x1xf32> to vector<256x256xf32>
    %min3A_201 = vector.broadcast %slice3A_199 : vector<1x256xf32> to vector<256x256xf32>
    %min3A_202 = arith.minimumf %min3A_200, %min3A_201 : vector<256x256xf32>
    %slice3A_203 = vector.extract_strided_slice %min3A_113 {offsets = [0, 0], sizes = [256, 1], strides = [1, 1]} : vector<2048x1xf32> to vector<256x1xf32>
    %slice3A_204 = vector.extract_strided_slice %min3A_47 {offsets = [0, 256], sizes = [1, 256], strides = [1, 1]} : vector<1x2048xf32> to vector<1x256xf32>
    %max3A_205 = vector.broadcast %slice3A_203 : vector<256x1xf32> to vector<256x256xf32>
    %max3A_206 = vector.broadcast %slice3A_204 : vector<1x256xf32> to vector<256x256xf32>
    %max3A_207 = arith.maximumf %max3A_205, %max3A_206 : vector<256x256xf32>
    %sub3A_208 = arith.subf %min3A_202, %max3A_207 : vector<256x256xf32>
    %max3A_209 = arith.constant 0.000000e+00 : f32
    %max3A_210 = vector.broadcast %max3A_209 : f32 to vector<256x256xf32>
    %max3A_211 = arith.maximumf %sub3A_208, %max3A_210 : vector<256x256xf32>
    %slice3A_212 = vector.extract_strided_slice %min3A_143 {offsets = [0, 0], sizes = [256, 1], strides = [1, 1]} : vector<2048x1xf32> to vector<256x1xf32>
    %slice3A_213 = vector.extract_strided_slice %min3A_77 {offsets = [0, 256], sizes = [1, 256], strides = [1, 1]} : vector<1x2048xf32> to vector<1x256xf32>
    %min3A_214 = vector.broadcast %slice3A_212 : vector<256x1xf32> to vector<256x256xf32>
    %min3A_215 = vector.broadcast %slice3A_213 : vector<1x256xf32> to vector<256x256xf32>
    %min3A_216 = arith.minimumf %min3A_214, %min3A_215 : vector<256x256xf32>
    %slice3A_217 = vector.extract_strided_slice %min3A_123 {offsets = [0, 0], sizes = [256, 1], strides = [1, 1]} : vector<2048x1xf32> to vector<256x1xf32>
    %slice3A_218 = vector.extract_strided_slice %min3A_57 {offsets = [0, 256], sizes = [1, 256], strides = [1, 1]} : vector<1x2048xf32> to vector<1x256xf32>
    %max3A_219 = vector.broadcast %slice3A_217 : vector<256x1xf32> to vector<256x256xf32>
    %max3A_220 = vector.broadcast %slice3A_218 : vector<1x256xf32> to vector<256x256xf32>
    %max3A_221 = arith.maximumf %max3A_219, %max3A_220 : vector<256x256xf32>
    %sub3A_222 = arith.subf %min3A_216, %max3A_221 : vector<256x256xf32>
    %max3A_223 = arith.constant 0.000000e+00 : f32
    %max3A_224 = vector.broadcast %max3A_223 : f32 to vector<256x256xf32>
    %max3A_225 = arith.maximumf %sub3A_222, %max3A_224 : vector<256x256xf32>
    %mul3A_226 = arith.mulf %max3A_211, %max3A_225 : vector<256x256xf32>
    %slice3A_227 = vector.extract_strided_slice %mul3A_149 {offsets = [0, 0], sizes = [256, 1], strides = [1, 1]} : vector<2048x1xf32> to vector<256x1xf32>
    %slice3A_228 = vector.extract_strided_slice %mul3A_146 {offsets = [0, 256], sizes = [1, 256], strides = [1, 1]} : vector<1x2048xf32> to vector<1x256xf32>
    %add3A_229 = vector.broadcast %slice3A_227 : vector<256x1xf32> to vector<256x256xf32>
    %add3A_230 = vector.broadcast %slice3A_228 : vector<1x256xf32> to vector<256x256xf32>
    %add3A_231 = arith.addf %add3A_229, %add3A_230 : vector<256x256xf32>
    %sub3A_232 = arith.subf %add3A_231, %mul3A_226 : vector<256x256xf32>
    %max3A_233 = arith.constant 9.99999993E-9 : f32
    %max3A_234 = vector.broadcast %max3A_233 : f32 to vector<256x256xf32>
    %max3A_235 = arith.maximumf %sub3A_232, %max3A_234 : vector<256x256xf32>
    %div3A_236 = arith.divf %mul3A_226, %max3A_235 : vector<256x256xf32>
    %gt3A_237 = arith.constant 0.699999988 : f32
    %gt3A_238 = vector.broadcast %gt3A_237 : f32 to vector<256x256xf32>
    %gt3A_239 = arith.cmpf ogt, %div3A_236, %gt3A_238 : vector<256x256xf32>
    %jit3A_240 = arith.constant 1.000000e+00 : f32
    %jit3A_241 = arith.constant 0.000000e+00 : f32
    %broadcast_in_dim3A_242 = vector.broadcast %jit3A_240 : f32 to vector<256x256xf32>
    %broadcast_in_dim3A_243 = vector.broadcast %jit3A_241 : f32 to vector<256x256xf32>
    %select_n3A_244 = arith.select %gt3A_239, %broadcast_in_dim3A_242, %broadcast_in_dim3A_243 : vector<256x256xi1>, vector<256x256xf32>
    %convert_element_type3A_245 = arith.truncf %select_n3A_244 : vector<256x256xf32> to vector<256x256xbf16>
    %swap3A_246 = arith.constant 0 : index
    %swap3A_247 = arith.constant 256 : index
    %swap3A_248 = vector.load %arg6[%swap3A_246, %swap3A_247] : memref<2048x2048xbf16, #tpu.memory_space<vmem>>, vector<256x256xbf16>
    tpu.vector_store %arg6[%swap3A_246, %swap3A_247], %convert_element_type3A_245 {strides = array<i32>} : memref<2048x2048xbf16, #tpu.memory_space<vmem>>, vector<256x256xbf16>,
    %slice3A_249 = vector.extract_strided_slice %min3A_133 {offsets = [0, 0], sizes = [256, 1], strides = [1, 1]} : vector<2048x1xf32> to vector<256x1xf32>
    %slice3A_250 = vector.extract_strided_slice %min3A_67 {offsets = [0, 512], sizes = [1, 256], strides = [1, 1]} : vector<1x2048xf32> to vector<1x256xf32>
    %min3A_251 = vector.broadcast %slice3A_249 : vector<256x1xf32> to vector<256x256xf32>
    %min3A_252 = vector.broadcast %slice3A_250 : vector<1x256xf32> to vector<256x256xf32>
    %min3A_253 = arith.minimumf %min3A_251, %min3A_252 : vector<256x256xf32>
    %slice3A_254 = vector.extract_strided_slice %min3A_113 {offsets = [0, 0], sizes = [256, 1], strides = [1, 1]} : vector<2048x1xf32> to vector<256x1xf32>
    %slice3A_255 = vector.extract_strided_slice %min3A_47 {offsets = [0, 512], sizes = [1, 256], strides = [1, 1]} : vector<1x2048xf32> to vector<1x256xf32>
    %max3A_256 = vector.broadcast %slice3A_254 : vector<256x1xf32> to vector<256x256xf32>
    %max3A_257 = vector.broadcast %slice3A_255 : vector<1x256xf32> to vector<256x256xf32>
    %max3A_258 = arith.maximumf %max3A_256, %max3A_257 : vector<256x256xf32>
    %sub3A_259 = arith.subf %min3A_253, %max3A_258 : vector<256x256xf32>
    %max3A_260 = arith.constant 0.000000e+00 : f32
    %max3A_261 = vector.broadcast %max3A_260 : f32 to vector<256x256xf32>
    %max3A_262 = arith.maximumf %sub3A_259, %max3A_261 : vector<256x256xf32>
    %slice3A_263 = vector.extract_strided_slice %min3A_143 {offsets = [0, 0], sizes = [256, 1], strides = [1, 1]} : vector<2048x1xf32> to vector<256x1xf32>
    %slice3A_264 = vector.extract_strided_slice %min3A_77 {offsets = [0, 512], sizes = [1, 256], strides = [1, 1]} : vector<1x2048xf32> to vector<1x256xf32>
    %min3A_265 = vector.broadcast %slice3A_263 : vector<256x1xf32> to vector<256x256xf32>
    %min3A_266 = vector.broadcast %slice3A_264 : vector<1x256xf32> to vector<256x256xf32>
    %min3A_267 = arith.minimumf %min3A_265, %min3A_266 : vector<256x256xf32>
    %slice3A_268 = vector.extract_strided_slice %min3A_123 {offsets = [0, 0], sizes = [256, 1], strides = [1, 1]} : vector<2048x1xf32> to vector<256x1xf32>
    %slice3A_269 = vector.extract_strided_slice %min3A_57 {offsets = [0, 512], sizes = [1, 256], strides = [1, 1]} : vector<1x2048xf32> to vector<1x256xf32>
    %max3A_270 = vector.broadcast %slice3A_268 : vector<256x1xf32> to vector<256x256xf32>
    %max3A_271 = vector.broadcast %slice3A_269 : vector<1x256xf32> to vector<256x256xf32>
    %max3A_272 = arith.maximumf %max3A_270, %max3A_271 : vector<256x256xf32>
    %sub3A_273 = arith.subf %min3A_267, %max3A_272 : vector<256x256xf32>
    %max3A_274 = arith.constant 0.000000e+00 : f32
    %max3A_275 = vector.broadcast %max3A_274 : f32 to vector<256x256xf32>
    %max3A_276 = arith.maximumf %sub3A_273, %max3A_275 : vector<256x256xf32>
    %mul3A_277 = arith.mulf %max3A_262, %max3A_276 : vector<256x256xf32>
    %slice3A_278 = vector.extract_strided_slice %mul3A_149 {offsets = [0, 0], sizes = [256, 1], strides = [1, 1]} : vector<2048x1xf32> to vector<256x1xf32>
    %slice3A_279 = vector.extract_strided_slice %mul3A_146 {offsets = [0, 512], sizes = [1, 256], strides = [1, 1]} : vector<1x2048xf32> to vector<1x256xf32>
    %add3A_280 = vector.broadcast %slice3A_278 : vector<256x1xf32> to vector<256x256xf32>
    %add3A_281 = vector.broadcast %slice3A_279 : vector<1x256xf32> to vector<256x256xf32>
    %add3A_282 = arith.addf %add3A_280, %add3A_281 : vector<256x256xf32>
    %sub3A_283 = arith.subf %add3A_282, %mul3A_277 : vector<256x256xf32>
    %max3A_284 = arith.constant 9.99999993E-9 : f32
    %max3A_285 = vector.broadcast %max3A_284 : f32 to vector<256x256xf32>
    %max3A_286 = arith.maximumf %sub3A_283, %max3A_285 : vector<256x256xf32>
    %div3A_287 = arith.divf %mul3A_277, %max3A_286 : vector<256x256xf32>
    %gt3A_288 = arith.constant 0.699999988 : f32
    %gt3A_289 = vector.broadcast %gt3A_288 : f32 to vector<256x256xf32>
    %gt3A_290 = arith.cmpf ogt, %div3A_287, %gt3A_289 : vector<256x256xf32>
    %jit3A_291 = arith.constant 1.000000e+00 : f32
    %jit3A_292 = arith.constant 0.000000e+00 : f32
    %broadcast_in_dim3A_293 = vector.broadcast %jit3A_291 : f32 to vector<256x256xf32>
    %broadcast_in_dim3A_294 = vector.broadcast %jit3A_292 : f32 to vector<256x256xf32>
    %select_n3A_295 = arith.select %gt3A_290, %broadcast_in_dim3A_293, %broadcast_in_dim3A_294 : vector<256x256xi1>, vector<256x256xf32>
    %convert_element_type3A_296 = arith.truncf %select_n3A_295 : vector<256x256xf32> to vector<256x256xbf16>
    %swap3A_297 = arith.constant 0 : index
    %swap3A_298 = arith.constant 512 : index
    %swap3A_299 = vector.load %arg6[%swap3A_297, %swap3A_298] : memref<2048x2048xbf16, #tpu.memory_space<vmem>>, vector<256x256xbf16>
    tpu.vector_store %arg6[%swap3A_297, %swap3A_298], %convert_element_type3A_296 {strides = array<i32>} : memref<2048x2048xbf16, #tpu.memory_space<vmem>>, vector<256x256xbf16>,
    %slice3A_300 = vector.extract_strided_slice %min3A_133 {offsets = [0, 0], sizes = [256, 1], strides = [1, 1]} : vector<2048x1xf32> to vector<256x1xf32>
    %slice3A_301 = vector.extract_strided_slice %min3A_67 {offsets = [0, 768], sizes = [1, 256], strides = [1, 1]} : vector<1x2048xf32> to vector<1x256xf32>
    %min3A_302 = vector.broadcast %slice3A_300 : vector<256x1xf32> to vector<256x256xf32>
    %min3A_303 = vector.broadcast %slice3A_301 : vector<1x256xf32> to vector<256x256xf32>
    %min3A_304 = arith.minimumf %min3A_302, %min3A_303 : vector<256x256xf32>
    %slice3A_305 = vector.extract_strided_slice %min3A_113 {offsets = [0, 0], sizes = [256, 1], strides = [1, 1]} : vector<2048x1xf32> to vector<256x1xf32>
    %slice3A_306 = vector.extract_strided_slice %min3A_47 {offsets = [0, 768], sizes = [1, 256], strides = [1, 1]} : vector<1x2048xf32> to vector<1x256xf32>
    %max3A_307 = vector.broadcast %slice3A_305 : vector<256x1xf32> to vector<256x256xf32>
    %max3A_308 = vector.broadcast %slice3A_306 : vector<1x256xf32> to vector<256x256xf32>
    %max3A_309 = arith.maximumf %max3A_307, %max3A_308 : vector<256x256xf32>
    %sub3A_310 = arith.subf %min3A_304, %max3A_309 : vector<256x256xf32>
    %max3A_311 = arith.constant 0.000000e+00 : f32
    %max3A_312 = vector.broadcast %max3A_311 : f32 to vector<256x256xf32>
    %max3A_313 = arith.maximumf %sub3A_310, %max3A_312 : vector<256x256xf32>
    %slice3A_314 = vector.extract_strided_slice %min3A_143 {offsets = [0, 0], sizes = [256, 1], strides = [1, 1]} : vector<2048x1xf32> to vector<256x1xf32>
    %slice3A_315 = vector.extract_strided_slice %min3A_77 {offsets = [0, 768], sizes = [1, 256], strides = [1, 1]} : vector<1x2048xf32> to vector<1x256xf32>
    %min3A_316 = vector.broadcast %slice3A_314 : vector<256x1xf32> to vector<256x256xf32>
    %min3A_317 = vector.broadcast %slice3A_315 : vector<1x256xf32> to vector<256x256xf32>
    %min3A_318 = arith.minimumf %min3A_316, %min3A_317 : vector<256x256xf32>
    %slice3A_319 = vector.extract_strided_slice %min3A_123 {offsets = [0, 0], sizes = [256, 1], strides = [1, 1]} : vector<2048x1xf32> to vector<256x1xf32>
    %slice3A_320 = vector.extract_strided_slice %min3A_57 {offsets = [0, 768], sizes = [1, 256], strides = [1, 1]} : vector<1x2048xf32> to vector<1x256xf32>
    %max3A_321 = vector.broadcast %slice3A_319 : vector<256x1xf32> to vector<256x256xf32>
    %max3A_322 = vector.broadcast %slice3A_320 : vector<1x256xf32> to vector<256x256xf32>
    %max3A_323 = arith.maximumf %max3A_321, %max3A_322 : vector<256x256xf32>
    %sub3A_324 = arith.subf %min3A_318, %max3A_323 : vector<256x256xf32>
    %max3A_325 = arith.constant 0.000000e+00 : f32
    %max3A_326 = vector.broadcast %max3A_325 : f32 to vector<256x256xf32>
    %max3A_327 = arith.maximumf %sub3A_324, %max3A_326 : vector<256x256xf32>
    %mul3A_328 = arith.mulf %max3A_313, %max3A_327 : vector<256x256xf32>
    %slice3A_329 = vector.extract_strided_slice %mul3A_149 {offsets = [0, 0], sizes = [256, 1], strides = [1, 1]} : vector<2048x1xf32> to vector<256x1xf32>
    %slice3A_330 = vector.extract_strided_slice %mul3A_146 {offsets = [0, 768], sizes = [1, 256], strides = [1, 1]} : vector<1x2048xf32> to vector<1x256xf32>
    %add3A_331 = vector.broadcast %slice3A_329 : vector<256x1xf32> to vector<256x256xf32>
    %add3A_332 = vector.broadcast %slice3A_330 : vector<1x256xf32> to vector<256x256xf32>
    %add3A_333 = arith.addf %add3A_331, %add3A_332 : vector<256x256xf32>
    %sub3A_334 = arith.subf %add3A_333, %mul3A_328 : vector<256x256xf32>
    %max3A_335 = arith.constant 9.99999993E-9 : f32
    %max3A_336 = vector.broadcast %max3A_335 : f32 to vector<256x256xf32>
    %max3A_337 = arith.maximumf %sub3A_334, %max3A_336 : vector<256x256xf32>
    %div3A_338 = arith.divf %mul3A_328, %max3A_337 : vector<256x256xf32>
    %gt3A_339 = arith.constant 0.699999988 : f32
    %gt3A_340 = vector.broadcast %gt3A_339 : f32 to vector<256x256xf32>
    %gt3A_341 = arith.cmpf ogt, %div3A_338, %gt3A_340 : vector<256x256xf32>
    %jit3A_342 = arith.constant 1.000000e+00 : f32
    %jit3A_343 = arith.constant 0.000000e+00 : f32
    %broadcast_in_dim3A_344 = vector.broadcast %jit3A_342 : f32 to vector<256x256xf32>
    %broadcast_in_dim3A_345 = vector.broadcast %jit3A_343 : f32 to vector<256x256xf32>
    %select_n3A_346 = arith.select %gt3A_341, %broadcast_in_dim3A_344, %broadcast_in_dim3A_345 : vector<256x256xi1>, vector<256x256xf32>
    %convert_element_type3A_347 = arith.truncf %select_n3A_346 : vector<256x256xf32> to vector<256x256xbf16>
    %swap3A_348 = arith.constant 0 : index
    %swap3A_349 = arith.constant 768 : index
    %swap3A_350 = vector.load %arg6[%swap3A_348, %swap3A_349] : memref<2048x2048xbf16, #tpu.memory_space<vmem>>, vector<256x256xbf16>
    tpu.vector_store %arg6[%swap3A_348, %swap3A_349], %convert_element_type3A_347 {strides = array<i32>} : memref<2048x2048xbf16, #tpu.memory_space<vmem>>, vector<256x256xbf16>,
    %slice3A_351 = vector.extract_strided_slice %min3A_133 {offsets = [0, 0], sizes = [256, 1], strides = [1, 1]} : vector<2048x1xf32> to vector<256x1xf32>
    %slice3A_352 = vector.extract_strided_slice %min3A_67 {offsets = [0, 1024], sizes = [1, 256], strides = [1, 1]} : vector<1x2048xf32> to vector<1x256xf32>
    %min3A_353 = vector.broadcast %slice3A_351 : vector<256x1xf32> to vector<256x256xf32>
    %min3A_354 = vector.broadcast %slice3A_352 : vector<1x256xf32> to vector<256x256xf32>
    %min3A_355 = arith.minimumf %min3A_353, %min3A_354 : vector<256x256xf32>
    %slice3A_356 = vector.extract_strided_slice %min3A_113 {offsets = [0, 0], sizes = [256, 1], strides = [1, 1]} : vector<2048x1xf32> to vector<256x1xf32>
    %slice3A_357 = vector.extract_strided_slice %min3A_47 {offsets = [0, 1024], sizes = [1, 256], strides = [1, 1]} : vector<1x2048xf32> to vector<1x256xf32>
    %max3A_358 = vector.broadcast %slice3A_356 : vector<256x1xf32> to vector<256x256xf32>
    %max3A_359 = vector.broadcast %slice3A_357 : vector<1x256xf32> to vector<256x256xf32>
    %max3A_360 = arith.maximumf %max3A_358, %max3A_359 : vector<256x256xf32>
    %sub3A_361 = arith.subf %min3A_355, %max3A_360 : vector<256x256xf32>
    %max3A_362 = arith.constant 0.000000e+00 : f32
    %max3A_363 = vector.broadcast %max3A_362 : f32 to vector<256x256xf32>
    %max3A_364 = arith.maximumf %sub3A_361, %max3A_363 : vector<256x256xf32>
    %slice3A_365 = vector.extract_strided_slice %min3A_143 {offsets = [0, 0], sizes = [256, 1], strides = [1, 1]} : vector<2048x1xf32> to vector<256x1xf32>
    %slice3A_366 = vector.extract_strided_slice %min3A_77 {offsets = [0, 1024], sizes = [1, 256], strides = [1, 1]} : vector<1x2048xf32> to vector<1x256xf32>
    %min3A_367 = vector.broadcast %slice3A_365 : vector<256x1xf32> to vector<256x256xf32>
    %min3A_368 = vector.broadcast %slice3A_366 : vector<1x256xf32> to vector<256x256xf32>
    %min3A_369 = arith.minimumf %min3A_367, %min3A_368 : vector<256x256xf32>
    %slice3A_370 = vector.extract_strided_slice %min3A_123 {offsets = [0, 0], sizes = [256, 1], strides = [1, 1]} : vector<2048x1xf32> to vector<256x1xf32>
    %slice3A_371 = vector.extract_strided_slice %min3A_57 {offsets = [0, 1024], sizes = [1, 256], strides = [1, 1]} : vector<1x2048xf32> to vector<1x256xf32>
    %max3A_372 = vector.broadcast %slice3A_370 : vector<256x1xf32> to vector<256x256xf32>
    %max3A_373 = vector.broadcast %slice3A_371 : vector<1x256xf32> to vector<256x256xf32>
    %max3A_374 = arith.maximumf %max3A_372, %max3A_373 : vector<256x256xf32>
    %sub3A_375 = arith.subf %min3A_369, %max3A_374 : vector<256x256xf32>
    %max3A_376 = arith.constant 0.000000e+00 : f32
    %max3A_377 = vector.broadcast %max3A_376 : f32 to vector<256x256xf32>
    %max3A_378 = arith.maximumf %sub3A_375, %max3A_377 : vector<256x256xf32>
    %mul3A_379 = arith.mulf %max3A_364, %max3A_378 : vector<256x256xf32>
    %slice3A_380 = vector.extract_strided_slice %mul3A_149 {offsets = [0, 0], sizes = [256, 1], strides = [1, 1]} : vector<2048x1xf32> to vector<256x1xf32>
    %slice3A_381 = vector.extract_strided_slice %mul3A_146 {offsets = [0, 1024], sizes = [1, 256], strides = [1, 1]} : vector<1x2048xf32> to vector<1x256xf32>
    %add3A_382 = vector.broadcast %slice3A_380 : vector<256x1xf32> to vector<256x256xf32>
    %add3A_383 = vector.broadcast %slice3A_381 : vector<1x256xf32> to vector<256x256xf32>
    %add3A_384 = arith.addf %add3A_382, %add3A_383 : vector<256x256xf32>
    %sub3A_385 = arith.subf %add3A_384, %mul3A_379 : vector<256x256xf32>
    %max3A_386 = arith.constant 9.99999993E-9 : f32
    %max3A_387 = vector.broadcast %max3A_386 : f32 to vector<256x256xf32>
    %max3A_388 = arith.maximumf %sub3A_385, %max3A_387 : vector<256x256xf32>
    %div3A_389 = arith.divf %mul3A_379, %max3A_388 : vector<256x256xf32>
    %gt3A_390 = arith.constant 0.699999988 : f32
    %gt3A_391 = vector.broadcast %gt3A_390 : f32 to vector<256x256xf32>
    %gt3A_392 = arith.cmpf ogt, %div3A_389, %gt3A_391 : vector<256x256xf32>
    %jit3A_393 = arith.constant 1.000000e+00 : f32
    %jit3A_394 = arith.constant 0.000000e+00 : f32
    %broadcast_in_dim3A_395 = vector.broadcast %jit3A_393 : f32 to vector<256x256xf32>
    %broadcast_in_dim3A_396 = vector.broadcast %jit3A_394 : f32 to vector<256x256xf32>
    %select_n3A_397 = arith.select %gt3A_392, %broadcast_in_dim3A_395, %broadcast_in_dim3A_396 : vector<256x256xi1>, vector<256x256xf32>
    %convert_element_type3A_398 = arith.truncf %select_n3A_397 : vector<256x256xf32> to vector<256x256xbf16>
    %swap3A_399 = arith.constant 0 : index
    %swap3A_400 = arith.constant 1024 : index
    %swap3A_401 = vector.load %arg6[%swap3A_399, %swap3A_400] : memref<2048x2048xbf16, #tpu.memory_space<vmem>>, vector<256x256xbf16>
    tpu.vector_store %arg6[%swap3A_399, %swap3A_400], %convert_element_type3A_398 {strides = array<i32>} : memref<2048x2048xbf16, #tpu.memory_space<vmem>>, vector<256x256xbf16>,
    %slice3A_402 = vector.extract_strided_slice %min3A_133 {offsets = [0, 0], sizes = [256, 1], strides = [1, 1]} : vector<2048x1xf32> to vector<256x1xf32>
    %slice3A_403 = vector.extract_strided_slice %min3A_67 {offsets = [0, 1280], sizes = [1, 256], strides = [1, 1]} : vector<1x2048xf32> to vector<1x256xf32>
    %min3A_404 = vector.broadcast %slice3A_402 : vector<256x1xf32> to vector<256x256xf32>
    %min3A_405 = vector.broadcast %slice3A_403 : vector<1x256xf32> to vector<256x256xf32>
    %min3A_406 = arith.minimumf %min3A_404, %min3A_405 : vector<256x256xf32>
    %slice3A_407 = vector.extract_strided_slice %min3A_113 {offsets = [0, 0], sizes = [256, 1], strides = [1, 1]} : vector<2048x1xf32> to vector<256x1xf32>
    %slice3A_408 = vector.extract_strided_slice %min3A_47 {offsets = [0, 1280], sizes = [1, 256], strides = [1, 1]} : vector<1x2048xf32> to vector<1x256xf32>
    %max3A_409 = vector.broadcast %slice3A_407 : vector<256x1xf32> to vector<256x256xf32>
    %max3A_410 = vector.broadcast %slice3A_408 : vector<1x256xf32> to vector<256x256xf32>
    %max3A_411 = arith.maximumf %max3A_409, %max3A_410 : vector<256x256xf32>
    %sub3A_412 = arith.subf %min3A_406, %max3A_411 : vector<256x256xf32>
    %max3A_413 = arith.constant 0.000000e+00 : f32
    %max3A_414 = vector.broadcast %max3A_413 : f32 to vector<256x256xf32>
    %max3A_415 = arith.maximumf %sub3A_412, %max3A_414 : vector<256x256xf32>
    %slice3A_416 = vector.extract_strided_slice %min3A_143 {offsets = [0, 0], sizes = [256, 1], strides = [1, 1]} : vector<2048x1xf32> to vector<256x1xf32>
    %slice3A_417 = vector.extract_strided_slice %min3A_77 {offsets = [0, 1280], sizes = [1, 256], strides = [1, 1]} : vector<1x2048xf32> to vector<1x256xf32>
    %min3A_418 = vector.broadcast %slice3A_416 : vector<256x1xf32> to vector<256x256xf32>
    %min3A_419 = vector.broadcast %slice3A_417 : vector<1x256xf32> to vector<256x256xf32>
    %min3A_420 = arith.minimumf %min3A_418, %min3A_419 : vector<256x256xf32>
    %slice3A_421 = vector.extract_strided_slice %min3A_123 {offsets = [0, 0], sizes = [256, 1], strides = [1, 1]} : vector<2048x1xf32> to vector<256x1xf32>
    %slice3A_422 = vector.extract_strided_slice %min3A_57 {offsets = [0, 1280], sizes = [1, 256], strides = [1, 1]} : vector<1x2048xf32> to vector<1x256xf32>
    %max3A_423 = vector.broadcast %slice3A_421 : vector<256x1xf32> to vector<256x256xf32>
    %max3A_424 = vector.broadcast %slice3A_422 : vector<1x256xf32> to vector<256x256xf32>
    %max3A_425 = arith.maximumf %max3A_423, %max3A_424 : vector<256x256xf32>
    %sub3A_426 = arith.subf %min3A_420, %max3A_425 : vector<256x256xf32>
    %max3A_427 = arith.constant 0.000000e+00 : f32
    %max3A_428 = vector.broadcast %max3A_427 : f32 to vector<256x256xf32>
    %max3A_429 = arith.maximumf %sub3A_426, %max3A_428 : vector<256x256xf32>
    %mul3A_430 = arith.mulf %max3A_415, %max3A_429 : vector<256x256xf32>
    %slice3A_431 = vector.extract_strided_slice %mul3A_149 {offsets = [0, 0], sizes = [256, 1], strides = [1, 1]} : vector<2048x1xf32> to vector<256x1xf32>
    %slice3A_432 = vector.extract_strided_slice %mul3A_146 {offsets = [0, 1280], sizes = [1, 256], strides = [1, 1]} : vector<1x2048xf32> to vector<1x256xf32>
    %add3A_433 = vector.broadcast %slice3A_431 : vector<256x1xf32> to vector<256x256xf32>
    %add3A_434 = vector.broadcast %slice3A_432 : vector<1x256xf32> to vector<256x256xf32>
    %add3A_435 = arith.addf %add3A_433, %add3A_434 : vector<256x256xf32>
    %sub3A_436 = arith.subf %add3A_435, %mul3A_430 : vector<256x256xf32>
    %max3A_437 = arith.constant 9.99999993E-9 : f32
    %max3A_438 = vector.broadcast %max3A_437 : f32 to vector<256x256xf32>
    %max3A_439 = arith.maximumf %sub3A_436, %max3A_438 : vector<256x256xf32>
    %div3A_440 = arith.divf %mul3A_430, %max3A_439 : vector<256x256xf32>
    %gt3A_441 = arith.constant 0.699999988 : f32
    %gt3A_442 = vector.broadcast %gt3A_441 : f32 to vector<256x256xf32>
    %gt3A_443 = arith.cmpf ogt, %div3A_440, %gt3A_442 : vector<256x256xf32>
    %jit3A_444 = arith.constant 1.000000e+00 : f32
    %jit3A_445 = arith.constant 0.000000e+00 : f32
    %broadcast_in_dim3A_446 = vector.broadcast %jit3A_444 : f32 to vector<256x256xf32>
    %broadcast_in_dim3A_447 = vector.broadcast %jit3A_445 : f32 to vector<256x256xf32>
    %select_n3A_448 = arith.select %gt3A_443, %broadcast_in_dim3A_446, %broadcast_in_dim3A_447 : vector<256x256xi1>, vector<256x256xf32>
    %convert_element_type3A_449 = arith.truncf %select_n3A_448 : vector<256x256xf32> to vector<256x256xbf16>
    %swap3A_450 = arith.constant 0 : index
    %swap3A_451 = arith.constant 1280 : index
    %swap3A_452 = vector.load %arg6[%swap3A_450, %swap3A_451] : memref<2048x2048xbf16, #tpu.memory_space<vmem>>, vector<256x256xbf16>
    tpu.vector_store %arg6[%swap3A_450, %swap3A_451], %convert_element_type3A_449 {strides = array<i32>} : memref<2048x2048xbf16, #tpu.memory_space<vmem>>, vector<256x256xbf16>,
    %slice3A_453 = vector.extract_strided_slice %min3A_133 {offsets = [0, 0], sizes = [256, 1], strides = [1, 1]} : vector<2048x1xf32> to vector<256x1xf32>
    %slice3A_454 = vector.extract_strided_slice %min3A_67 {offsets = [0, 1536], sizes = [1, 256], strides = [1, 1]} : vector<1x2048xf32> to vector<1x256xf32>
    %min3A_455 = vector.broadcast %slice3A_453 : vector<256x1xf32> to vector<256x256xf32>
    %min3A_456 = vector.broadcast %slice3A_454 : vector<1x256xf32> to vector<256x256xf32>
    %min3A_457 = arith.minimumf %min3A_455, %min3A_456 : vector<256x256xf32>
    %slice3A_458 = vector.extract_strided_slice %min3A_113 {offsets = [0, 0], sizes = [256, 1], strides = [1, 1]} : vector<2048x1xf32> to vector<256x1xf32>
    %slice3A_459 = vector.extract_strided_slice %min3A_47 {offsets = [0, 1536], sizes = [1, 256], strides = [1, 1]} : vector<1x2048xf32> to vector<1x256xf32>
    %max3A_460 = vector.broadcast %slice3A_458 : vector<256x1xf32> to vector<256x256xf32>
    %max3A_461 = vector.broadcast %slice3A_459 : vector<1x256xf32> to vector<256x256xf32>
    %max3A_462 = arith.maximumf %max3A_460, %max3A_461 : vector<256x256xf32>
    %sub3A_463 = arith.subf %min3A_457, %max3A_462 : vector<256x256xf32>
    %max3A_464 = arith.constant 0.000000e+00 : f32
    %max3A_465 = vector.broadcast %max3A_464 : f32 to vector<256x256xf32>
    %max3A_466 = arith.maximumf %sub3A_463, %max3A_465 : vector<256x256xf32>
    %slice3A_467 = vector.extract_strided_slice %min3A_143 {offsets = [0, 0], sizes = [256, 1], strides = [1, 1]} : vector<2048x1xf32> to vector<256x1xf32>
    %slice3A_468 = vector.extract_strided_slice %min3A_77 {offsets = [0, 1536], sizes = [1, 256], strides = [1, 1]} : vector<1x2048xf32> to vector<1x256xf32>
    %min3A_469 = vector.broadcast %slice3A_467 : vector<256x1xf32> to vector<256x256xf32>
    %min3A_470 = vector.broadcast %slice3A_468 : vector<1x256xf32> to vector<256x256xf32>
    %min3A_471 = arith.minimumf %min3A_469, %min3A_470 : vector<256x256xf32>
    %slice3A_472 = vector.extract_strided_slice %min3A_123 {offsets = [0, 0], sizes = [256, 1], strides = [1, 1]} : vector<2048x1xf32> to vector<256x1xf32>
    %slice3A_473 = vector.extract_strided_slice %min3A_57 {offsets = [0, 1536], sizes = [1, 256], strides = [1, 1]} : vector<1x2048xf32> to vector<1x256xf32>
    %max3A_474 = vector.broadcast %slice3A_472 : vector<256x1xf32> to vector<256x256xf32>
    %max3A_475 = vector.broadcast %slice3A_473 : vector<1x256xf32> to vector<256x256xf32>
    %max3A_476 = arith.maximumf %max3A_474, %max3A_475 : vector<256x256xf32>
    %sub3A_477 = arith.subf %min3A_471, %max3A_476 : vector<256x256xf32>
    %max3A_478 = arith.constant 0.000000e+00 : f32
    %max3A_479 = vector.broadcast %max3A_478 : f32 to vector<256x256xf32>
    %max3A_480 = arith.maximumf %sub3A_477, %max3A_479 : vector<256x256xf32>
    %mul3A_481 = arith.mulf %max3A_466, %max3A_480 : vector<256x256xf32>
    %slice3A_482 = vector.extract_strided_slice %mul3A_149 {offsets = [0, 0], sizes = [256, 1], strides = [1, 1]} : vector<2048x1xf32> to vector<256x1xf32>
    %slice3A_483 = vector.extract_strided_slice %mul3A_146 {offsets = [0, 1536], sizes = [1, 256], strides = [1, 1]} : vector<1x2048xf32> to vector<1x256xf32>
    %add3A_484 = vector.broadcast %slice3A_482 : vector<256x1xf32> to vector<256x256xf32>
    %add3A_485 = vector.broadcast %slice3A_483 : vector<1x256xf32> to vector<256x256xf32>
    %add3A_486 = arith.addf %add3A_484, %add3A_485 : vector<256x256xf32>
    %sub3A_487 = arith.subf %add3A_486, %mul3A_481 : vector<256x256xf32>
    %max3A_488 = arith.constant 9.99999993E-9 : f32
    %max3A_489 = vector.broadcast %max3A_488 : f32 to vector<256x256xf32>
    %max3A_490 = arith.maximumf %sub3A_487, %max3A_489 : vector<256x256xf32>
    %div3A_491 = arith.divf %mul3A_481, %max3A_490 : vector<256x256xf32>
    %gt3A_492 = arith.constant 0.699999988 : f32
    %gt3A_493 = vector.broadcast %gt3A_492 : f32 to vector<256x256xf32>
    %gt3A_494 = arith.cmpf ogt, %div3A_491, %gt3A_493 : vector<256x256xf32>
    %jit3A_495 = arith.constant 1.000000e+00 : f32
    %jit3A_496 = arith.constant 0.000000e+00 : f32
    %broadcast_in_dim3A_497 = vector.broadcast %jit3A_495 : f32 to vector<256x256xf32>
    %broadcast_in_dim3A_498 = vector.broadcast %jit3A_496 : f32 to vector<256x256xf32>
    %select_n3A_499 = arith.select %gt3A_494, %broadcast_in_dim3A_497, %broadcast_in_dim3A_498 : vector<256x256xi1>, vector<256x256xf32>
    %convert_element_type3A_500 = arith.truncf %select_n3A_499 : vector<256x256xf32> to vector<256x256xbf16>
    %swap3A_501 = arith.constant 0 : index
    %swap3A_502 = arith.constant 1536 : index
    %swap3A_503 = vector.load %arg6[%swap3A_501, %swap3A_502] : memref<2048x2048xbf16, #tpu.memory_space<vmem>>, vector<256x256xbf16>
    tpu.vector_store %arg6[%swap3A_501, %swap3A_502], %convert_element_type3A_500 {strides = array<i32>} : memref<2048x2048xbf16, #tpu.memory_space<vmem>>, vector<256x256xbf16>,
    %slice3A_504 = vector.extract_strided_slice %min3A_133 {offsets = [0, 0], sizes = [256, 1], strides = [1, 1]} : vector<2048x1xf32> to vector<256x1xf32>
    %slice3A_505 = vector.extract_strided_slice %min3A_67 {offsets = [0, 1792], sizes = [1, 256], strides = [1, 1]} : vector<1x2048xf32> to vector<1x256xf32>
    %min3A_506 = vector.broadcast %slice3A_504 : vector<256x1xf32> to vector<256x256xf32>
    %min3A_507 = vector.broadcast %slice3A_505 : vector<1x256xf32> to vector<256x256xf32>
    %min3A_508 = arith.minimumf %min3A_506, %min3A_507 : vector<256x256xf32>
    %slice3A_509 = vector.extract_strided_slice %min3A_113 {offsets = [0, 0], sizes = [256, 1], strides = [1, 1]} : vector<2048x1xf32> to vector<256x1xf32>
    %slice3A_510 = vector.extract_strided_slice %min3A_47 {offsets = [0, 1792], sizes = [1, 256], strides = [1, 1]} : vector<1x2048xf32> to vector<1x256xf32>
    %max3A_511 = vector.broadcast %slice3A_509 : vector<256x1xf32> to vector<256x256xf32>
    %max3A_512 = vector.broadcast %slice3A_510 : vector<1x256xf32> to vector<256x256xf32>
    %max3A_513 = arith.maximumf %max3A_511, %max3A_512 : vector<256x256xf32>
    %sub3A_514 = arith.subf %min3A_508, %max3A_513 : vector<256x256xf32>
    %max3A_515 = arith.constant 0.000000e+00 : f32
    %max3A_516 = vector.broadcast %max3A_515 : f32 to vector<256x256xf32>
    %max3A_517 = arith.maximumf %sub3A_514, %max3A_516 : vector<256x256xf32>
    %slice3A_518 = vector.extract_strided_slice %min3A_143 {offsets = [0, 0], sizes = [256, 1], strides = [1, 1]} : vector<2048x1xf32> to vector<256x1xf32>
    %slice3A_519 = vector.extract_strided_slice %min3A_77 {offsets = [0, 1792], sizes = [1, 256], strides = [1, 1]} : vector<1x2048xf32> to vector<1x256xf32>
    %min3A_520 = vector.broadcast %slice3A_518 : vector<256x1xf32> to vector<256x256xf32>
    %min3A_521 = vector.broadcast %slice3A_519 : vector<1x256xf32> to vector<256x256xf32>
    %min3A_522 = arith.minimumf %min3A_520, %min3A_521 : vector<256x256xf32>
    %slice3A_523 = vector.extract_strided_slice %min3A_123 {offsets = [0, 0], sizes = [256, 1], strides = [1, 1]} : vector<2048x1xf32> to vector<256x1xf32>
    %slice3A_524 = vector.extract_strided_slice %min3A_57 {offsets = [0, 1792], sizes = [1, 256], strides = [1, 1]} : vector<1x2048xf32> to vector<1x256xf32>
    %max3A_525 = vector.broadcast %slice3A_523 : vector<256x1xf32> to vector<256x256xf32>
    %max3A_526 = vector.broadcast %slice3A_524 : vector<1x256xf32> to vector<256x256xf32>
    %max3A_527 = arith.maximumf %max3A_525, %max3A_526 : vector<256x256xf32>
    %sub3A_528 = arith.subf %min3A_522, %max3A_527 : vector<256x256xf32>
    %max3A_529 = arith.constant 0.000000e+00 : f32
    %max3A_530 = vector.broadcast %max3A_529 : f32 to vector<256x256xf32>
    %max3A_531 = arith.maximumf %sub3A_528, %max3A_530 : vector<256x256xf32>
    %mul3A_532 = arith.mulf %max3A_517, %max3A_531 : vector<256x256xf32>
    %slice3A_533 = vector.extract_strided_slice %mul3A_149 {offsets = [0, 0], sizes = [256, 1], strides = [1, 1]} : vector<2048x1xf32> to vector<256x1xf32>
    %slice3A_534 = vector.extract_strided_slice %mul3A_146 {offsets = [0, 1792], sizes = [1, 256], strides = [1, 1]} : vector<1x2048xf32> to vector<1x256xf32>
    %add3A_535 = vector.broadcast %slice3A_533 : vector<256x1xf32> to vector<256x256xf32>
    %add3A_536 = vector.broadcast %slice3A_534 : vector<1x256xf32> to vector<256x256xf32>
    %add3A_537 = arith.addf %add3A_535, %add3A_536 : vector<256x256xf32>
    %sub3A_538 = arith.subf %add3A_537, %mul3A_532 : vector<256x256xf32>
    %max3A_539 = arith.constant 9.99999993E-9 : f32
    %max3A_540 = vector.broadcast %max3A_539 : f32 to vector<256x256xf32>
    %max3A_541 = arith.maximumf %sub3A_538, %max3A_540 : vector<256x256xf32>
    %div3A_542 = arith.divf %mul3A_532, %max3A_541 : vector<256x256xf32>
    %gt3A_543 = arith.constant 0.699999988 : f32
    %gt3A_544 = vector.broadcast %gt3A_543 : f32 to vector<256x256xf32>
    %gt3A_545 = arith.cmpf ogt, %div3A_542, %gt3A_544 : vector<256x256xf32>
    %jit3A_546 = arith.constant 1.000000e+00 : f32
    %jit3A_547 = arith.constant 0.000000e+00 : f32
    %broadcast_in_dim3A_548 = vector.broadcast %jit3A_546 : f32 to vector<256x256xf32>
    %broadcast_in_dim3A_549 = vector.broadcast %jit3A_547 : f32 to vector<256x256xf32>
    %select_n3A_550 = arith.select %gt3A_545, %broadcast_in_dim3A_548, %broadcast_in_dim3A_549 : vector<256x256xi1>, vector<256x256xf32>
    %convert_element_type3A_551 = arith.truncf %select_n3A_550 : vector<256x256xf32> to vector<256x256xbf16>
    %swap3A_552 = arith.constant 0 : index
    %swap3A_553 = arith.constant 1792 : index
    %swap3A_554 = vector.load %arg6[%swap3A_552, %swap3A_553] : memref<2048x2048xbf16, #tpu.memory_space<vmem>>, vector<256x256xbf16>
    tpu.vector_store %arg6[%swap3A_552, %swap3A_553], %convert_element_type3A_551 {strides = array<i32>} : memref<2048x2048xbf16, #tpu.memory_space<vmem>>, vector<256x256xbf16>,
    %swap3A_555 = arith.constant 256 : index
    %swap3A_556 = arith.constant 0 : index
    %swap3A_557 = vector.load %arg6[%swap3A_555, %swap3A_556] : memref<2048x2048xbf16, #tpu.memory_space<vmem>>, vector<256x256xbf16>
    tpu.vector_store %arg6[%swap3A_555, %swap3A_556], %broadcast_in_dim3A_150 {strides = array<i32>} : memref<2048x2048xbf16, #tpu.memory_space<vmem>>, vector<256x256xbf16>,
    %slice3A_558 = vector.extract_strided_slice %min3A_133 {offsets = [256, 0], sizes = [256, 1], strides = [1, 1]} : vector<2048x1xf32> to vector<256x1xf32>
    %slice3A_559 = vector.extract_strided_slice %min3A_67 {offsets = [0, 256], sizes = [1, 256], strides = [1, 1]} : vector<1x2048xf32> to vector<1x256xf32>
    %min3A_560 = vector.broadcast %slice3A_558 : vector<256x1xf32> to vector<256x256xf32>
    %min3A_561 = vector.broadcast %slice3A_559 : vector<1x256xf32> to vector<256x256xf32>
    %min3A_562 = arith.minimumf %min3A_560, %min3A_561 : vector<256x256xf32>
    %slice3A_563 = vector.extract_strided_slice %min3A_113 {offsets = [256, 0], sizes = [256, 1], strides = [1, 1]} : vector<2048x1xf32> to vector<256x1xf32>
    %slice3A_564 = vector.extract_strided_slice %min3A_47 {offsets = [0, 256], sizes = [1, 256], strides = [1, 1]} : vector<1x2048xf32> to vector<1x256xf32>
    %max3A_565 = vector.broadcast %slice3A_563 : vector<256x1xf32> to vector<256x256xf32>
    %max3A_566 = vector.broadcast %slice3A_564 : vector<1x256xf32> to vector<256x256xf32>
    %max3A_567 = arith.maximumf %max3A_565, %max3A_566 : vector<256x256xf32>
    %sub3A_568 = arith.subf %min3A_562, %max3A_567 : vector<256x256xf32>
    %max3A_569 = arith.constant 0.000000e+00 : f32
    %max3A_570 = vector.broadcast %max3A_569 : f32 to vector<256x256xf32>
    %max3A_571 = arith.maximumf %sub3A_568, %max3A_570 : vector<256x256xf32>
    %slice3A_572 = vector.extract_strided_slice %min3A_143 {offsets = [256, 0], sizes = [256, 1], strides = [1, 1]} : vector<2048x1xf32> to vector<256x1xf32>
    %slice3A_573 = vector.extract_strided_slice %min3A_77 {offsets = [0, 256], sizes = [1, 256], strides = [1, 1]} : vector<1x2048xf32> to vector<1x256xf32>
    %min3A_574 = vector.broadcast %slice3A_572 : vector<256x1xf32> to vector<256x256xf32>
    %min3A_575 = vector.broadcast %slice3A_573 : vector<1x256xf32> to vector<256x256xf32>
    %min3A_576 = arith.minimumf %min3A_574, %min3A_575 : vector<256x256xf32>
    %slice3A_577 = vector.extract_strided_slice %min3A_123 {offsets = [256, 0], sizes = [256, 1], strides = [1, 1]} : vector<2048x1xf32> to vector<256x1xf32>
    %slice3A_578 = vector.extract_strided_slice %min3A_57 {offsets = [0, 256], sizes = [1, 256], strides = [1, 1]} : vector<1x2048xf32> to vector<1x256xf32>
    %max3A_579 = vector.broadcast %slice3A_577 : vector<256x1xf32> to vector<256x256xf32>
    %max3A_580 = vector.broadcast %slice3A_578 : vector<1x256xf32> to vector<256x256xf32>
    %max3A_581 = arith.maximumf %max3A_579, %max3A_580 : vector<256x256xf32>
    %sub3A_582 = arith.subf %min3A_576, %max3A_581 : vector<256x256xf32>
    %max3A_583 = arith.constant 0.000000e+00 : f32
    %max3A_584 = vector.broadcast %max3A_583 : f32 to vector<256x256xf32>
    %max3A_585 = arith.maximumf %sub3A_582, %max3A_584 : vector<256x256xf32>
    %mul3A_586 = arith.mulf %max3A_571, %max3A_585 : vector<256x256xf32>
    %slice3A_587 = vector.extract_strided_slice %mul3A_149 {offsets = [256, 0], sizes = [256, 1], strides = [1, 1]} : vector<2048x1xf32> to vector<256x1xf32>
    %slice3A_588 = vector.extract_strided_slice %mul3A_146 {offsets = [0, 256], sizes = [1, 256], strides = [1, 1]} : vector<1x2048xf32> to vector<1x256xf32>
    %add3A_589 = vector.broadcast %slice3A_587 : vector<256x1xf32> to vector<256x256xf32>
    %add3A_590 = vector.broadcast %slice3A_588 : vector<1x256xf32> to vector<256x256xf32>
    %add3A_591 = arith.addf %add3A_589, %add3A_590 : vector<256x256xf32>
    %sub3A_592 = arith.subf %add3A_591, %mul3A_586 : vector<256x256xf32>
    %max3A_593 = arith.constant 9.99999993E-9 : f32
    %max3A_594 = vector.broadcast %max3A_593 : f32 to vector<256x256xf32>
    %max3A_595 = arith.maximumf %sub3A_592, %max3A_594 : vector<256x256xf32>
    %div3A_596 = arith.divf %mul3A_586, %max3A_595 : vector<256x256xf32>
    %gt3A_597 = arith.constant 0.699999988 : f32
    %gt3A_598 = vector.broadcast %gt3A_597 : f32 to vector<256x256xf32>
    %gt3A_599 = arith.cmpf ogt, %div3A_596, %gt3A_598 : vector<256x256xf32>
    %lt3A_600 = arith.cmpi slt, %iota3A, %iota3A_151 : vector<256x256xi32>
    %and3A_601 = arith.andi %gt3A_599, %lt3A_600 : vector<256x256xi1>
    %jit3A_602 = arith.constant 1.000000e+00 : f32
    %jit3A_603 = arith.constant 0.000000e+00 : f32
    %broadcast_in_dim3A_604 = vector.broadcast %jit3A_602 : f32 to vector<256x256xf32>
    %broadcast_in_dim3A_605 = vector.broadcast %jit3A_603 : f32 to vector<256x256xf32>
    %select_n3A_606 = arith.select %and3A_601, %broadcast_in_dim3A_604, %broadcast_in_dim3A_605 : vector<256x256xi1>, vector<256x256xf32>
    %convert_element_type3A_607 = arith.truncf %select_n3A_606 : vector<256x256xf32> to vector<256x256xbf16>
    %swap3A_608 = arith.constant 256 : index
    %swap3A_609 = arith.constant 256 : index
    %swap3A_610 = vector.load %arg6[%swap3A_608, %swap3A_609] : memref<2048x2048xbf16, #tpu.memory_space<vmem>>, vector<256x256xbf16>
    tpu.vector_store %arg6[%swap3A_608, %swap3A_609], %convert_element_type3A_607 {strides = array<i32>} : memref<2048x2048xbf16, #tpu.memory_space<vmem>>, vector<256x256xbf16>,
    %slice3A_611 = vector.extract_strided_slice %min3A_133 {offsets = [256, 0], sizes = [256, 1], strides = [1, 1]} : vector<2048x1xf32> to vector<256x1xf32>
    %slice3A_612 = vector.extract_strided_slice %min3A_67 {offsets = [0, 512], sizes = [1, 256], strides = [1, 1]} : vector<1x2048xf32> to vector<1x256xf32>
    %min3A_613 = vector.broadcast %slice3A_611 : vector<256x1xf32> to vector<256x256xf32>
    %min3A_614 = vector.broadcast %slice3A_612 : vector<1x256xf32> to vector<256x256xf32>
    %min3A_615 = arith.minimumf %min3A_613, %min3A_614 : vector<256x256xf32>
    %slice3A_616 = vector.extract_strided_slice %min3A_113 {offsets = [256, 0], sizes = [256, 1], strides = [1, 1]} : vector<2048x1xf32> to vector<256x1xf32>
    %slice3A_617 = vector.extract_strided_slice %min3A_47 {offsets = [0, 512], sizes = [1, 256], strides = [1, 1]} : vector<1x2048xf32> to vector<1x256xf32>
    %max3A_618 = vector.broadcast %slice3A_616 : vector<256x1xf32> to vector<256x256xf32>
    %max3A_619 = vector.broadcast %slice3A_617 : vector<1x256xf32> to vector<256x256xf32>
    %max3A_620 = arith.maximumf %max3A_618, %max3A_619 : vector<256x256xf32>
    %sub3A_621 = arith.subf %min3A_615, %max3A_620 : vector<256x256xf32>
    %max3A_622 = arith.constant 0.000000e+00 : f32
    %max3A_623 = vector.broadcast %max3A_622 : f32 to vector<256x256xf32>
    %max3A_624 = arith.maximumf %sub3A_621, %max3A_623 : vector<256x256xf32>
    %slice3A_625 = vector.extract_strided_slice %min3A_143 {offsets = [256, 0], sizes = [256, 1], strides = [1, 1]} : vector<2048x1xf32> to vector<256x1xf32>
    %slice3A_626 = vector.extract_strided_slice %min3A_77 {offsets = [0, 512], sizes = [1, 256], strides = [1, 1]} : vector<1x2048xf32> to vector<1x256xf32>
    %min3A_627 = vector.broadcast %slice3A_625 : vector<256x1xf32> to vector<256x256xf32>
    %min3A_628 = vector.broadcast %slice3A_626 : vector<1x256xf32> to vector<256x256xf32>
    %min3A_629 = arith.minimumf %min3A_627, %min3A_628 : vector<256x256xf32>
    %slice3A_630 = vector.extract_strided_slice %min3A_123 {offsets = [256, 0], sizes = [256, 1], strides = [1, 1]} : vector<2048x1xf32> to vector<256x1xf32>
    %slice3A_631 = vector.extract_strided_slice %min3A_57 {offsets = [0, 512], sizes = [1, 256], strides = [1, 1]} : vector<1x2048xf32> to vector<1x256xf32>
    %max3A_632 = vector.broadcast %slice3A_630 : vector<256x1xf32> to vector<256x256xf32>
    %max3A_633 = vector.broadcast %slice3A_631 : vector<1x256xf32> to vector<256x256xf32>
    %max3A_634 = arith.maximumf %max3A_632, %max3A_633 : vector<256x256xf32>
    %sub3A_635 = arith.subf %min3A_629, %max3A_634 : vector<256x256xf32>
    %max3A_636 = arith.constant 0.000000e+00 : f32
    %max3A_637 = vector.broadcast %max3A_636 : f32 to vector<256x256xf32>
    %max3A_638 = arith.maximumf %sub3A_635, %max3A_637 : vector<256x256xf32>
    %mul3A_639 = arith.mulf %max3A_624, %max3A_638 : vector<256x256xf32>
    %slice3A_640 = vector.extract_strided_slice %mul3A_149 {offsets = [256, 0], sizes = [256, 1], strides = [1, 1]} : vector<2048x1xf32> to vector<256x1xf32>
    %slice3A_641 = vector.extract_strided_slice %mul3A_146 {offsets = [0, 512], sizes = [1, 256], strides = [1, 1]} : vector<1x2048xf32> to vector<1x256xf32>
    %add3A_642 = vector.broadcast %slice3A_640 : vector<256x1xf32> to vector<256x256xf32>
    %add3A_643 = vector.broadcast %slice3A_641 : vector<1x256xf32> to vector<256x256xf32>
    %add3A_644 = arith.addf %add3A_642, %add3A_643 : vector<256x256xf32>
    %sub3A_645 = arith.subf %add3A_644, %mul3A_639 : vector<256x256xf32>
    %max3A_646 = arith.constant 9.99999993E-9 : f32
    %max3A_647 = vector.broadcast %max3A_646 : f32 to vector<256x256xf32>
    %max3A_648 = arith.maximumf %sub3A_645, %max3A_647 : vector<256x256xf32>
    %div3A_649 = arith.divf %mul3A_639, %max3A_648 : vector<256x256xf32>
    %gt3A_650 = arith.constant 0.699999988 : f32
    %gt3A_651 = vector.broadcast %gt3A_650 : f32 to vector<256x256xf32>
    %gt3A_652 = arith.cmpf ogt, %div3A_649, %gt3A_651 : vector<256x256xf32>
    %jit3A_653 = arith.constant 1.000000e+00 : f32
    %jit3A_654 = arith.constant 0.000000e+00 : f32
    %broadcast_in_dim3A_655 = vector.broadcast %jit3A_653 : f32 to vector<256x256xf32>
    %broadcast_in_dim3A_656 = vector.broadcast %jit3A_654 : f32 to vector<256x256xf32>
    %select_n3A_657 = arith.select %gt3A_652, %broadcast_in_dim3A_655, %broadcast_in_dim3A_656 : vector<256x256xi1>, vector<256x256xf32>
    %convert_element_type3A_658 = arith.truncf %select_n3A_657 : vector<256x256xf32> to vector<256x256xbf16>
    %swap3A_659 = arith.constant 256 : index
    %swap3A_660 = arith.constant 512 : index
    %swap3A_661 = vector.load %arg6[%swap3A_659, %swap3A_660] : memref<2048x2048xbf16, #tpu.memory_space<vmem>>, vector<256x256xbf16>
    tpu.vector_store %arg6[%swap3A_659, %swap3A_660], %convert_element_type3A_658 {strides = array<i32>} : memref<2048x2048xbf16, #tpu.memory_space<vmem>>, vector<256x256xbf16>,
    %slice3A_662 = vector.extract_strided_slice %min3A_133 {offsets = [256, 0], sizes = [256, 1], strides = [1, 1]} : vector<2048x1xf32> to vector<256x1xf32>
    %slice3A_663 = vector.extract_strided_slice %min3A_67 {offsets = [0, 768], sizes = [1, 256], strides = [1, 1]} : vector<1x2048xf32> to vector<1x256xf32>
    %min3A_664 = vector.broadcast %slice3A_662 : vector<256x1xf32> to vector<256x256xf32>
    %min3A_665 = vector.broadcast %slice3A_663 : vector<1x256xf32> to vector<256x256xf32>
    %min3A_666 = arith.minimumf %min3A_664, %min3A_665 : vector<256x256xf32>
    %slice3A_667 = vector.extract_strided_slice %min3A_113 {offsets = [256, 0], sizes = [256, 1], strides = [1, 1]} : vector<2048x1xf32> to vector<256x1xf32>
    %slice3A_668 = vector.extract_strided_slice %min3A_47 {offsets = [0, 768], sizes = [1, 256], strides = [1, 1]} : vector<1x2048xf32> to vector<1x256xf32>
    %max3A_669 = vector.broadcast %slice3A_667 : vector<256x1xf32> to vector<256x256xf32>
    %max3A_670 = vector.broadcast %slice3A_668 : vector<1x256xf32> to vector<256x256xf32>
    %max3A_671 = arith.maximumf %max3A_669, %max3A_670 : vector<256x256xf32>
    %sub3A_672 = arith.subf %min3A_666, %max3A_671 : vector<256x256xf32>
    %max3A_673 = arith.constant 0.000000e+00 : f32
    %max3A_674 = vector.broadcast %max3A_673 : f32 to vector<256x256xf32>
    %max3A_675 = arith.maximumf %sub3A_672, %max3A_674 : vector<256x256xf32>
    %slice3A_676 = vector.extract_strided_slice %min3A_143 {offsets = [256, 0], sizes = [256, 1], strides = [1, 1]} : vector<2048x1xf32> to vector<256x1xf32>
    %slice3A_677 = vector.extract_strided_slice %min3A_77 {offsets = [0, 768], sizes = [1, 256], strides = [1, 1]} : vector<1x2048xf32> to vector<1x256xf32>
    %min3A_678 = vector.broadcast %slice3A_676 : vector<256x1xf32> to vector<256x256xf32>
    %min3A_679 = vector.broadcast %slice3A_677 : vector<1x256xf32> to vector<256x256xf32>
    %min3A_680 = arith.minimumf %min3A_678, %min3A_679 : vector<256x256xf32>
    %slice3A_681 = vector.extract_strided_slice %min3A_123 {offsets = [256, 0], sizes = [256, 1], strides = [1, 1]} : vector<2048x1xf32> to vector<256x1xf32>
    %slice3A_682 = vector.extract_strided_slice %min3A_57 {offsets = [0, 768], sizes = [1, 256], strides = [1, 1]} : vector<1x2048xf32> to vector<1x256xf32>
    %max3A_683 = vector.broadcast %slice3A_681 : vector<256x1xf32> to vector<256x256xf32>
    %max3A_684 = vector.broadcast %slice3A_682 : vector<1x256xf32> to vector<256x256xf32>
    %max3A_685 = arith.maximumf %max3A_683, %max3A_684 : vector<256x256xf32>
    %sub3A_686 = arith.subf %min3A_680, %max3A_685 : vector<256x256xf32>
    %max3A_687 = arith.constant 0.000000e+00 : f32
    %max3A_688 = vector.broadcast %max3A_687 : f32 to vector<256x256xf32>
    %max3A_689 = arith.maximumf %sub3A_686, %max3A_688 : vector<256x256xf32>
    %mul3A_690 = arith.mulf %max3A_675, %max3A_689 : vector<256x256xf32>
    %slice3A_691 = vector.extract_strided_slice %mul3A_149 {offsets = [256, 0], sizes = [256, 1], strides = [1, 1]} : vector<2048x1xf32> to vector<256x1xf32>
    %slice3A_692 = vector.extract_strided_slice %mul3A_146 {offsets = [0, 768], sizes = [1, 256], strides = [1, 1]} : vector<1x2048xf32> to vector<1x256xf32>
    %add3A_693 = vector.broadcast %slice3A_691 : vector<256x1xf32> to vector<256x256xf32>
    %add3A_694 = vector.broadcast %slice3A_692 : vector<1x256xf32> to vector<256x256xf32>
    %add3A_695 = arith.addf %add3A_693, %add3A_694 : vector<256x256xf32>
    %sub3A_696 = arith.subf %add3A_695, %mul3A_690 : vector<256x256xf32>
    %max3A_697 = arith.constant 9.99999993E-9 : f32
    %max3A_698 = vector.broadcast %max3A_697 : f32 to vector<256x256xf32>
    %max3A_699 = arith.maximumf %sub3A_696, %max3A_698 : vector<256x256xf32>
    %div3A_700 = arith.divf %mul3A_690, %max3A_699 : vector<256x256xf32>
    %gt3A_701 = arith.constant 0.699999988 : f32
    %gt3A_702 = vector.broadcast %gt3A_701 : f32 to vector<256x256xf32>
    %gt3A_703 = arith.cmpf ogt, %div3A_700, %gt3A_702 : vector<256x256xf32>
    %jit3A_704 = arith.constant 1.000000e+00 : f32
    %jit3A_705 = arith.constant 0.000000e+00 : f32
    %broadcast_in_dim3A_706 = vector.broadcast %jit3A_704 : f32 to vector<256x256xf32>
    %broadcast_in_dim3A_707 = vector.broadcast %jit3A_705 : f32 to vector<256x256xf32>
    %select_n3A_708 = arith.select %gt3A_703, %broadcast_in_dim3A_706, %broadcast_in_dim3A_707 : vector<256x256xi1>, vector<256x256xf32>
    %convert_element_type3A_709 = arith.truncf %select_n3A_708 : vector<256x256xf32> to vector<256x256xbf16>
    %swap3A_710 = arith.constant 256 : index
    %swap3A_711 = arith.constant 768 : index
    %swap3A_712 = vector.load %arg6[%swap3A_710, %swap3A_711] : memref<2048x2048xbf16, #tpu.memory_space<vmem>>, vector<256x256xbf16>
    tpu.vector_store %arg6[%swap3A_710, %swap3A_711], %convert_element_type3A_709 {strides = array<i32>} : memref<2048x2048xbf16, #tpu.memory_space<vmem>>, vector<256x256xbf16>,
    %slice3A_713 = vector.extract_strided_slice %min3A_133 {offsets = [256, 0], sizes = [256, 1], strides = [1, 1]} : vector<2048x1xf32> to vector<256x1xf32>
    %slice3A_714 = vector.extract_strided_slice %min3A_67 {offsets = [0, 1024], sizes = [1, 256], strides = [1, 1]} : vector<1x2048xf32> to vector<1x256xf32>
    %min3A_715 = vector.broadcast %slice3A_713 : vector<256x1xf32> to vector<256x256xf32>
    %min3A_716 = vector.broadcast %slice3A_714 : vector<1x256xf32> to vector<256x256xf32>
    %min3A_717 = arith.minimumf %min3A_715, %min3A_716 : vector<256x256xf32>
    %slice3A_718 = vector.extract_strided_slice %min3A_113 {offsets = [256, 0], sizes = [256, 1], strides = [1, 1]} : vector<2048x1xf32> to vector<256x1xf32>
    %slice3A_719 = vector.extract_strided_slice %min3A_47 {offsets = [0, 1024], sizes = [1, 256], strides = [1, 1]} : vector<1x2048xf32> to vector<1x256xf32>
    %max3A_720 = vector.broadcast %slice3A_718 : vector<256x1xf32> to vector<256x256xf32>
    %max3A_721 = vector.broadcast %slice3A_719 : vector<1x256xf32> to vector<256x256xf32>
    %max3A_722 = arith.maximumf %max3A_720, %max3A_721 : vector<256x256xf32>
    %sub3A_723 = arith.subf %min3A_717, %max3A_722 : vector<256x256xf32>
    %max3A_724 = arith.constant 0.000000e+00 : f32
    %max3A_725 = vector.broadcast %max3A_724 : f32 to vector<256x256xf32>
    %max3A_726 = arith.maximumf %sub3A_723, %max3A_725 : vector<256x256xf32>
    %slice3A_727 = vector.extract_strided_slice %min3A_143 {offsets = [256, 0], sizes = [256, 1], strides = [1, 1]} : vector<2048x1xf32> to vector<256x1xf32>
    %slice3A_728 = vector.extract_strided_slice %min3A_77 {offsets = [0, 1024], sizes = [1, 256], strides = [1, 1]} : vector<1x2048xf32> to vector<1x256xf32>
    %min3A_729 = vector.broadcast %slice3A_727 : vector<256x1xf32> to vector<256x256xf32>
    %min3A_730 = vector.broadcast %slice3A_728 : vector<1x256xf32> to vector<256x256xf32>
    %min3A_731 = arith.minimumf %min3A_729, %min3A_730 : vector<256x256xf32>
    %slice3A_732 = vector.extract_strided_slice %min3A_123 {offsets = [256, 0], sizes = [256, 1], strides = [1, 1]} : vector<2048x1xf32> to vector<256x1xf32>
    %slice3A_733 = vector.extract_strided_slice %min3A_57 {offsets = [0, 1024], sizes = [1, 256], strides = [1, 1]} : vector<1x2048xf32> to vector<1x256xf32>
    %max3A_734 = vector.broadcast %slice3A_732 : vector<256x1xf32> to vector<256x256xf32>
    %max3A_735 = vector.broadcast %slice3A_733 : vector<1x256xf32> to vector<256x256xf32>
    %max3A_736 = arith.maximumf %max3A_734, %max3A_735 : vector<256x256xf32>
    %sub3A_737 = arith.subf %min3A_731, %max3A_736 : vector<256x256xf32>
    %max3A_738 = arith.constant 0.000000e+00 : f32
    %max3A_739 = vector.broadcast %max3A_738 : f32 to vector<256x256xf32>
    %max3A_740 = arith.maximumf %sub3A_737, %max3A_739 : vector<256x256xf32>
    %mul3A_741 = arith.mulf %max3A_726, %max3A_740 : vector<256x256xf32>
    %slice3A_742 = vector.extract_strided_slice %mul3A_149 {offsets = [256, 0], sizes = [256, 1], strides = [1, 1]} : vector<2048x1xf32> to vector<256x1xf32>
    %slice3A_743 = vector.extract_strided_slice %mul3A_146 {offsets = [0, 1024], sizes = [1, 256], strides = [1, 1]} : vector<1x2048xf32> to vector<1x256xf32>
    %add3A_744 = vector.broadcast %slice3A_742 : vector<256x1xf32> to vector<256x256xf32>
    %add3A_745 = vector.broadcast %slice3A_743 : vector<1x256xf32> to vector<256x256xf32>
    %add3A_746 = arith.addf %add3A_744, %add3A_745 : vector<256x256xf32>
    %sub3A_747 = arith.subf %add3A_746, %mul3A_741 : vector<256x256xf32>
    %max3A_748 = arith.constant 9.99999993E-9 : f32
    %max3A_749 = vector.broadcast %max3A_748 : f32 to vector<256x256xf32>
    %max3A_750 = arith.maximumf %sub3A_747, %max3A_749 : vector<256x256xf32>
    %div3A_751 = arith.divf %mul3A_741, %max3A_750 : vector<256x256xf32>
    %gt3A_752 = arith.constant 0.699999988 : f32
    %gt3A_753 = vector.broadcast %gt3A_752 : f32 to vector<256x256xf32>
    %gt3A_754 = arith.cmpf ogt, %div3A_751, %gt3A_753 : vector<256x256xf32>
    %jit3A_755 = arith.constant 1.000000e+00 : f32
    %jit3A_756 = arith.constant 0.000000e+00 : f32
    %broadcast_in_dim3A_757 = vector.broadcast %jit3A_755 : f32 to vector<256x256xf32>
    %broadcast_in_dim3A_758 = vector.broadcast %jit3A_756 : f32 to vector<256x256xf32>
    %select_n3A_759 = arith.select %gt3A_754, %broadcast_in_dim3A_757, %broadcast_in_dim3A_758 : vector<256x256xi1>, vector<256x256xf32>
    %convert_element_type3A_760 = arith.truncf %select_n3A_759 : vector<256x256xf32> to vector<256x256xbf16>
    %swap3A_761 = arith.constant 256 : index
    %swap3A_762 = arith.constant 1024 : index
    %swap3A_763 = vector.load %arg6[%swap3A_761, %swap3A_762] : memref<2048x2048xbf16, #tpu.memory_space<vmem>>, vector<256x256xbf16>
    tpu.vector_store %arg6[%swap3A_761, %swap3A_762], %convert_element_type3A_760 {strides = array<i32>} : memref<2048x2048xbf16, #tpu.memory_space<vmem>>, vector<256x256xbf16>,
    %slice3A_764 = vector.extract_strided_slice %min3A_133 {offsets = [256, 0], sizes = [256, 1], strides = [1, 1]} : vector<2048x1xf32> to vector<256x1xf32>
    %slice3A_765 = vector.extract_strided_slice %min3A_67 {offsets = [0, 1280], sizes = [1, 256], strides = [1, 1]} : vector<1x2048xf32> to vector<1x256xf32>
    %min3A_766 = vector.broadcast %slice3A_764 : vector<256x1xf32> to vector<256x256xf32>
    %min3A_767 = vector.broadcast %slice3A_765 : vector<1x256xf32> to vector<256x256xf32>
    %min3A_768 = arith.minimumf %min3A_766, %min3A_767 : vector<256x256xf32>
    %slice3A_769 = vector.extract_strided_slice %min3A_113 {offsets = [256, 0], sizes = [256, 1], strides = [1, 1]} : vector<2048x1xf32> to vector<256x1xf32>
    %slice3A_770 = vector.extract_strided_slice %min3A_47 {offsets = [0, 1280], sizes = [1, 256], strides = [1, 1]} : vector<1x2048xf32> to vector<1x256xf32>
    %max3A_771 = vector.broadcast %slice3A_769 : vector<256x1xf32> to vector<256x256xf32>
    %max3A_772 = vector.broadcast %slice3A_770 : vector<1x256xf32> to vector<256x256xf32>
    %max3A_773 = arith.maximumf %max3A_771, %max3A_772 : vector<256x256xf32>
    %sub3A_774 = arith.subf %min3A_768, %max3A_773 : vector<256x256xf32>
    %max3A_775 = arith.constant 0.000000e+00 : f32
    %max3A_776 = vector.broadcast %max3A_775 : f32 to vector<256x256xf32>
    %max3A_777 = arith.maximumf %sub3A_774, %max3A_776 : vector<256x256xf32>
    %slice3A_778 = vector.extract_strided_slice %min3A_143 {offsets = [256, 0], sizes = [256, 1], strides = [1, 1]} : vector<2048x1xf32> to vector<256x1xf32>
    %slice3A_779 = vector.extract_strided_slice %min3A_77 {offsets = [0, 1280], sizes = [1, 256], strides = [1, 1]} : vector<1x2048xf32> to vector<1x256xf32>
    %min3A_780 = vector.broadcast %slice3A_778 : vector<256x1xf32> to vector<256x256xf32>
    %min3A_781 = vector.broadcast %slice3A_779 : vector<1x256xf32> to vector<256x256xf32>
    %min3A_782 = arith.minimumf %min3A_780, %min3A_781 : vector<256x256xf32>
    %slice3A_783 = vector.extract_strided_slice %min3A_123 {offsets = [256, 0], sizes = [256, 1], strides = [1, 1]} : vector<2048x1xf32> to vector<256x1xf32>
    %slice3A_784 = vector.extract_strided_slice %min3A_57 {offsets = [0, 1280], sizes = [1, 256], strides = [1, 1]} : vector<1x2048xf32> to vector<1x256xf32>
    %max3A_785 = vector.broadcast %slice3A_783 : vector<256x1xf32> to vector<256x256xf32>
    %max3A_786 = vector.broadcast %slice3A_784 : vector<1x256xf32> to vector<256x256xf32>
    %max3A_787 = arith.maximumf %max3A_785, %max3A_786 : vector<256x256xf32>
    %sub3A_788 = arith.subf %min3A_782, %max3A_787 : vector<256x256xf32>
    %max3A_789 = arith.constant 0.000000e+00 : f32
    %max3A_790 = vector.broadcast %max3A_789 : f32 to vector<256x256xf32>
    %max3A_791 = arith.maximumf %sub3A_788, %max3A_790 : vector<256x256xf32>
    %mul3A_792 = arith.mulf %max3A_777, %max3A_791 : vector<256x256xf32>
    %slice3A_793 = vector.extract_strided_slice %mul3A_149 {offsets = [256, 0], sizes = [256, 1], strides = [1, 1]} : vector<2048x1xf32> to vector<256x1xf32>
    %slice3A_794 = vector.extract_strided_slice %mul3A_146 {offsets = [0, 1280], sizes = [1, 256], strides = [1, 1]} : vector<1x2048xf32> to vector<1x256xf32>
    %add3A_795 = vector.broadcast %slice3A_793 : vector<256x1xf32> to vector<256x256xf32>
    %add3A_796 = vector.broadcast %slice3A_794 : vector<1x256xf32> to vector<256x256xf32>
    %add3A_797 = arith.addf %add3A_795, %add3A_796 : vector<256x256xf32>
    %sub3A_798 = arith.subf %add3A_797, %mul3A_792 : vector<256x256xf32>
    %max3A_799 = arith.constant 9.99999993E-9 : f32
    %max3A_800 = vector.broadcast %max3A_799 : f32 to vector<256x256xf32>
    %max3A_801 = arith.maximumf %sub3A_798, %max3A_800 : vector<256x256xf32>
    %div3A_802 = arith.divf %mul3A_792, %max3A_801 : vector<256x256xf32>
    %gt3A_803 = arith.constant 0.699999988 : f32
    %gt3A_804 = vector.broadcast %gt3A_803 : f32 to vector<256x256xf32>
    %gt3A_805 = arith.cmpf ogt, %div3A_802, %gt3A_804 : vector<256x256xf32>
    %jit3A_806 = arith.constant 1.000000e+00 : f32
    %jit3A_807 = arith.constant 0.000000e+00 : f32
    %broadcast_in_dim3A_808 = vector.broadcast %jit3A_806 : f32 to vector<256x256xf32>
    %broadcast_in_dim3A_809 = vector.broadcast %jit3A_807 : f32 to vector<256x256xf32>
    %select_n3A_810 = arith.select %gt3A_805, %broadcast_in_dim3A_808, %broadcast_in_dim3A_809 : vector<256x256xi1>, vector<256x256xf32>
    %convert_element_type3A_811 = arith.truncf %select_n3A_810 : vector<256x256xf32> to vector<256x256xbf16>
    %swap3A_812 = arith.constant 256 : index
    %swap3A_813 = arith.constant 1280 : index
    %swap3A_814 = vector.load %arg6[%swap3A_812, %swap3A_813] : memref<2048x2048xbf16, #tpu.memory_space<vmem>>, vector<256x256xbf16>
    tpu.vector_store %arg6[%swap3A_812, %swap3A_813], %convert_element_type3A_811 {strides = array<i32>} : memref<2048x2048xbf16, #tpu.memory_space<vmem>>, vector<256x256xbf16>,
    %slice3A_815 = vector.extract_strided_slice %min3A_133 {offsets = [256, 0], sizes = [256, 1], strides = [1, 1]} : vector<2048x1xf32> to vector<256x1xf32>
    %slice3A_816 = vector.extract_strided_slice %min3A_67 {offsets = [0, 1536], sizes = [1, 256], strides = [1, 1]} : vector<1x2048xf32> to vector<1x256xf32>
    %min3A_817 = vector.broadcast %slice3A_815 : vector<256x1xf32> to vector<256x256xf32>
    %min3A_818 = vector.broadcast %slice3A_816 : vector<1x256xf32> to vector<256x256xf32>
    %min3A_819 = arith.minimumf %min3A_817, %min3A_818 : vector<256x256xf32>
    %slice3A_820 = vector.extract_strided_slice %min3A_113 {offsets = [256, 0], sizes = [256, 1], strides = [1, 1]} : vector<2048x1xf32> to vector<256x1xf32>
    %slice3A_821 = vector.extract_strided_slice %min3A_47 {offsets = [0, 1536], sizes = [1, 256], strides = [1, 1]} : vector<1x2048xf32> to vector<1x256xf32>
    %max3A_822 = vector.broadcast %slice3A_820 : vector<256x1xf32> to vector<256x256xf32>
    %max3A_823 = vector.broadcast %slice3A_821 : vector<1x256xf32> to vector<256x256xf32>
    %max3A_824 = arith.maximumf %max3A_822, %max3A_823 : vector<256x256xf32>
    %sub3A_825 = arith.subf %min3A_819, %max3A_824 : vector<256x256xf32>
    %max3A_826 = arith.constant 0.000000e+00 : f32
    %max3A_827 = vector.broadcast %max3A_826 : f32 to vector<256x256xf32>
    %max3A_828 = arith.maximumf %sub3A_825, %max3A_827 : vector<256x256xf32>
    %slice3A_829 = vector.extract_strided_slice %min3A_143 {offsets = [256, 0], sizes = [256, 1], strides = [1, 1]} : vector<2048x1xf32> to vector<256x1xf32>
    %slice3A_830 = vector.extract_strided_slice %min3A_77 {offsets = [0, 1536], sizes = [1, 256], strides = [1, 1]} : vector<1x2048xf32> to vector<1x256xf32>
    %min3A_831 = vector.broadcast %slice3A_829 : vector<256x1xf32> to vector<256x256xf32>
    %min3A_832 = vector.broadcast %slice3A_830 : vector<1x256xf32> to vector<256x256xf32>
    %min3A_833 = arith.minimumf %min3A_831, %min3A_832 : vector<256x256xf32>
    %slice3A_834 = vector.extract_strided_slice %min3A_123 {offsets = [256, 0], sizes = [256, 1], strides = [1, 1]} : vector<2048x1xf32> to vector<256x1xf32>
    %slice3A_835 = vector.extract_strided_slice %min3A_57 {offsets = [0, 1536], sizes = [1, 256], strides = [1, 1]} : vector<1x2048xf32> to vector<1x256xf32>
    %max3A_836 = vector.broadcast %slice3A_834 : vector<256x1xf32> to vector<256x256xf32>
    %max3A_837 = vector.broadcast %slice3A_835 : vector<1x256xf32> to vector<256x256xf32>
    %max3A_838 = arith.maximumf %max3A_836, %max3A_837 : vector<256x256xf32>
    %sub3A_839 = arith.subf %min3A_833, %max3A_838 : vector<256x256xf32>
    %max3A_840 = arith.constant 0.000000e+00 : f32
    %max3A_841 = vector.broadcast %max3A_840 : f32 to vector<256x256xf32>
    %max3A_842 = arith.maximumf %sub3A_839, %max3A_841 : vector<256x256xf32>
    %mul3A_843 = arith.mulf %max3A_828, %max3A_842 : vector<256x256xf32>
    %slice3A_844 = vector.extract_strided_slice %mul3A_149 {offsets = [256, 0], sizes = [256, 1], strides = [1, 1]} : vector<2048x1xf32> to vector<256x1xf32>
    %slice3A_845 = vector.extract_strided_slice %mul3A_146 {offsets = [0, 1536], sizes = [1, 256], strides = [1, 1]} : vector<1x2048xf32> to vector<1x256xf32>
    %add3A_846 = vector.broadcast %slice3A_844 : vector<256x1xf32> to vector<256x256xf32>
    %add3A_847 = vector.broadcast %slice3A_845 : vector<1x256xf32> to vector<256x256xf32>
    %add3A_848 = arith.addf %add3A_846, %add3A_847 : vector<256x256xf32>
    %sub3A_849 = arith.subf %add3A_848, %mul3A_843 : vector<256x256xf32>
    %max3A_850 = arith.constant 9.99999993E-9 : f32
    %max3A_851 = vector.broadcast %max3A_850 : f32 to vector<256x256xf32>
    %max3A_852 = arith.maximumf %sub3A_849, %max3A_851 : vector<256x256xf32>
    %div3A_853 = arith.divf %mul3A_843, %max3A_852 : vector<256x256xf32>
    %gt3A_854 = arith.constant 0.699999988 : f32
    %gt3A_855 = vector.broadcast %gt3A_854 : f32 to vector<256x256xf32>
    %gt3A_856 = arith.cmpf ogt, %div3A_853, %gt3A_855 : vector<256x256xf32>
    %jit3A_857 = arith.constant 1.000000e+00 : f32
    %jit3A_858 = arith.constant 0.000000e+00 : f32
    %broadcast_in_dim3A_859 = vector.broadcast %jit3A_857 : f32 to vector<256x256xf32>
    %broadcast_in_dim3A_860 = vector.broadcast %jit3A_858 : f32 to vector<256x256xf32>
    %select_n3A_861 = arith.select %gt3A_856, %broadcast_in_dim3A_859, %broadcast_in_dim3A_860 : vector<256x256xi1>, vector<256x256xf32>
    %convert_element_type3A_862 = arith.truncf %select_n3A_861 : vector<256x256xf32> to vector<256x256xbf16>
    %swap3A_863 = arith.constant 256 : index
    %swap3A_864 = arith.constant 1536 : index
    %swap3A_865 = vector.load %arg6[%swap3A_863, %swap3A_864] : memref<2048x2048xbf16, #tpu.memory_space<vmem>>, vector<256x256xbf16>
    tpu.vector_store %arg6[%swap3A_863, %swap3A_864], %convert_element_type3A_862 {strides = array<i32>} : memref<2048x2048xbf16, #tpu.memory_space<vmem>>, vector<256x256xbf16>,
    %slice3A_866 = vector.extract_strided_slice %min3A_133 {offsets = [256, 0], sizes = [256, 1], strides = [1, 1]} : vector<2048x1xf32> to vector<256x1xf32>
    %slice3A_867 = vector.extract_strided_slice %min3A_67 {offsets = [0, 1792], sizes = [1, 256], strides = [1, 1]} : vector<1x2048xf32> to vector<1x256xf32>
    %min3A_868 = vector.broadcast %slice3A_866 : vector<256x1xf32> to vector<256x256xf32>
    %min3A_869 = vector.broadcast %slice3A_867 : vector<1x256xf32> to vector<256x256xf32>
    %min3A_870 = arith.minimumf %min3A_868, %min3A_869 : vector<256x256xf32>
    %slice3A_871 = vector.extract_strided_slice %min3A_113 {offsets = [256, 0], sizes = [256, 1], strides = [1, 1]} : vector<2048x1xf32> to vector<256x1xf32>
    %slice3A_872 = vector.extract_strided_slice %min3A_47 {offsets = [0, 1792], sizes = [1, 256], strides = [1, 1]} : vector<1x2048xf32> to vector<1x256xf32>
    %max3A_873 = vector.broadcast %slice3A_871 : vector<256x1xf32> to vector<256x256xf32>
    %max3A_874 = vector.broadcast %slice3A_872 : vector<1x256xf32> to vector<256x256xf32>
    %max3A_875 = arith.maximumf %max3A_873, %max3A_874 : vector<256x256xf32>
    %sub3A_876 = arith.subf %min3A_870, %max3A_875 : vector<256x256xf32>
    %max3A_877 = arith.constant 0.000000e+00 : f32
    %max3A_878 = vector.broadcast %max3A_877 : f32 to vector<256x256xf32>
    %max3A_879 = arith.maximumf %sub3A_876, %max3A_878 : vector<256x256xf32>
    %slice3A_880 = vector.extract_strided_slice %min3A_143 {offsets = [256, 0], sizes = [256, 1], strides = [1, 1]} : vector<2048x1xf32> to vector<256x1xf32>
    %slice3A_881 = vector.extract_strided_slice %min3A_77 {offsets = [0, 1792], sizes = [1, 256], strides = [1, 1]} : vector<1x2048xf32> to vector<1x256xf32>
    %min3A_882 = vector.broadcast %slice3A_880 : vector<256x1xf32> to vector<256x256xf32>
    %min3A_883 = vector.broadcast %slice3A_881 : vector<1x256xf32> to vector<256x256xf32>
    %min3A_884 = arith.minimumf %min3A_882, %min3A_883 : vector<256x256xf32>
    %slice3A_885 = vector.extract_strided_slice %min3A_123 {offsets = [256, 0], sizes = [256, 1], strides = [1, 1]} : vector<2048x1xf32> to vector<256x1xf32>
    %slice3A_886 = vector.extract_strided_slice %min3A_57 {offsets = [0, 1792], sizes = [1, 256], strides = [1, 1]} : vector<1x2048xf32> to vector<1x256xf32>
    %max3A_887 = vector.broadcast %slice3A_885 : vector<256x1xf32> to vector<256x256xf32>
    %max3A_888 = vector.broadcast %slice3A_886 : vector<1x256xf32> to vector<256x256xf32>
    %max3A_889 = arith.maximumf %max3A_887, %max3A_888 : vector<256x256xf32>
    %sub3A_890 = arith.subf %min3A_884, %max3A_889 : vector<256x256xf32>
    %max3A_891 = arith.constant 0.000000e+00 : f32
    %max3A_892 = vector.broadcast %max3A_891 : f32 to vector<256x256xf32>
    %max3A_893 = arith.maximumf %sub3A_890, %max3A_892 : vector<256x256xf32>
    %mul3A_894 = arith.mulf %max3A_879, %max3A_893 : vector<256x256xf32>
    %slice3A_895 = vector.extract_strided_slice %mul3A_149 {offsets = [256, 0], sizes = [256, 1], strides = [1, 1]} : vector<2048x1xf32> to vector<256x1xf32>
    %slice3A_896 = vector.extract_strided_slice %mul3A_146 {offsets = [0, 1792], sizes = [1, 256], strides = [1, 1]} : vector<1x2048xf32> to vector<1x256xf32>
    %add3A_897 = vector.broadcast %slice3A_895 : vector<256x1xf32> to vector<256x256xf32>
    %add3A_898 = vector.broadcast %slice3A_896 : vector<1x256xf32> to vector<256x256xf32>
    %add3A_899 = arith.addf %add3A_897, %add3A_898 : vector<256x256xf32>
    %sub3A_900 = arith.subf %add3A_899, %mul3A_894 : vector<256x256xf32>
    %max3A_901 = arith.constant 9.99999993E-9 : f32
    %max3A_902 = vector.broadcast %max3A_901 : f32 to vector<256x256xf32>
    %max3A_903 = arith.maximumf %sub3A_900, %max3A_902 : vector<256x256xf32>
    %div3A_904 = arith.divf %mul3A_894, %max3A_903 : vector<256x256xf32>
    %gt3A_905 = arith.constant 0.699999988 : f32
    %gt3A_906 = vector.broadcast %gt3A_905 : f32 to vector<256x256xf32>
    %gt3A_907 = arith.cmpf ogt, %div3A_904, %gt3A_906 : vector<256x256xf32>
    %jit3A_908 = arith.constant 1.000000e+00 : f32
    %jit3A_909 = arith.constant 0.000000e+00 : f32
    %broadcast_in_dim3A_910 = vector.broadcast %jit3A_908 : f32 to vector<256x256xf32>
    %broadcast_in_dim3A_911 = vector.broadcast %jit3A_909 : f32 to vector<256x256xf32>
    %select_n3A_912 = arith.select %gt3A_907, %broadcast_in_dim3A_910, %broadcast_in_dim3A_911 : vector<256x256xi1>, vector<256x256xf32>
    %convert_element_type3A_913 = arith.truncf %select_n3A_912 : vector<256x256xf32> to vector<256x256xbf16>
    %swap3A_914 = arith.constant 256 : index
    %swap3A_915 = arith.constant 1792 : index
    %swap3A_916 = vector.load %arg6[%swap3A_914, %swap3A_915] : memref<2048x2048xbf16, #tpu.memory_space<vmem>>, vector<256x256xbf16>
    tpu.vector_store %arg6[%swap3A_914, %swap3A_915], %convert_element_type3A_913 {strides = array<i32>} : memref<2048x2048xbf16, #tpu.memory_space<vmem>>, vector<256x256xbf16>,
    %swap3A_917 = arith.constant 512 : index
    %swap3A_918 = arith.constant 0 : index
    %swap3A_919 = vector.load %arg6[%swap3A_917, %swap3A_918] : memref<2048x2048xbf16, #tpu.memory_space<vmem>>, vector<256x256xbf16>
    tpu.vector_store %arg6[%swap3A_917, %swap3A_918], %broadcast_in_dim3A_150 {strides = array<i32>} : memref<2048x2048xbf16, #tpu.memory_space<vmem>>, vector<256x256xbf16>,
    %swap3A_920 = arith.constant 512 : index
    %swap3A_921 = arith.constant 256 : index
    %swap3A_922 = vector.load %arg6[%swap3A_920, %swap3A_921] : memref<2048x2048xbf16, #tpu.memory_space<vmem>>, vector<256x256xbf16>
    tpu.vector_store %arg6[%swap3A_920, %swap3A_921], %broadcast_in_dim3A_150 {strides = array<i32>} : memref<2048x2048xbf16, #tpu.memory_space<vmem>>, vector<256x256xbf16>,
    %slice3A_923 = vector.extract_strided_slice %min3A_133 {offsets = [512, 0], sizes = [256, 1], strides = [1, 1]} : vector<2048x1xf32> to vector<256x1xf32>
    %slice3A_924 = vector.extract_strided_slice %min3A_67 {offsets = [0, 512], sizes = [1, 256], strides = [1, 1]} : vector<1x2048xf32> to vector<1x256xf32>
    %min3A_925 = vector.broadcast %slice3A_923 : vector<256x1xf32> to vector<256x256xf32>
    %min3A_926 = vector.broadcast %slice3A_924 : vector<1x256xf32> to vector<256x256xf32>
    %min3A_927 = arith.minimumf %min3A_925, %min3A_926 : vector<256x256xf32>
    %slice3A_928 = vector.extract_strided_slice %min3A_113 {offsets = [512, 0], sizes = [256, 1], strides = [1, 1]} : vector<2048x1xf32> to vector<256x1xf32>
    %slice3A_929 = vector.extract_strided_slice %min3A_47 {offsets = [0, 512], sizes = [1, 256], strides = [1, 1]} : vector<1x2048xf32> to vector<1x256xf32>
    %max3A_930 = vector.broadcast %slice3A_928 : vector<256x1xf32> to vector<256x256xf32>
    %max3A_931 = vector.broadcast %slice3A_929 : vector<1x256xf32> to vector<256x256xf32>
    %max3A_932 = arith.maximumf %max3A_930, %max3A_931 : vector<256x256xf32>
    %sub3A_933 = arith.subf %min3A_927, %max3A_932 : vector<256x256xf32>
    %max3A_934 = arith.constant 0.000000e+00 : f32
    %max3A_935 = vector.broadcast %max3A_934 : f32 to vector<256x256xf32>
    %max3A_936 = arith.maximumf %sub3A_933, %max3A_935 : vector<256x256xf32>
    %slice3A_937 = vector.extract_strided_slice %min3A_143 {offsets = [512, 0], sizes = [256, 1], strides = [1, 1]} : vector<2048x1xf32> to vector<256x1xf32>
    %slice3A_938 = vector.extract_strided_slice %min3A_77 {offsets = [0, 512], sizes = [1, 256], strides = [1, 1]} : vector<1x2048xf32> to vector<1x256xf32>
    %min3A_939 = vector.broadcast %slice3A_937 : vector<256x1xf32> to vector<256x256xf32>
    %min3A_940 = vector.broadcast %slice3A_938 : vector<1x256xf32> to vector<256x256xf32>
    %min3A_941 = arith.minimumf %min3A_939, %min3A_940 : vector<256x256xf32>
    %slice3A_942 = vector.extract_strided_slice %min3A_123 {offsets = [512, 0], sizes = [256, 1], strides = [1, 1]} : vector<2048x1xf32> to vector<256x1xf32>
    %slice3A_943 = vector.extract_strided_slice %min3A_57 {offsets = [0, 512], sizes = [1, 256], strides = [1, 1]} : vector<1x2048xf32> to vector<1x256xf32>
    %max3A_944 = vector.broadcast %slice3A_942 : vector<256x1xf32> to vector<256x256xf32>
    %max3A_945 = vector.broadcast %slice3A_943 : vector<1x256xf32> to vector<256x256xf32>
    %max3A_946 = arith.maximumf %max3A_944, %max3A_945 : vector<256x256xf32>
    %sub3A_947 = arith.subf %min3A_941, %max3A_946 : vector<256x256xf32>
    %max3A_948 = arith.constant 0.000000e+00 : f32
    %max3A_949 = vector.broadcast %max3A_948 : f32 to vector<256x256xf32>
    %max3A_950 = arith.maximumf %sub3A_947, %max3A_949 : vector<256x256xf32>
    %mul3A_951 = arith.mulf %max3A_936, %max3A_950 : vector<256x256xf32>
    %slice3A_952 = vector.extract_strided_slice %mul3A_149 {offsets = [512, 0], sizes = [256, 1], strides = [1, 1]} : vector<2048x1xf32> to vector<256x1xf32>
    %slice3A_953 = vector.extract_strided_slice %mul3A_146 {offsets = [0, 512], sizes = [1, 256], strides = [1, 1]} : vector<1x2048xf32> to vector<1x256xf32>
    %add3A_954 = vector.broadcast %slice3A_952 : vector<256x1xf32> to vector<256x256xf32>
    %add3A_955 = vector.broadcast %slice3A_953 : vector<1x256xf32> to vector<256x256xf32>
    %add3A_956 = arith.addf %add3A_954, %add3A_955 : vector<256x256xf32>
    %sub3A_957 = arith.subf %add3A_956, %mul3A_951 : vector<256x256xf32>
    %max3A_958 = arith.constant 9.99999993E-9 : f32
    %max3A_959 = vector.broadcast %max3A_958 : f32 to vector<256x256xf32>
    %max3A_960 = arith.maximumf %sub3A_957, %max3A_959 : vector<256x256xf32>
    %div3A_961 = arith.divf %mul3A_951, %max3A_960 : vector<256x256xf32>
    %gt3A_962 = arith.constant 0.699999988 : f32
    %gt3A_963 = vector.broadcast %gt3A_962 : f32 to vector<256x256xf32>
    %gt3A_964 = arith.cmpf ogt, %div3A_961, %gt3A_963 : vector<256x256xf32>
    %lt3A_965 = arith.cmpi slt, %iota3A, %iota3A_151 : vector<256x256xi32>
    %and3A_966 = arith.andi %gt3A_964, %lt3A_965 : vector<256x256xi1>
    %jit3A_967 = arith.constant 1.000000e+00 : f32
    %jit3A_968 = arith.constant 0.000000e+00 : f32
    %broadcast_in_dim3A_969 = vector.broadcast %jit3A_967 : f32 to vector<256x256xf32>
    %broadcast_in_dim3A_970 = vector.broadcast %jit3A_968 : f32 to vector<256x256xf32>
    %select_n3A_971 = arith.select %and3A_966, %broadcast_in_dim3A_969, %broadcast_in_dim3A_970 : vector<256x256xi1>, vector<256x256xf32>
    %convert_element_type3A_972 = arith.truncf %select_n3A_971 : vector<256x256xf32> to vector<256x256xbf16>
    %swap3A_973 = arith.constant 512 : index
    %swap3A_974 = arith.constant 512 : index
    %swap3A_975 = vector.load %arg6[%swap3A_973, %swap3A_974] : memref<2048x2048xbf16, #tpu.memory_space<vmem>>, vector<256x256xbf16>
    tpu.vector_store %arg6[%swap3A_973, %swap3A_974], %convert_element_type3A_972 {strides = array<i32>} : memref<2048x2048xbf16, #tpu.memory_space<vmem>>, vector<256x256xbf16>,
    %slice3A_976 = vector.extract_strided_slice %min3A_133 {offsets = [512, 0], sizes = [256, 1], strides = [1, 1]} : vector<2048x1xf32> to vector<256x1xf32>
    %slice3A_977 = vector.extract_strided_slice %min3A_67 {offsets = [0, 768], sizes = [1, 256], strides = [1, 1]} : vector<1x2048xf32> to vector<1x256xf32>
    %min3A_978 = vector.broadcast %slice3A_976 : vector<256x1xf32> to vector<256x256xf32>
    %min3A_979 = vector.broadcast %slice3A_977 : vector<1x256xf32> to vector<256x256xf32>
    %min3A_980 = arith.minimumf %min3A_978, %min3A_979 : vector<256x256xf32>
    %slice3A_981 = vector.extract_strided_slice %min3A_113 {offsets = [512, 0], sizes = [256, 1], strides = [1, 1]} : vector<2048x1xf32> to vector<256x1xf32>
    %slice3A_982 = vector.extract_strided_slice %min3A_47 {offsets = [0, 768], sizes = [1, 256], strides = [1, 1]} : vector<1x2048xf32> to vector<1x256xf32>
    %max3A_983 = vector.broadcast %slice3A_981 : vector<256x1xf32> to vector<256x256xf32>
    %max3A_984 = vector.broadcast %slice3A_982 : vector<1x256xf32> to vector<256x256xf32>
    %max3A_985 = arith.maximumf %max3A_983, %max3A_984 : vector<256x256xf32>
    %sub3A_986 = arith.subf %min3A_980, %max3A_985 : vector<256x256xf32>
    %max3A_987 = arith.constant 0.000000e+00 : f32
    %max3A_988 = vector.broadcast %max3A_987 : f32 to vector<256x256xf32>
    %max3A_989 = arith.maximumf %sub3A_986, %max3A_988 : vector<256x256xf32>
    %slice3A_990 = vector.extract_strided_slice %min3A_143 {offsets = [512, 0], sizes = [256, 1], strides = [1, 1]} : vector<2048x1xf32> to vector<256x1xf32>
    %slice3A_991 = vector.extract_strided_slice %min3A_77 {offsets = [0, 768], sizes = [1, 256], strides = [1, 1]} : vector<1x2048xf32> to vector<1x256xf32>
    %min3A_992 = vector.broadcast %slice3A_990 : vector<256x1xf32> to vector<256x256xf32>
    %min3A_993 = vector.broadcast %slice3A_991 : vector<1x256xf32> to vector<256x256xf32>
    %min3A_994 = arith.minimumf %min3A_992, %min3A_993 : vector<256x256xf32>
    %slice3A_995 = vector.extract_strided_slice %min3A_123 {offsets = [512, 0], sizes = [256, 1], strides = [1, 1]} : vector<2048x1xf32> to vector<256x1xf32>
    %slice3A_996 = vector.extract_strided_slice %min3A_57 {offsets = [0, 768], sizes = [1, 256], strides = [1, 1]} : vector<1x2048xf32> to vector<1x256xf32>
    %max3A_997 = vector.broadcast %slice3A_995 : vector<256x1xf32> to vector<256x256xf32>
    %max3A_998 = vector.broadcast %slice3A_996 : vector<1x256xf32> to vector<256x256xf32>
    %max3A_999 = arith.maximumf %max3A_997, %max3A_998 : vector<256x256xf32>
    %sub3A_1000 = arith.subf %min3A_994, %max3A_999 : vector<256x256xf32>
    %max3A_1001 = arith.constant 0.000000e+00 : f32
    %max3A_1002 = vector.broadcast %max3A_1001 : f32 to vector<256x256xf32>
    %max3A_1003 = arith.maximumf %sub3A_1000, %max3A_1002 : vector<256x256xf32>
    %mul3A_1004 = arith.mulf %max3A_989, %max3A_1003 : vector<256x256xf32>
    %slice3A_1005 = vector.extract_strided_slice %mul3A_149 {offsets = [512, 0], sizes = [256, 1], strides = [1, 1]} : vector<2048x1xf32> to vector<256x1xf32>
    %slice3A_1006 = vector.extract_strided_slice %mul3A_146 {offsets = [0, 768], sizes = [1, 256], strides = [1, 1]} : vector<1x2048xf32> to vector<1x256xf32>
    %add3A_1007 = vector.broadcast %slice3A_1005 : vector<256x1xf32> to vector<256x256xf32>
    %add3A_1008 = vector.broadcast %slice3A_1006 : vector<1x256xf32> to vector<256x256xf32>
    %add3A_1009 = arith.addf %add3A_1007, %add3A_1008 : vector<256x256xf32>
    %sub3A_1010 = arith.subf %add3A_1009, %mul3A_1004 : vector<256x256xf32>
    %max3A_1011 = arith.constant 9.99999993E-9 : f32
    %max3A_1012 = vector.broadcast %max3A_1011 : f32 to vector<256x256xf32>
    %max3A_1013 = arith.maximumf %sub3A_1010, %max3A_1012 : vector<256x256xf32>
    %div3A_1014 = arith.divf %mul3A_1004, %max3A_1013 : vector<256x256xf32>
    %gt3A_1015 = arith.constant 0.699999988 : f32
    %gt3A_1016 = vector.broadcast %gt3A_1015 : f32 to vector<256x256xf32>
    %gt3A_1017 = arith.cmpf ogt, %div3A_1014, %gt3A_1016 : vector<256x256xf32>
    %jit3A_1018 = arith.constant 1.000000e+00 : f32
    %jit3A_1019 = arith.constant 0.000000e+00 : f32
    %broadcast_in_dim3A_1020 = vector.broadcast %jit3A_1018 : f32 to vector<256x256xf32>
    %broadcast_in_dim3A_1021 = vector.broadcast %jit3A_1019 : f32 to vector<256x256xf32>
    %select_n3A_1022 = arith.select %gt3A_1017, %broadcast_in_dim3A_1020, %broadcast_in_dim3A_1021 : vector<256x256xi1>, vector<256x256xf32>
    %convert_element_type3A_1023 = arith.truncf %select_n3A_1022 : vector<256x256xf32> to vector<256x256xbf16>
    %swap3A_1024 = arith.constant 512 : index
    %swap3A_1025 = arith.constant 768 : index
    %swap3A_1026 = vector.load %arg6[%swap3A_1024, %swap3A_1025] : memref<2048x2048xbf16, #tpu.memory_space<vmem>>, vector<256x256xbf16>
    tpu.vector_store %arg6[%swap3A_1024, %swap3A_1025], %convert_element_type3A_1023 {strides = array<i32>} : memref<2048x2048xbf16, #tpu.memory_space<vmem>>, vector<256x256xbf16>,
    %slice3A_1027 = vector.extract_strided_slice %min3A_133 {offsets = [512, 0], sizes = [256, 1], strides = [1, 1]} : vector<2048x1xf32> to vector<256x1xf32>
    %slice3A_1028 = vector.extract_strided_slice %min3A_67 {offsets = [0, 1024], sizes = [1, 256], strides = [1, 1]} : vector<1x2048xf32> to vector<1x256xf32>
    %min3A_1029 = vector.broadcast %slice3A_1027 : vector<256x1xf32> to vector<256x256xf32>
    %min3A_1030 = vector.broadcast %slice3A_1028 : vector<1x256xf32> to vector<256x256xf32>
    %min3A_1031 = arith.minimumf %min3A_1029, %min3A_1030 : vector<256x256xf32>
    %slice3A_1032 = vector.extract_strided_slice %min3A_113 {offsets = [512, 0], sizes = [256, 1], strides = [1, 1]} : vector<2048x1xf32> to vector<256x1xf32>
    %slice3A_1033 = vector.extract_strided_slice %min3A_47 {offsets = [0, 1024], sizes = [1, 256], strides = [1, 1]} : vector<1x2048xf32> to vector<1x256xf32>
    %max3A_1034 = vector.broadcast %slice3A_1032 : vector<256x1xf32> to vector<256x256xf32>
    %max3A_1035 = vector.broadcast %slice3A_1033 : vector<1x256xf32> to vector<256x256xf32>
    %max3A_1036 = arith.maximumf %max3A_1034, %max3A_1035 : vector<256x256xf32>
    %sub3A_1037 = arith.subf %min3A_1031, %max3A_1036 : vector<256x256xf32>
    %max3A_1038 = arith.constant 0.000000e+00 : f32
    %max3A_1039 = vector.broadcast %max3A_1038 : f32 to vector<256x256xf32>
    %max3A_1040 = arith.maximumf %sub3A_1037, %max3A_1039 : vector<256x256xf32>
    %slice3A_1041 = vector.extract_strided_slice %min3A_143 {offsets = [512, 0], sizes = [256, 1], strides = [1, 1]} : vector<2048x1xf32> to vector<256x1xf32>
    %slice3A_1042 = vector.extract_strided_slice %min3A_77 {offsets = [0, 1024], sizes = [1, 256], strides = [1, 1]} : vector<1x2048xf32> to vector<1x256xf32>
    %min3A_1043 = vector.broadcast %slice3A_1041 : vector<256x1xf32> to vector<256x256xf32>
    %min3A_1044 = vector.broadcast %slice3A_1042 : vector<1x256xf32> to vector<256x256xf32>
    %min3A_1045 = arith.minimumf %min3A_1043, %min3A_1044 : vector<256x256xf32>
    %slice3A_1046 = vector.extract_strided_slice %min3A_123 {offsets = [512, 0], sizes = [256, 1], strides = [1, 1]} : vector<2048x1xf32> to vector<256x1xf32>
    %slice3A_1047 = vector.extract_strided_slice %min3A_57 {offsets = [0, 1024], sizes = [1, 256], strides = [1, 1]} : vector<1x2048xf32> to vector<1x256xf32>
    %max3A_1048 = vector.broadcast %slice3A_1046 : vector<256x1xf32> to vector<256x256xf32>
    %max3A_1049 = vector.broadcast %slice3A_1047 : vector<1x256xf32> to vector<256x256xf32>
    %max3A_1050 = arith.maximumf %max3A_1048, %max3A_1049 : vector<256x256xf32>
    %sub3A_1051 = arith.subf %min3A_1045, %max3A_1050 : vector<256x256xf32>
    %max3A_1052 = arith.constant 0.000000e+00 : f32
    %max3A_1053 = vector.broadcast %max3A_1052 : f32 to vector<256x256xf32>
    %max3A_1054 = arith.maximumf %sub3A_1051, %max3A_1053 : vector<256x256xf32>
    %mul3A_1055 = arith.mulf %max3A_1040, %max3A_1054 : vector<256x256xf32>
    %slice3A_1056 = vector.extract_strided_slice %mul3A_149 {offsets = [512, 0], sizes = [256, 1], strides = [1, 1]} : vector<2048x1xf32> to vector<256x1xf32>
    %slice3A_1057 = vector.extract_strided_slice %mul3A_146 {offsets = [0, 1024], sizes = [1, 256], strides = [1, 1]} : vector<1x2048xf32> to vector<1x256xf32>
    %add3A_1058 = vector.broadcast %slice3A_1056 : vector<256x1xf32> to vector<256x256xf32>
    %add3A_1059 = vector.broadcast %slice3A_1057 : vector<1x256xf32> to vector<256x256xf32>
    %add3A_1060 = arith.addf %add3A_1058, %add3A_1059 : vector<256x256xf32>
    %sub3A_1061 = arith.subf %add3A_1060, %mul3A_1055 : vector<256x256xf32>
    %max3A_1062 = arith.constant 9.99999993E-9 : f32
    %max3A_1063 = vector.broadcast %max3A_1062 : f32 to vector<256x256xf32>
    %max3A_1064 = arith.maximumf %sub3A_1061, %max3A_1063 : vector<256x256xf32>
    %div3A_1065 = arith.divf %mul3A_1055, %max3A_1064 : vector<256x256xf32>
    %gt3A_1066 = arith.constant 0.699999988 : f32
    %gt3A_1067 = vector.broadcast %gt3A_1066 : f32 to vector<256x256xf32>
    %gt3A_1068 = arith.cmpf ogt, %div3A_1065, %gt3A_1067 : vector<256x256xf32>
    %jit3A_1069 = arith.constant 1.000000e+00 : f32
    %jit3A_1070 = arith.constant 0.000000e+00 : f32
    %broadcast_in_dim3A_1071 = vector.broadcast %jit3A_1069 : f32 to vector<256x256xf32>
    %broadcast_in_dim3A_1072 = vector.broadcast %jit3A_1070 : f32 to vector<256x256xf32>
    %select_n3A_1073 = arith.select %gt3A_1068, %broadcast_in_dim3A_1071, %broadcast_in_dim3A_1072 : vector<256x256xi1>, vector<256x256xf32>
    %convert_element_type3A_1074 = arith.truncf %select_n3A_1073 : vector<256x256xf32> to vector<256x256xbf16>
    %swap3A_1075 = arith.constant 512 : index
    %swap3A_1076 = arith.constant 1024 : index
    %swap3A_1077 = vector.load %arg6[%swap3A_1075, %swap3A_1076] : memref<2048x2048xbf16, #tpu.memory_space<vmem>>, vector<256x256xbf16>
    tpu.vector_store %arg6[%swap3A_1075, %swap3A_1076], %convert_element_type3A_1074 {strides = array<i32>} : memref<2048x2048xbf16, #tpu.memory_space<vmem>>, vector<256x256xbf16>,
    %slice3A_1078 = vector.extract_strided_slice %min3A_133 {offsets = [512, 0], sizes = [256, 1], strides = [1, 1]} : vector<2048x1xf32> to vector<256x1xf32>
    %slice3A_1079 = vector.extract_strided_slice %min3A_67 {offsets = [0, 1280], sizes = [1, 256], strides = [1, 1]} : vector<1x2048xf32> to vector<1x256xf32>
    %min3A_1080 = vector.broadcast %slice3A_1078 : vector<256x1xf32> to vector<256x256xf32>
    %min3A_1081 = vector.broadcast %slice3A_1079 : vector<1x256xf32> to vector<256x256xf32>
    %min3A_1082 = arith.minimumf %min3A_1080, %min3A_1081 : vector<256x256xf32>
    %slice3A_1083 = vector.extract_strided_slice %min3A_113 {offsets = [512, 0], sizes = [256, 1], strides = [1, 1]} : vector<2048x1xf32> to vector<256x1xf32>
    %slice3A_1084 = vector.extract_strided_slice %min3A_47 {offsets = [0, 1280], sizes = [1, 256], strides = [1, 1]} : vector<1x2048xf32> to vector<1x256xf32>
    %max3A_1085 = vector.broadcast %slice3A_1083 : vector<256x1xf32> to vector<256x256xf32>
    %max3A_1086 = vector.broadcast %slice3A_1084 : vector<1x256xf32> to vector<256x256xf32>
    %max3A_1087 = arith.maximumf %max3A_1085, %max3A_1086 : vector<256x256xf32>
    %sub3A_1088 = arith.subf %min3A_1082, %max3A_1087 : vector<256x256xf32>
    %max3A_1089 = arith.constant 0.000000e+00 : f32
    %max3A_1090 = vector.broadcast %max3A_1089 : f32 to vector<256x256xf32>
    %max3A_1091 = arith.maximumf %sub3A_1088, %max3A_1090 : vector<256x256xf32>
    %slice3A_1092 = vector.extract_strided_slice %min3A_143 {offsets = [512, 0], sizes = [256, 1], strides = [1, 1]} : vector<2048x1xf32> to vector<256x1xf32>
    %slice3A_1093 = vector.extract_strided_slice %min3A_77 {offsets = [0, 1280], sizes = [1, 256], strides = [1, 1]} : vector<1x2048xf32> to vector<1x256xf32>
    %min3A_1094 = vector.broadcast %slice3A_1092 : vector<256x1xf32> to vector<256x256xf32>
    %min3A_1095 = vector.broadcast %slice3A_1093 : vector<1x256xf32> to vector<256x256xf32>
    %min3A_1096 = arith.minimumf %min3A_1094, %min3A_1095 : vector<256x256xf32>
    %slice3A_1097 = vector.extract_strided_slice %min3A_123 {offsets = [512, 0], sizes = [256, 1], strides = [1, 1]} : vector<2048x1xf32> to vector<256x1xf32>
    %slice3A_1098 = vector.extract_strided_slice %min3A_57 {offsets = [0, 1280], sizes = [1, 256], strides = [1, 1]} : vector<1x2048xf32> to vector<1x256xf32>
    %max3A_1099 = vector.broadcast %slice3A_1097 : vector<256x1xf32> to vector<256x256xf32>
    %max3A_1100 = vector.broadcast %slice3A_1098 : vector<1x256xf32> to vector<256x256xf32>
    %max3A_1101 = arith.maximumf %max3A_1099, %max3A_1100 : vector<256x256xf32>
    %sub3A_1102 = arith.subf %min3A_1096, %max3A_1101 : vector<256x256xf32>
    %max3A_1103 = arith.constant 0.000000e+00 : f32
    %max3A_1104 = vector.broadcast %max3A_1103 : f32 to vector<256x256xf32>
    %max3A_1105 = arith.maximumf %sub3A_1102, %max3A_1104 : vector<256x256xf32>
    %mul3A_1106 = arith.mulf %max3A_1091, %max3A_1105 : vector<256x256xf32>
    %slice3A_1107 = vector.extract_strided_slice %mul3A_149 {offsets = [512, 0], sizes = [256, 1], strides = [1, 1]} : vector<2048x1xf32> to vector<256x1xf32>
    %slice3A_1108 = vector.extract_strided_slice %mul3A_146 {offsets = [0, 1280], sizes = [1, 256], strides = [1, 1]} : vector<1x2048xf32> to vector<1x256xf32>
    %add3A_1109 = vector.broadcast %slice3A_1107 : vector<256x1xf32> to vector<256x256xf32>
    %add3A_1110 = vector.broadcast %slice3A_1108 : vector<1x256xf32> to vector<256x256xf32>
    %add3A_1111 = arith.addf %add3A_1109, %add3A_1110 : vector<256x256xf32>
    %sub3A_1112 = arith.subf %add3A_1111, %mul3A_1106 : vector<256x256xf32>
    %max3A_1113 = arith.constant 9.99999993E-9 : f32
    %max3A_1114 = vector.broadcast %max3A_1113 : f32 to vector<256x256xf32>
    %max3A_1115 = arith.maximumf %sub3A_1112, %max3A_1114 : vector<256x256xf32>
    %div3A_1116 = arith.divf %mul3A_1106, %max3A_1115 : vector<256x256xf32>
    %gt3A_1117 = arith.constant 0.699999988 : f32
    %gt3A_1118 = vector.broadcast %gt3A_1117 : f32 to vector<256x256xf32>
    %gt3A_1119 = arith.cmpf ogt, %div3A_1116, %gt3A_1118 : vector<256x256xf32>
    %jit3A_1120 = arith.constant 1.000000e+00 : f32
    %jit3A_1121 = arith.constant 0.000000e+00 : f32
    %broadcast_in_dim3A_1122 = vector.broadcast %jit3A_1120 : f32 to vector<256x256xf32>
    %broadcast_in_dim3A_1123 = vector.broadcast %jit3A_1121 : f32 to vector<256x256xf32>
    %select_n3A_1124 = arith.select %gt3A_1119, %broadcast_in_dim3A_1122, %broadcast_in_dim3A_1123 : vector<256x256xi1>, vector<256x256xf32>
    %convert_element_type3A_1125 = arith.truncf %select_n3A_1124 : vector<256x256xf32> to vector<256x256xbf16>
    %swap3A_1126 = arith.constant 512 : index
    %swap3A_1127 = arith.constant 1280 : index
    %swap3A_1128 = vector.load %arg6[%swap3A_1126, %swap3A_1127] : memref<2048x2048xbf16, #tpu.memory_space<vmem>>, vector<256x256xbf16>
    tpu.vector_store %arg6[%swap3A_1126, %swap3A_1127], %convert_element_type3A_1125 {strides = array<i32>} : memref<2048x2048xbf16, #tpu.memory_space<vmem>>, vector<256x256xbf16>,
    %slice3A_1129 = vector.extract_strided_slice %min3A_133 {offsets = [512, 0], sizes = [256, 1], strides = [1, 1]} : vector<2048x1xf32> to vector<256x1xf32>
    %slice3A_1130 = vector.extract_strided_slice %min3A_67 {offsets = [0, 1536], sizes = [1, 256], strides = [1, 1]} : vector<1x2048xf32> to vector<1x256xf32>
    %min3A_1131 = vector.broadcast %slice3A_1129 : vector<256x1xf32> to vector<256x256xf32>
    %min3A_1132 = vector.broadcast %slice3A_1130 : vector<1x256xf32> to vector<256x256xf32>
    %min3A_1133 = arith.minimumf %min3A_1131, %min3A_1132 : vector<256x256xf32>
    %slice3A_1134 = vector.extract_strided_slice %min3A_113 {offsets = [512, 0], sizes = [256, 1], strides = [1, 1]} : vector<2048x1xf32> to vector<256x1xf32>
    %slice3A_1135 = vector.extract_strided_slice %min3A_47 {offsets = [0, 1536], sizes = [1, 256], strides = [1, 1]} : vector<1x2048xf32> to vector<1x256xf32>
    %max3A_1136 = vector.broadcast %slice3A_1134 : vector<256x1xf32> to vector<256x256xf32>
    %max3A_1137 = vector.broadcast %slice3A_1135 : vector<1x256xf32> to vector<256x256xf32>
    %max3A_1138 = arith.maximumf %max3A_1136, %max3A_1137 : vector<256x256xf32>
    %sub3A_1139 = arith.subf %min3A_1133, %max3A_1138 : vector<256x256xf32>
    %max3A_1140 = arith.constant 0.000000e+00 : f32
    %max3A_1141 = vector.broadcast %max3A_1140 : f32 to vector<256x256xf32>
    %max3A_1142 = arith.maximumf %sub3A_1139, %max3A_1141 : vector<256x256xf32>
    %slice3A_1143 = vector.extract_strided_slice %min3A_143 {offsets = [512, 0], sizes = [256, 1], strides = [1, 1]} : vector<2048x1xf32> to vector<256x1xf32>
    %slice3A_1144 = vector.extract_strided_slice %min3A_77 {offsets = [0, 1536], sizes = [1, 256], strides = [1, 1]} : vector<1x2048xf32> to vector<1x256xf32>
    %min3A_1145 = vector.broadcast %slice3A_1143 : vector<256x1xf32> to vector<256x256xf32>
    %min3A_1146 = vector.broadcast %slice3A_1144 : vector<1x256xf32> to vector<256x256xf32>
    %min3A_1147 = arith.minimumf %min3A_1145, %min3A_1146 : vector<256x256xf32>
    %slice3A_1148 = vector.extract_strided_slice %min3A_123 {offsets = [512, 0], sizes = [256, 1], strides = [1, 1]} : vector<2048x1xf32> to vector<256x1xf32>
    %slice3A_1149 = vector.extract_strided_slice %min3A_57 {offsets = [0, 1536], sizes = [1, 256], strides = [1, 1]} : vector<1x2048xf32> to vector<1x256xf32>
    %max3A_1150 = vector.broadcast %slice3A_1148 : vector<256x1xf32> to vector<256x256xf32>
    %max3A_1151 = vector.broadcast %slice3A_1149 : vector<1x256xf32> to vector<256x256xf32>
    %max3A_1152 = arith.maximumf %max3A_1150, %max3A_1151 : vector<256x256xf32>
    %sub3A_1153 = arith.subf %min3A_1147, %max3A_1152 : vector<256x256xf32>
    %max3A_1154 = arith.constant 0.000000e+00 : f32
    %max3A_1155 = vector.broadcast %max3A_1154 : f32 to vector<256x256xf32>
    %max3A_1156 = arith.maximumf %sub3A_1153, %max3A_1155 : vector<256x256xf32>
    %mul3A_1157 = arith.mulf %max3A_1142, %max3A_1156 : vector<256x256xf32>
    %slice3A_1158 = vector.extract_strided_slice %mul3A_149 {offsets = [512, 0], sizes = [256, 1], strides = [1, 1]} : vector<2048x1xf32> to vector<256x1xf32>
    %slice3A_1159 = vector.extract_strided_slice %mul3A_146 {offsets = [0, 1536], sizes = [1, 256], strides = [1, 1]} : vector<1x2048xf32> to vector<1x256xf32>
    %add3A_1160 = vector.broadcast %slice3A_1158 : vector<256x1xf32> to vector<256x256xf32>
    %add3A_1161 = vector.broadcast %slice3A_1159 : vector<1x256xf32> to vector<256x256xf32>
    %add3A_1162 = arith.addf %add3A_1160, %add3A_1161 : vector<256x256xf32>
    %sub3A_1163 = arith.subf %add3A_1162, %mul3A_1157 : vector<256x256xf32>
    %max3A_1164 = arith.constant 9.99999993E-9 : f32
    %max3A_1165 = vector.broadcast %max3A_1164 : f32 to vector<256x256xf32>
    %max3A_1166 = arith.maximumf %sub3A_1163, %max3A_1165 : vector<256x256xf32>
    %div3A_1167 = arith.divf %mul3A_1157, %max3A_1166 : vector<256x256xf32>
    %gt3A_1168 = arith.constant 0.699999988 : f32
    %gt3A_1169 = vector.broadcast %gt3A_1168 : f32 to vector<256x256xf32>
    %gt3A_1170 = arith.cmpf ogt, %div3A_1167, %gt3A_1169 : vector<256x256xf32>
    %jit3A_1171 = arith.constant 1.000000e+00 : f32
    %jit3A_1172 = arith.constant 0.000000e+00 : f32
    %broadcast_in_dim3A_1173 = vector.broadcast %jit3A_1171 : f32 to vector<256x256xf32>
    %broadcast_in_dim3A_1174 = vector.broadcast %jit3A_1172 : f32 to vector<256x256xf32>
    %select_n3A_1175 = arith.select %gt3A_1170, %broadcast_in_dim3A_1173, %broadcast_in_dim3A_1174 : vector<256x256xi1>, vector<256x256xf32>
    %convert_element_type3A_1176 = arith.truncf %select_n3A_1175 : vector<256x256xf32> to vector<256x256xbf16>
    %swap3A_1177 = arith.constant 512 : index
    %swap3A_1178 = arith.constant 1536 : index
    %swap3A_1179 = vector.load %arg6[%swap3A_1177, %swap3A_1178] : memref<2048x2048xbf16, #tpu.memory_space<vmem>>, vector<256x256xbf16>
    tpu.vector_store %arg6[%swap3A_1177, %swap3A_1178], %convert_element_type3A_1176 {strides = array<i32>} : memref<2048x2048xbf16, #tpu.memory_space<vmem>>, vector<256x256xbf16>,
    %slice3A_1180 = vector.extract_strided_slice %min3A_133 {offsets = [512, 0], sizes = [256, 1], strides = [1, 1]} : vector<2048x1xf32> to vector<256x1xf32>
    %slice3A_1181 = vector.extract_strided_slice %min3A_67 {offsets = [0, 1792], sizes = [1, 256], strides = [1, 1]} : vector<1x2048xf32> to vector<1x256xf32>
    %min3A_1182 = vector.broadcast %slice3A_1180 : vector<256x1xf32> to vector<256x256xf32>
    %min3A_1183 = vector.broadcast %slice3A_1181 : vector<1x256xf32> to vector<256x256xf32>
    %min3A_1184 = arith.minimumf %min3A_1182, %min3A_1183 : vector<256x256xf32>
    %slice3A_1185 = vector.extract_strided_slice %min3A_113 {offsets = [512, 0], sizes = [256, 1], strides = [1, 1]} : vector<2048x1xf32> to vector<256x1xf32>
    %slice3A_1186 = vector.extract_strided_slice %min3A_47 {offsets = [0, 1792], sizes = [1, 256], strides = [1, 1]} : vector<1x2048xf32> to vector<1x256xf32>
    %max3A_1187 = vector.broadcast %slice3A_1185 : vector<256x1xf32> to vector<256x256xf32>
    %max3A_1188 = vector.broadcast %slice3A_1186 : vector<1x256xf32> to vector<256x256xf32>
    %max3A_1189 = arith.maximumf %max3A_1187, %max3A_1188 : vector<256x256xf32>
    %sub3A_1190 = arith.subf %min3A_1184, %max3A_1189 : vector<256x256xf32>
    %max3A_1191 = arith.constant 0.000000e+00 : f32
    %max3A_1192 = vector.broadcast %max3A_1191 : f32 to vector<256x256xf32>
    %max3A_1193 = arith.maximumf %sub3A_1190, %max3A_1192 : vector<256x256xf32>
    %slice3A_1194 = vector.extract_strided_slice %min3A_143 {offsets = [512, 0], sizes = [256, 1], strides = [1, 1]} : vector<2048x1xf32> to vector<256x1xf32>
    %slice3A_1195 = vector.extract_strided_slice %min3A_77 {offsets = [0, 1792], sizes = [1, 256], strides = [1, 1]} : vector<1x2048xf32> to vector<1x256xf32>
    %min3A_1196 = vector.broadcast %slice3A_1194 : vector<256x1xf32> to vector<256x256xf32>
    %min3A_1197 = vector.broadcast %slice3A_1195 : vector<1x256xf32> to vector<256x256xf32>
    %min3A_1198 = arith.minimumf %min3A_1196, %min3A_1197 : vector<256x256xf32>
    %slice3A_1199 = vector.extract_strided_slice %min3A_123 {offsets = [512, 0], sizes = [256, 1], strides = [1, 1]} : vector<2048x1xf32> to vector<256x1xf32>
    %slice3A_1200 = vector.extract_strided_slice %min3A_57 {offsets = [0, 1792], sizes = [1, 256], strides = [1, 1]} : vector<1x2048xf32> to vector<1x256xf32>
    %max3A_1201 = vector.broadcast %slice3A_1199 : vector<256x1xf32> to vector<256x256xf32>
    %max3A_1202 = vector.broadcast %slice3A_1200 : vector<1x256xf32> to vector<256x256xf32>
    %max3A_1203 = arith.maximumf %max3A_1201, %max3A_1202 : vector<256x256xf32>
    %sub3A_1204 = arith.subf %min3A_1198, %max3A_1203 : vector<256x256xf32>
    %max3A_1205 = arith.constant 0.000000e+00 : f32
    %max3A_1206 = vector.broadcast %max3A_1205 : f32 to vector<256x256xf32>
    %max3A_1207 = arith.maximumf %sub3A_1204, %max3A_1206 : vector<256x256xf32>
    %mul3A_1208 = arith.mulf %max3A_1193, %max3A_1207 : vector<256x256xf32>
    %slice3A_1209 = vector.extract_strided_slice %mul3A_149 {offsets = [512, 0], sizes = [256, 1], strides = [1, 1]} : vector<2048x1xf32> to vector<256x1xf32>
    %slice3A_1210 = vector.extract_strided_slice %mul3A_146 {offsets = [0, 1792], sizes = [1, 256], strides = [1, 1]} : vector<1x2048xf32> to vector<1x256xf32>
    %add3A_1211 = vector.broadcast %slice3A_1209 : vector<256x1xf32> to vector<256x256xf32>
    %add3A_1212 = vector.broadcast %slice3A_1210 : vector<1x256xf32> to vector<256x256xf32>
    %add3A_1213 = arith.addf %add3A_1211, %add3A_1212 : vector<256x256xf32>
    %sub3A_1214 = arith.subf %add3A_1213, %mul3A_1208 : vector<256x256xf32>
    %max3A_1215 = arith.constant 9.99999993E-9 : f32
    %max3A_1216 = vector.broadcast %max3A_1215 : f32 to vector<256x256xf32>
    %max3A_1217 = arith.maximumf %sub3A_1214, %max3A_1216 : vector<256x256xf32>
    %div3A_1218 = arith.divf %mul3A_1208, %max3A_1217 : vector<256x256xf32>
    %gt3A_1219 = arith.constant 0.699999988 : f32
    %gt3A_1220 = vector.broadcast %gt3A_1219 : f32 to vector<256x256xf32>
    %gt3A_1221 = arith.cmpf ogt, %div3A_1218, %gt3A_1220 : vector<256x256xf32>
    %jit3A_1222 = arith.constant 1.000000e+00 : f32
    %jit3A_1223 = arith.constant 0.000000e+00 : f32
    %broadcast_in_dim3A_1224 = vector.broadcast %jit3A_1222 : f32 to vector<256x256xf32>
    %broadcast_in_dim3A_1225 = vector.broadcast %jit3A_1223 : f32 to vector<256x256xf32>
    %select_n3A_1226 = arith.select %gt3A_1221, %broadcast_in_dim3A_1224, %broadcast_in_dim3A_1225 : vector<256x256xi1>, vector<256x256xf32>
    %convert_element_type3A_1227 = arith.truncf %select_n3A_1226 : vector<256x256xf32> to vector<256x256xbf16>
    %swap3A_1228 = arith.constant 512 : index
    %swap3A_1229 = arith.constant 1792 : index
    %swap3A_1230 = vector.load %arg6[%swap3A_1228, %swap3A_1229] : memref<2048x2048xbf16, #tpu.memory_space<vmem>>, vector<256x256xbf16>
    tpu.vector_store %arg6[%swap3A_1228, %swap3A_1229], %convert_element_type3A_1227 {strides = array<i32>} : memref<2048x2048xbf16, #tpu.memory_space<vmem>>, vector<256x256xbf16>,
    %swap3A_1231 = arith.constant 768 : index
    %swap3A_1232 = arith.constant 0 : index
    %swap3A_1233 = vector.load %arg6[%swap3A_1231, %swap3A_1232] : memref<2048x2048xbf16, #tpu.memory_space<vmem>>, vector<256x256xbf16>
    tpu.vector_store %arg6[%swap3A_1231, %swap3A_1232], %broadcast_in_dim3A_150 {strides = array<i32>} : memref<2048x2048xbf16, #tpu.memory_space<vmem>>, vector<256x256xbf16>,
    %swap3A_1234 = arith.constant 768 : index
    %swap3A_1235 = arith.constant 256 : index
    %swap3A_1236 = vector.load %arg6[%swap3A_1234, %swap3A_1235] : memref<2048x2048xbf16, #tpu.memory_space<vmem>>, vector<256x256xbf16>
    tpu.vector_store %arg6[%swap3A_1234, %swap3A_1235], %broadcast_in_dim3A_150 {strides = array<i32>} : memref<2048x2048xbf16, #tpu.memory_space<vmem>>, vector<256x256xbf16>,
    %swap3A_1237 = arith.constant 768 : index
    %swap3A_1238 = arith.constant 512 : index
    %swap3A_1239 = vector.load %arg6[%swap3A_1237, %swap3A_1238] : memref<2048x2048xbf16, #tpu.memory_space<vmem>>, vector<256x256xbf16>
    tpu.vector_store %arg6[%swap3A_1237, %swap3A_1238], %broadcast_in_dim3A_150 {strides = array<i32>} : memref<2048x2048xbf16, #tpu.memory_space<vmem>>, vector<256x256xbf16>,
    %slice3A_1240 = vector.extract_strided_slice %min3A_133 {offsets = [768, 0], sizes = [256, 1], strides = [1, 1]} : vector<2048x1xf32> to vector<256x1xf32>
    %slice3A_1241 = vector.extract_strided_slice %min3A_67 {offsets = [0, 768], sizes = [1, 256], strides = [1, 1]} : vector<1x2048xf32> to vector<1x256xf32>
    %min3A_1242 = vector.broadcast %slice3A_1240 : vector<256x1xf32> to vector<256x256xf32>
    %min3A_1243 = vector.broadcast %slice3A_1241 : vector<1x256xf32> to vector<256x256xf32>
    %min3A_1244 = arith.minimumf %min3A_1242, %min3A_1243 : vector<256x256xf32>
    %slice3A_1245 = vector.extract_strided_slice %min3A_113 {offsets = [768, 0], sizes = [256, 1], strides = [1, 1]} : vector<2048x1xf32> to vector<256x1xf32>
    %slice3A_1246 = vector.extract_strided_slice %min3A_47 {offsets = [0, 768], sizes = [1, 256], strides = [1, 1]} : vector<1x2048xf32> to vector<1x256xf32>
    %max3A_1247 = vector.broadcast %slice3A_1245 : vector<256x1xf32> to vector<256x256xf32>
    %max3A_1248 = vector.broadcast %slice3A_1246 : vector<1x256xf32> to vector<256x256xf32>
    %max3A_1249 = arith.maximumf %max3A_1247, %max3A_1248 : vector<256x256xf32>
    %sub3A_1250 = arith.subf %min3A_1244, %max3A_1249 : vector<256x256xf32>
    %max3A_1251 = arith.constant 0.000000e+00 : f32
    %max3A_1252 = vector.broadcast %max3A_1251 : f32 to vector<256x256xf32>
    %max3A_1253 = arith.maximumf %sub3A_1250, %max3A_1252 : vector<256x256xf32>
    %slice3A_1254 = vector.extract_strided_slice %min3A_143 {offsets = [768, 0], sizes = [256, 1], strides = [1, 1]} : vector<2048x1xf32> to vector<256x1xf32>
    %slice3A_1255 = vector.extract_strided_slice %min3A_77 {offsets = [0, 768], sizes = [1, 256], strides = [1, 1]} : vector<1x2048xf32> to vector<1x256xf32>
    %min3A_1256 = vector.broadcast %slice3A_1254 : vector<256x1xf32> to vector<256x256xf32>
    %min3A_1257 = vector.broadcast %slice3A_1255 : vector<1x256xf32> to vector<256x256xf32>
    %min3A_1258 = arith.minimumf %min3A_1256, %min3A_1257 : vector<256x256xf32>
    %slice3A_1259 = vector.extract_strided_slice %min3A_123 {offsets = [768, 0], sizes = [256, 1], strides = [1, 1]} : vector<2048x1xf32> to vector<256x1xf32>
    %slice3A_1260 = vector.extract_strided_slice %min3A_57 {offsets = [0, 768], sizes = [1, 256], strides = [1, 1]} : vector<1x2048xf32> to vector<1x256xf32>
    %max3A_1261 = vector.broadcast %slice3A_1259 : vector<256x1xf32> to vector<256x256xf32>
    %max3A_1262 = vector.broadcast %slice3A_1260 : vector<1x256xf32> to vector<256x256xf32>
    %max3A_1263 = arith.maximumf %max3A_1261, %max3A_1262 : vector<256x256xf32>
    %sub3A_1264 = arith.subf %min3A_1258, %max3A_1263 : vector<256x256xf32>
    %max3A_1265 = arith.constant 0.000000e+00 : f32
    %max3A_1266 = vector.broadcast %max3A_1265 : f32 to vector<256x256xf32>
    %max3A_1267 = arith.maximumf %sub3A_1264, %max3A_1266 : vector<256x256xf32>
    %mul3A_1268 = arith.mulf %max3A_1253, %max3A_1267 : vector<256x256xf32>
    %slice3A_1269 = vector.extract_strided_slice %mul3A_149 {offsets = [768, 0], sizes = [256, 1], strides = [1, 1]} : vector<2048x1xf32> to vector<256x1xf32>
    %slice3A_1270 = vector.extract_strided_slice %mul3A_146 {offsets = [0, 768], sizes = [1, 256], strides = [1, 1]} : vector<1x2048xf32> to vector<1x256xf32>
    %add3A_1271 = vector.broadcast %slice3A_1269 : vector<256x1xf32> to vector<256x256xf32>
    %add3A_1272 = vector.broadcast %slice3A_1270 : vector<1x256xf32> to vector<256x256xf32>
    %add3A_1273 = arith.addf %add3A_1271, %add3A_1272 : vector<256x256xf32>
    %sub3A_1274 = arith.subf %add3A_1273, %mul3A_1268 : vector<256x256xf32>
    %max3A_1275 = arith.constant 9.99999993E-9 : f32
    %max3A_1276 = vector.broadcast %max3A_1275 : f32 to vector<256x256xf32>
    %max3A_1277 = arith.maximumf %sub3A_1274, %max3A_1276 : vector<256x256xf32>
    %div3A_1278 = arith.divf %mul3A_1268, %max3A_1277 : vector<256x256xf32>
    %gt3A_1279 = arith.constant 0.699999988 : f32
    %gt3A_1280 = vector.broadcast %gt3A_1279 : f32 to vector<256x256xf32>
    %gt3A_1281 = arith.cmpf ogt, %div3A_1278, %gt3A_1280 : vector<256x256xf32>
    %lt3A_1282 = arith.cmpi slt, %iota3A, %iota3A_151 : vector<256x256xi32>
    %and3A_1283 = arith.andi %gt3A_1281, %lt3A_1282 : vector<256x256xi1>
    %jit3A_1284 = arith.constant 1.000000e+00 : f32
    %jit3A_1285 = arith.constant 0.000000e+00 : f32
    %broadcast_in_dim3A_1286 = vector.broadcast %jit3A_1284 : f32 to vector<256x256xf32>
    %broadcast_in_dim3A_1287 = vector.broadcast %jit3A_1285 : f32 to vector<256x256xf32>
    %select_n3A_1288 = arith.select %and3A_1283, %broadcast_in_dim3A_1286, %broadcast_in_dim3A_1287 : vector<256x256xi1>, vector<256x256xf32>
    %convert_element_type3A_1289 = arith.truncf %select_n3A_1288 : vector<256x256xf32> to vector<256x256xbf16>
    %swap3A_1290 = arith.constant 768 : index
    %swap3A_1291 = arith.constant 768 : index
    %swap3A_1292 = vector.load %arg6[%swap3A_1290, %swap3A_1291] : memref<2048x2048xbf16, #tpu.memory_space<vmem>>, vector<256x256xbf16>
    tpu.vector_store %arg6[%swap3A_1290, %swap3A_1291], %convert_element_type3A_1289 {strides = array<i32>} : memref<2048x2048xbf16, #tpu.memory_space<vmem>>, vector<256x256xbf16>,
    %slice3A_1293 = vector.extract_strided_slice %min3A_133 {offsets = [768, 0], sizes = [256, 1], strides = [1, 1]} : vector<2048x1xf32> to vector<256x1xf32>
    %slice3A_1294 = vector.extract_strided_slice %min3A_67 {offsets = [0, 1024], sizes = [1, 256], strides = [1, 1]} : vector<1x2048xf32> to vector<1x256xf32>
    %min3A_1295 = vector.broadcast %slice3A_1293 : vector<256x1xf32> to vector<256x256xf32>
    %min3A_1296 = vector.broadcast %slice3A_1294 : vector<1x256xf32> to vector<256x256xf32>
    %min3A_1297 = arith.minimumf %min3A_1295, %min3A_1296 : vector<256x256xf32>
    %slice3A_1298 = vector.extract_strided_slice %min3A_113 {offsets = [768, 0], sizes = [256, 1], strides = [1, 1]} : vector<2048x1xf32> to vector<256x1xf32>
    %slice3A_1299 = vector.extract_strided_slice %min3A_47 {offsets = [0, 1024], sizes = [1, 256], strides = [1, 1]} : vector<1x2048xf32> to vector<1x256xf32>
    %max3A_1300 = vector.broadcast %slice3A_1298 : vector<256x1xf32> to vector<256x256xf32>
    %max3A_1301 = vector.broadcast %slice3A_1299 : vector<1x256xf32> to vector<256x256xf32>
    %max3A_1302 = arith.maximumf %max3A_1300, %max3A_1301 : vector<256x256xf32>
    %sub3A_1303 = arith.subf %min3A_1297, %max3A_1302 : vector<256x256xf32>
    %max3A_1304 = arith.constant 0.000000e+00 : f32
    %max3A_1305 = vector.broadcast %max3A_1304 : f32 to vector<256x256xf32>
    %max3A_1306 = arith.maximumf %sub3A_1303, %max3A_1305 : vector<256x256xf32>
    %slice3A_1307 = vector.extract_strided_slice %min3A_143 {offsets = [768, 0], sizes = [256, 1], strides = [1, 1]} : vector<2048x1xf32> to vector<256x1xf32>
    %slice3A_1308 = vector.extract_strided_slice %min3A_77 {offsets = [0, 1024], sizes = [1, 256], strides = [1, 1]} : vector<1x2048xf32> to vector<1x256xf32>
    %min3A_1309 = vector.broadcast %slice3A_1307 : vector<256x1xf32> to vector<256x256xf32>
    %min3A_1310 = vector.broadcast %slice3A_1308 : vector<1x256xf32> to vector<256x256xf32>
    %min3A_1311 = arith.minimumf %min3A_1309, %min3A_1310 : vector<256x256xf32>
    %slice3A_1312 = vector.extract_strided_slice %min3A_123 {offsets = [768, 0], sizes = [256, 1], strides = [1, 1]} : vector<2048x1xf32> to vector<256x1xf32>
    %slice3A_1313 = vector.extract_strided_slice %min3A_57 {offsets = [0, 1024], sizes = [1, 256], strides = [1, 1]} : vector<1x2048xf32> to vector<1x256xf32>
    %max3A_1314 = vector.broadcast %slice3A_1312 : vector<256x1xf32> to vector<256x256xf32>
    %max3A_1315 = vector.broadcast %slice3A_1313 : vector<1x256xf32> to vector<256x256xf32>
    %max3A_1316 = arith.maximumf %max3A_1314, %max3A_1315 : vector<256x256xf32>
    %sub3A_1317 = arith.subf %min3A_1311, %max3A_1316 : vector<256x256xf32>
    %max3A_1318 = arith.constant 0.000000e+00 : f32
    %max3A_1319 = vector.broadcast %max3A_1318 : f32 to vector<256x256xf32>
    %max3A_1320 = arith.maximumf %sub3A_1317, %max3A_1319 : vector<256x256xf32>
    %mul3A_1321 = arith.mulf %max3A_1306, %max3A_1320 : vector<256x256xf32>
    %slice3A_1322 = vector.extract_strided_slice %mul3A_149 {offsets = [768, 0], sizes = [256, 1], strides = [1, 1]} : vector<2048x1xf32> to vector<256x1xf32>
    %slice3A_1323 = vector.extract_strided_slice %mul3A_146 {offsets = [0, 1024], sizes = [1, 256], strides = [1, 1]} : vector<1x2048xf32> to vector<1x256xf32>
    %add3A_1324 = vector.broadcast %slice3A_1322 : vector<256x1xf32> to vector<256x256xf32>
    %add3A_1325 = vector.broadcast %slice3A_1323 : vector<1x256xf32> to vector<256x256xf32>
    %add3A_1326 = arith.addf %add3A_1324, %add3A_1325 : vector<256x256xf32>
    %sub3A_1327 = arith.subf %add3A_1326, %mul3A_1321 : vector<256x256xf32>
    %max3A_1328 = arith.constant 9.99999993E-9 : f32
    %max3A_1329 = vector.broadcast %max3A_1328 : f32 to vector<256x256xf32>
    %max3A_1330 = arith.maximumf %sub3A_1327, %max3A_1329 : vector<256x256xf32>
    %div3A_1331 = arith.divf %mul3A_1321, %max3A_1330 : vector<256x256xf32>
    %gt3A_1332 = arith.constant 0.699999988 : f32
    %gt3A_1333 = vector.broadcast %gt3A_1332 : f32 to vector<256x256xf32>
    %gt3A_1334 = arith.cmpf ogt, %div3A_1331, %gt3A_1333 : vector<256x256xf32>
    %jit3A_1335 = arith.constant 1.000000e+00 : f32
    %jit3A_1336 = arith.constant 0.000000e+00 : f32
    %broadcast_in_dim3A_1337 = vector.broadcast %jit3A_1335 : f32 to vector<256x256xf32>
    %broadcast_in_dim3A_1338 = vector.broadcast %jit3A_1336 : f32 to vector<256x256xf32>
    %select_n3A_1339 = arith.select %gt3A_1334, %broadcast_in_dim3A_1337, %broadcast_in_dim3A_1338 : vector<256x256xi1>, vector<256x256xf32>
    %convert_element_type3A_1340 = arith.truncf %select_n3A_1339 : vector<256x256xf32> to vector<256x256xbf16>
    %swap3A_1341 = arith.constant 768 : index
    %swap3A_1342 = arith.constant 1024 : index
    %swap3A_1343 = vector.load %arg6[%swap3A_1341, %swap3A_1342] : memref<2048x2048xbf16, #tpu.memory_space<vmem>>, vector<256x256xbf16>
    tpu.vector_store %arg6[%swap3A_1341, %swap3A_1342], %convert_element_type3A_1340 {strides = array<i32>} : memref<2048x2048xbf16, #tpu.memory_space<vmem>>, vector<256x256xbf16>,
    %slice3A_1344 = vector.extract_strided_slice %min3A_133 {offsets = [768, 0], sizes = [256, 1], strides = [1, 1]} : vector<2048x1xf32> to vector<256x1xf32>
    %slice3A_1345 = vector.extract_strided_slice %min3A_67 {offsets = [0, 1280], sizes = [1, 256], strides = [1, 1]} : vector<1x2048xf32> to vector<1x256xf32>
    %min3A_1346 = vector.broadcast %slice3A_1344 : vector<256x1xf32> to vector<256x256xf32>
    %min3A_1347 = vector.broadcast %slice3A_1345 : vector<1x256xf32> to vector<256x256xf32>
    %min3A_1348 = arith.minimumf %min3A_1346, %min3A_1347 : vector<256x256xf32>
    %slice3A_1349 = vector.extract_strided_slice %min3A_113 {offsets = [768, 0], sizes = [256, 1], strides = [1, 1]} : vector<2048x1xf32> to vector<256x1xf32>
    %slice3A_1350 = vector.extract_strided_slice %min3A_47 {offsets = [0, 1280], sizes = [1, 256], strides = [1, 1]} : vector<1x2048xf32> to vector<1x256xf32>
    %max3A_1351 = vector.broadcast %slice3A_1349 : vector<256x1xf32> to vector<256x256xf32>
    %max3A_1352 = vector.broadcast %slice3A_1350 : vector<1x256xf32> to vector<256x256xf32>
    %max3A_1353 = arith.maximumf %max3A_1351, %max3A_1352 : vector<256x256xf32>
    %sub3A_1354 = arith.subf %min3A_1348, %max3A_1353 : vector<256x256xf32>
    %max3A_1355 = arith.constant 0.000000e+00 : f32
    %max3A_1356 = vector.broadcast %max3A_1355 : f32 to vector<256x256xf32>
    %max3A_1357 = arith.maximumf %sub3A_1354, %max3A_1356 : vector<256x256xf32>
    %slice3A_1358 = vector.extract_strided_slice %min3A_143 {offsets = [768, 0], sizes = [256, 1], strides = [1, 1]} : vector<2048x1xf32> to vector<256x1xf32>
    %slice3A_1359 = vector.extract_strided_slice %min3A_77 {offsets = [0, 1280], sizes = [1, 256], strides = [1, 1]} : vector<1x2048xf32> to vector<1x256xf32>
    %min3A_1360 = vector.broadcast %slice3A_1358 : vector<256x1xf32> to vector<256x256xf32>
    %min3A_1361 = vector.broadcast %slice3A_1359 : vector<1x256xf32> to vector<256x256xf32>
    %min3A_1362 = arith.minimumf %min3A_1360, %min3A_1361 : vector<256x256xf32>
    %slice3A_1363 = vector.extract_strided_slice %min3A_123 {offsets = [768, 0], sizes = [256, 1], strides = [1, 1]} : vector<2048x1xf32> to vector<256x1xf32>
    %slice3A_1364 = vector.extract_strided_slice %min3A_57 {offsets = [0, 1280], sizes = [1, 256], strides = [1, 1]} : vector<1x2048xf32> to vector<1x256xf32>
    %max3A_1365 = vector.broadcast %slice3A_1363 : vector<256x1xf32> to vector<256x256xf32>
    %max3A_1366 = vector.broadcast %slice3A_1364 : vector<1x256xf32> to vector<256x256xf32>
    %max3A_1367 = arith.maximumf %max3A_1365, %max3A_1366 : vector<256x256xf32>
    %sub3A_1368 = arith.subf %min3A_1362, %max3A_1367 : vector<256x256xf32>
    %max3A_1369 = arith.constant 0.000000e+00 : f32
    %max3A_1370 = vector.broadcast %max3A_1369 : f32 to vector<256x256xf32>
    %max3A_1371 = arith.maximumf %sub3A_1368, %max3A_1370 : vector<256x256xf32>
    %mul3A_1372 = arith.mulf %max3A_1357, %max3A_1371 : vector<256x256xf32>
    %slice3A_1373 = vector.extract_strided_slice %mul3A_149 {offsets = [768, 0], sizes = [256, 1], strides = [1, 1]} : vector<2048x1xf32> to vector<256x1xf32>
    %slice3A_1374 = vector.extract_strided_slice %mul3A_146 {offsets = [0, 1280], sizes = [1, 256], strides = [1, 1]} : vector<1x2048xf32> to vector<1x256xf32>
    %add3A_1375 = vector.broadcast %slice3A_1373 : vector<256x1xf32> to vector<256x256xf32>
    %add3A_1376 = vector.broadcast %slice3A_1374 : vector<1x256xf32> to vector<256x256xf32>
    %add3A_1377 = arith.addf %add3A_1375, %add3A_1376 : vector<256x256xf32>
    %sub3A_1378 = arith.subf %add3A_1377, %mul3A_1372 : vector<256x256xf32>
    %max3A_1379 = arith.constant 9.99999993E-9 : f32
    %max3A_1380 = vector.broadcast %max3A_1379 : f32 to vector<256x256xf32>
    %max3A_1381 = arith.maximumf %sub3A_1378, %max3A_1380 : vector<256x256xf32>
    %div3A_1382 = arith.divf %mul3A_1372, %max3A_1381 : vector<256x256xf32>
    %gt3A_1383 = arith.constant 0.699999988 : f32
    %gt3A_1384 = vector.broadcast %gt3A_1383 : f32 to vector<256x256xf32>
    %gt3A_1385 = arith.cmpf ogt, %div3A_1382, %gt3A_1384 : vector<256x256xf32>
    %jit3A_1386 = arith.constant 1.000000e+00 : f32
    %jit3A_1387 = arith.constant 0.000000e+00 : f32
    %broadcast_in_dim3A_1388 = vector.broadcast %jit3A_1386 : f32 to vector<256x256xf32>
    %broadcast_in_dim3A_1389 = vector.broadcast %jit3A_1387 : f32 to vector<256x256xf32>
    %select_n3A_1390 = arith.select %gt3A_1385, %broadcast_in_dim3A_1388, %broadcast_in_dim3A_1389 : vector<256x256xi1>, vector<256x256xf32>
    %convert_element_type3A_1391 = arith.truncf %select_n3A_1390 : vector<256x256xf32> to vector<256x256xbf16>
    %swap3A_1392 = arith.constant 768 : index
    %swap3A_1393 = arith.constant 1280 : index
    %swap3A_1394 = vector.load %arg6[%swap3A_1392, %swap3A_1393] : memref<2048x2048xbf16, #tpu.memory_space<vmem>>, vector<256x256xbf16>
    tpu.vector_store %arg6[%swap3A_1392, %swap3A_1393], %convert_element_type3A_1391 {strides = array<i32>} : memref<2048x2048xbf16, #tpu.memory_space<vmem>>, vector<256x256xbf16>,
    %slice3A_1395 = vector.extract_strided_slice %min3A_133 {offsets = [768, 0], sizes = [256, 1], strides = [1, 1]} : vector<2048x1xf32> to vector<256x1xf32>
    %slice3A_1396 = vector.extract_strided_slice %min3A_67 {offsets = [0, 1536], sizes = [1, 256], strides = [1, 1]} : vector<1x2048xf32> to vector<1x256xf32>
    %min3A_1397 = vector.broadcast %slice3A_1395 : vector<256x1xf32> to vector<256x256xf32>
    %min3A_1398 = vector.broadcast %slice3A_1396 : vector<1x256xf32> to vector<256x256xf32>
    %min3A_1399 = arith.minimumf %min3A_1397, %min3A_1398 : vector<256x256xf32>
    %slice3A_1400 = vector.extract_strided_slice %min3A_113 {offsets = [768, 0], sizes = [256, 1], strides = [1, 1]} : vector<2048x1xf32> to vector<256x1xf32>
    %slice3A_1401 = vector.extract_strided_slice %min3A_47 {offsets = [0, 1536], sizes = [1, 256], strides = [1, 1]} : vector<1x2048xf32> to vector<1x256xf32>
    %max3A_1402 = vector.broadcast %slice3A_1400 : vector<256x1xf32> to vector<256x256xf32>
    %max3A_1403 = vector.broadcast %slice3A_1401 : vector<1x256xf32> to vector<256x256xf32>
    %max3A_1404 = arith.maximumf %max3A_1402, %max3A_1403 : vector<256x256xf32>
    %sub3A_1405 = arith.subf %min3A_1399, %max3A_1404 : vector<256x256xf32>
    %max3A_1406 = arith.constant 0.000000e+00 : f32
    %max3A_1407 = vector.broadcast %max3A_1406 : f32 to vector<256x256xf32>
    %max3A_1408 = arith.maximumf %sub3A_1405, %max3A_1407 : vector<256x256xf32>
    %slice3A_1409 = vector.extract_strided_slice %min3A_143 {offsets = [768, 0], sizes = [256, 1], strides = [1, 1]} : vector<2048x1xf32> to vector<256x1xf32>
    %slice3A_1410 = vector.extract_strided_slice %min3A_77 {offsets = [0, 1536], sizes = [1, 256], strides = [1, 1]} : vector<1x2048xf32> to vector<1x256xf32>
    %min3A_1411 = vector.broadcast %slice3A_1409 : vector<256x1xf32> to vector<256x256xf32>
    %min3A_1412 = vector.broadcast %slice3A_1410 : vector<1x256xf32> to vector<256x256xf32>
    %min3A_1413 = arith.minimumf %min3A_1411, %min3A_1412 : vector<256x256xf32>
    %slice3A_1414 = vector.extract_strided_slice %min3A_123 {offsets = [768, 0], sizes = [256, 1], strides = [1, 1]} : vector<2048x1xf32> to vector<256x1xf32>
    %slice3A_1415 = vector.extract_strided_slice %min3A_57 {offsets = [0, 1536], sizes = [1, 256], strides = [1, 1]} : vector<1x2048xf32> to vector<1x256xf32>
    %max3A_1416 = vector.broadcast %slice3A_1414 : vector<256x1xf32> to vector<256x256xf32>
    %max3A_1417 = vector.broadcast %slice3A_1415 : vector<1x256xf32> to vector<256x256xf32>
    %max3A_1418 = arith.maximumf %max3A_1416, %max3A_1417 : vector<256x256xf32>
    %sub3A_1419 = arith.subf %min3A_1413, %max3A_1418 : vector<256x256xf32>
    %max3A_1420 = arith.constant 0.000000e+00 : f32
    %max3A_1421 = vector.broadcast %max3A_1420 : f32 to vector<256x256xf32>
    %max3A_1422 = arith.maximumf %sub3A_1419, %max3A_1421 : vector<256x256xf32>
    %mul3A_1423 = arith.mulf %max3A_1408, %max3A_1422 : vector<256x256xf32>
    %slice3A_1424 = vector.extract_strided_slice %mul3A_149 {offsets = [768, 0], sizes = [256, 1], strides = [1, 1]} : vector<2048x1xf32> to vector<256x1xf32>
    %slice3A_1425 = vector.extract_strided_slice %mul3A_146 {offsets = [0, 1536], sizes = [1, 256], strides = [1, 1]} : vector<1x2048xf32> to vector<1x256xf32>
    %add3A_1426 = vector.broadcast %slice3A_1424 : vector<256x1xf32> to vector<256x256xf32>
    %add3A_1427 = vector.broadcast %slice3A_1425 : vector<1x256xf32> to vector<256x256xf32>
    %add3A_1428 = arith.addf %add3A_1426, %add3A_1427 : vector<256x256xf32>
    %sub3A_1429 = arith.subf %add3A_1428, %mul3A_1423 : vector<256x256xf32>
    %max3A_1430 = arith.constant 9.99999993E-9 : f32
    %max3A_1431 = vector.broadcast %max3A_1430 : f32 to vector<256x256xf32>
    %max3A_1432 = arith.maximumf %sub3A_1429, %max3A_1431 : vector<256x256xf32>
    %div3A_1433 = arith.divf %mul3A_1423, %max3A_1432 : vector<256x256xf32>
    %gt3A_1434 = arith.constant 0.699999988 : f32
    %gt3A_1435 = vector.broadcast %gt3A_1434 : f32 to vector<256x256xf32>
    %gt3A_1436 = arith.cmpf ogt, %div3A_1433, %gt3A_1435 : vector<256x256xf32>
    %jit3A_1437 = arith.constant 1.000000e+00 : f32
    %jit3A_1438 = arith.constant 0.000000e+00 : f32
    %broadcast_in_dim3A_1439 = vector.broadcast %jit3A_1437 : f32 to vector<256x256xf32>
    %broadcast_in_dim3A_1440 = vector.broadcast %jit3A_1438 : f32 to vector<256x256xf32>
    %select_n3A_1441 = arith.select %gt3A_1436, %broadcast_in_dim3A_1439, %broadcast_in_dim3A_1440 : vector<256x256xi1>, vector<256x256xf32>
    %convert_element_type3A_1442 = arith.truncf %select_n3A_1441 : vector<256x256xf32> to vector<256x256xbf16>
    %swap3A_1443 = arith.constant 768 : index
    %swap3A_1444 = arith.constant 1536 : index
    %swap3A_1445 = vector.load %arg6[%swap3A_1443, %swap3A_1444] : memref<2048x2048xbf16, #tpu.memory_space<vmem>>, vector<256x256xbf16>
    tpu.vector_store %arg6[%swap3A_1443, %swap3A_1444], %convert_element_type3A_1442 {strides = array<i32>} : memref<2048x2048xbf16, #tpu.memory_space<vmem>>, vector<256x256xbf16>,
    %slice3A_1446 = vector.extract_strided_slice %min3A_133 {offsets = [768, 0], sizes = [256, 1], strides = [1, 1]} : vector<2048x1xf32> to vector<256x1xf32>
    %slice3A_1447 = vector.extract_strided_slice %min3A_67 {offsets = [0, 1792], sizes = [1, 256], strides = [1, 1]} : vector<1x2048xf32> to vector<1x256xf32>
    %min3A_1448 = vector.broadcast %slice3A_1446 : vector<256x1xf32> to vector<256x256xf32>
    %min3A_1449 = vector.broadcast %slice3A_1447 : vector<1x256xf32> to vector<256x256xf32>
    %min3A_1450 = arith.minimumf %min3A_1448, %min3A_1449 : vector<256x256xf32>
    %slice3A_1451 = vector.extract_strided_slice %min3A_113 {offsets = [768, 0], sizes = [256, 1], strides = [1, 1]} : vector<2048x1xf32> to vector<256x1xf32>
    %slice3A_1452 = vector.extract_strided_slice %min3A_47 {offsets = [0, 1792], sizes = [1, 256], strides = [1, 1]} : vector<1x2048xf32> to vector<1x256xf32>
    %max3A_1453 = vector.broadcast %slice3A_1451 : vector<256x1xf32> to vector<256x256xf32>
    %max3A_1454 = vector.broadcast %slice3A_1452 : vector<1x256xf32> to vector<256x256xf32>
    %max3A_1455 = arith.maximumf %max3A_1453, %max3A_1454 : vector<256x256xf32>
    %sub3A_1456 = arith.subf %min3A_1450, %max3A_1455 : vector<256x256xf32>
    %max3A_1457 = arith.constant 0.000000e+00 : f32
    %max3A_1458 = vector.broadcast %max3A_1457 : f32 to vector<256x256xf32>
    %max3A_1459 = arith.maximumf %sub3A_1456, %max3A_1458 : vector<256x256xf32>
    %slice3A_1460 = vector.extract_strided_slice %min3A_143 {offsets = [768, 0], sizes = [256, 1], strides = [1, 1]} : vector<2048x1xf32> to vector<256x1xf32>
    %slice3A_1461 = vector.extract_strided_slice %min3A_77 {offsets = [0, 1792], sizes = [1, 256], strides = [1, 1]} : vector<1x2048xf32> to vector<1x256xf32>
    %min3A_1462 = vector.broadcast %slice3A_1460 : vector<256x1xf32> to vector<256x256xf32>
    %min3A_1463 = vector.broadcast %slice3A_1461 : vector<1x256xf32> to vector<256x256xf32>
    %min3A_1464 = arith.minimumf %min3A_1462, %min3A_1463 : vector<256x256xf32>
    %slice3A_1465 = vector.extract_strided_slice %min3A_123 {offsets = [768, 0], sizes = [256, 1], strides = [1, 1]} : vector<2048x1xf32> to vector<256x1xf32>
    %slice3A_1466 = vector.extract_strided_slice %min3A_57 {offsets = [0, 1792], sizes = [1, 256], strides = [1, 1]} : vector<1x2048xf32> to vector<1x256xf32>
    %max3A_1467 = vector.broadcast %slice3A_1465 : vector<256x1xf32> to vector<256x256xf32>
    %max3A_1468 = vector.broadcast %slice3A_1466 : vector<1x256xf32> to vector<256x256xf32>
    %max3A_1469 = arith.maximumf %max3A_1467, %max3A_1468 : vector<256x256xf32>
    %sub3A_1470 = arith.subf %min3A_1464, %max3A_1469 : vector<256x256xf32>
    %max3A_1471 = arith.constant 0.000000e+00 : f32
    %max3A_1472 = vector.broadcast %max3A_1471 : f32 to vector<256x256xf32>
    %max3A_1473 = arith.maximumf %sub3A_1470, %max3A_1472 : vector<256x256xf32>
    %mul3A_1474 = arith.mulf %max3A_1459, %max3A_1473 : vector<256x256xf32>
    %slice3A_1475 = vector.extract_strided_slice %mul3A_149 {offsets = [768, 0], sizes = [256, 1], strides = [1, 1]} : vector<2048x1xf32> to vector<256x1xf32>
    %slice3A_1476 = vector.extract_strided_slice %mul3A_146 {offsets = [0, 1792], sizes = [1, 256], strides = [1, 1]} : vector<1x2048xf32> to vector<1x256xf32>
    %add3A_1477 = vector.broadcast %slice3A_1475 : vector<256x1xf32> to vector<256x256xf32>
    %add3A_1478 = vector.broadcast %slice3A_1476 : vector<1x256xf32> to vector<256x256xf32>
    %add3A_1479 = arith.addf %add3A_1477, %add3A_1478 : vector<256x256xf32>
    %sub3A_1480 = arith.subf %add3A_1479, %mul3A_1474 : vector<256x256xf32>
    %max3A_1481 = arith.constant 9.99999993E-9 : f32
    %max3A_1482 = vector.broadcast %max3A_1481 : f32 to vector<256x256xf32>
    %max3A_1483 = arith.maximumf %sub3A_1480, %max3A_1482 : vector<256x256xf32>
    %div3A_1484 = arith.divf %mul3A_1474, %max3A_1483 : vector<256x256xf32>
    %gt3A_1485 = arith.constant 0.699999988 : f32
    %gt3A_1486 = vector.broadcast %gt3A_1485 : f32 to vector<256x256xf32>
    %gt3A_1487 = arith.cmpf ogt, %div3A_1484, %gt3A_1486 : vector<256x256xf32>
    %jit3A_1488 = arith.constant 1.000000e+00 : f32
    %jit3A_1489 = arith.constant 0.000000e+00 : f32
    %broadcast_in_dim3A_1490 = vector.broadcast %jit3A_1488 : f32 to vector<256x256xf32>
    %broadcast_in_dim3A_1491 = vector.broadcast %jit3A_1489 : f32 to vector<256x256xf32>
    %select_n3A_1492 = arith.select %gt3A_1487, %broadcast_in_dim3A_1490, %broadcast_in_dim3A_1491 : vector<256x256xi1>, vector<256x256xf32>
    %convert_element_type3A_1493 = arith.truncf %select_n3A_1492 : vector<256x256xf32> to vector<256x256xbf16>
    %swap3A_1494 = arith.constant 768 : index
    %swap3A_1495 = arith.constant 1792 : index
    %swap3A_1496 = vector.load %arg6[%swap3A_1494, %swap3A_1495] : memref<2048x2048xbf16, #tpu.memory_space<vmem>>, vector<256x256xbf16>
    tpu.vector_store %arg6[%swap3A_1494, %swap3A_1495], %convert_element_type3A_1493 {strides = array<i32>} : memref<2048x2048xbf16, #tpu.memory_space<vmem>>, vector<256x256xbf16>,
    %swap3A_1497 = arith.constant 1024 : index
    %swap3A_1498 = arith.constant 0 : index
    %swap3A_1499 = vector.load %arg6[%swap3A_1497, %swap3A_1498] : memref<2048x2048xbf16, #tpu.memory_space<vmem>>, vector<256x256xbf16>
    tpu.vector_store %arg6[%swap3A_1497, %swap3A_1498], %broadcast_in_dim3A_150 {strides = array<i32>} : memref<2048x2048xbf16, #tpu.memory_space<vmem>>, vector<256x256xbf16>,
    %swap3A_1500 = arith.constant 1024 : index
    %swap3A_1501 = arith.constant 256 : index
    %swap3A_1502 = vector.load %arg6[%swap3A_1500, %swap3A_1501] : memref<2048x2048xbf16, #tpu.memory_space<vmem>>, vector<256x256xbf16>
    tpu.vector_store %arg6[%swap3A_1500, %swap3A_1501], %broadcast_in_dim3A_150 {strides = array<i32>} : memref<2048x2048xbf16, #tpu.memory_space<vmem>>, vector<256x256xbf16>,
    %swap3A_1503 = arith.constant 1024 : index
    %swap3A_1504 = arith.constant 512 : index
    %swap3A_1505 = vector.load %arg6[%swap3A_1503, %swap3A_1504] : memref<2048x2048xbf16, #tpu.memory_space<vmem>>, vector<256x256xbf16>
    tpu.vector_store %arg6[%swap3A_1503, %swap3A_1504], %broadcast_in_dim3A_150 {strides = array<i32>} : memref<2048x2048xbf16, #tpu.memory_space<vmem>>, vector<256x256xbf16>,
    %swap3A_1506 = arith.constant 1024 : index
    %swap3A_1507 = arith.constant 768 : index
    %swap3A_1508 = vector.load %arg6[%swap3A_1506, %swap3A_1507] : memref<2048x2048xbf16, #tpu.memory_space<vmem>>, vector<256x256xbf16>
    tpu.vector_store %arg6[%swap3A_1506, %swap3A_1507], %broadcast_in_dim3A_150 {strides = array<i32>} : memref<2048x2048xbf16, #tpu.memory_space<vmem>>, vector<256x256xbf16>,
    %slice3A_1509 = vector.extract_strided_slice %min3A_133 {offsets = [1024, 0], sizes = [256, 1], strides = [1, 1]} : vector<2048x1xf32> to vector<256x1xf32>
    %slice3A_1510 = vector.extract_strided_slice %min3A_67 {offsets = [0, 1024], sizes = [1, 256], strides = [1, 1]} : vector<1x2048xf32> to vector<1x256xf32>
    %min3A_1511 = vector.broadcast %slice3A_1509 : vector<256x1xf32> to vector<256x256xf32>
    %min3A_1512 = vector.broadcast %slice3A_1510 : vector<1x256xf32> to vector<256x256xf32>
    %min3A_1513 = arith.minimumf %min3A_1511, %min3A_1512 : vector<256x256xf32>
    %slice3A_1514 = vector.extract_strided_slice %min3A_113 {offsets = [1024, 0], sizes = [256, 1], strides = [1, 1]} : vector<2048x1xf32> to vector<256x1xf32>
    %slice3A_1515 = vector.extract_strided_slice %min3A_47 {offsets = [0, 1024], sizes = [1, 256], strides = [1, 1]} : vector<1x2048xf32> to vector<1x256xf32>
    %max3A_1516 = vector.broadcast %slice3A_1514 : vector<256x1xf32> to vector<256x256xf32>
    %max3A_1517 = vector.broadcast %slice3A_1515 : vector<1x256xf32> to vector<256x256xf32>
    %max3A_1518 = arith.maximumf %max3A_1516, %max3A_1517 : vector<256x256xf32>
    %sub3A_1519 = arith.subf %min3A_1513, %max3A_1518 : vector<256x256xf32>
    %max3A_1520 = arith.constant 0.000000e+00 : f32
    %max3A_1521 = vector.broadcast %max3A_1520 : f32 to vector<256x256xf32>
    %max3A_1522 = arith.maximumf %sub3A_1519, %max3A_1521 : vector<256x256xf32>
    %slice3A_1523 = vector.extract_strided_slice %min3A_143 {offsets = [1024, 0], sizes = [256, 1], strides = [1, 1]} : vector<2048x1xf32> to vector<256x1xf32>
    %slice3A_1524 = vector.extract_strided_slice %min3A_77 {offsets = [0, 1024], sizes = [1, 256], strides = [1, 1]} : vector<1x2048xf32> to vector<1x256xf32>
    %min3A_1525 = vector.broadcast %slice3A_1523 : vector<256x1xf32> to vector<256x256xf32>
    %min3A_1526 = vector.broadcast %slice3A_1524 : vector<1x256xf32> to vector<256x256xf32>
    %min3A_1527 = arith.minimumf %min3A_1525, %min3A_1526 : vector<256x256xf32>
    %slice3A_1528 = vector.extract_strided_slice %min3A_123 {offsets = [1024, 0], sizes = [256, 1], strides = [1, 1]} : vector<2048x1xf32> to vector<256x1xf32>
    %slice3A_1529 = vector.extract_strided_slice %min3A_57 {offsets = [0, 1024], sizes = [1, 256], strides = [1, 1]} : vector<1x2048xf32> to vector<1x256xf32>
    %max3A_1530 = vector.broadcast %slice3A_1528 : vector<256x1xf32> to vector<256x256xf32>
    %max3A_1531 = vector.broadcast %slice3A_1529 : vector<1x256xf32> to vector<256x256xf32>
    %max3A_1532 = arith.maximumf %max3A_1530, %max3A_1531 : vector<256x256xf32>
    %sub3A_1533 = arith.subf %min3A_1527, %max3A_1532 : vector<256x256xf32>
    %max3A_1534 = arith.constant 0.000000e+00 : f32
    %max3A_1535 = vector.broadcast %max3A_1534 : f32 to vector<256x256xf32>
    %max3A_1536 = arith.maximumf %sub3A_1533, %max3A_1535 : vector<256x256xf32>
    %mul3A_1537 = arith.mulf %max3A_1522, %max3A_1536 : vector<256x256xf32>
    %slice3A_1538 = vector.extract_strided_slice %mul3A_149 {offsets = [1024, 0], sizes = [256, 1], strides = [1, 1]} : vector<2048x1xf32> to vector<256x1xf32>
    %slice3A_1539 = vector.extract_strided_slice %mul3A_146 {offsets = [0, 1024], sizes = [1, 256], strides = [1, 1]} : vector<1x2048xf32> to vector<1x256xf32>
    %add3A_1540 = vector.broadcast %slice3A_1538 : vector<256x1xf32> to vector<256x256xf32>
    %add3A_1541 = vector.broadcast %slice3A_1539 : vector<1x256xf32> to vector<256x256xf32>
    %add3A_1542 = arith.addf %add3A_1540, %add3A_1541 : vector<256x256xf32>
    %sub3A_1543 = arith.subf %add3A_1542, %mul3A_1537 : vector<256x256xf32>
    %max3A_1544 = arith.constant 9.99999993E-9 : f32
    %max3A_1545 = vector.broadcast %max3A_1544 : f32 to vector<256x256xf32>
    %max3A_1546 = arith.maximumf %sub3A_1543, %max3A_1545 : vector<256x256xf32>
    %div3A_1547 = arith.divf %mul3A_1537, %max3A_1546 : vector<256x256xf32>
    %gt3A_1548 = arith.constant 0.699999988 : f32
    %gt3A_1549 = vector.broadcast %gt3A_1548 : f32 to vector<256x256xf32>
    %gt3A_1550 = arith.cmpf ogt, %div3A_1547, %gt3A_1549 : vector<256x256xf32>
    %lt3A_1551 = arith.cmpi slt, %iota3A, %iota3A_151 : vector<256x256xi32>
    %and3A_1552 = arith.andi %gt3A_1550, %lt3A_1551 : vector<256x256xi1>
    %jit3A_1553 = arith.constant 1.000000e+00 : f32
    %jit3A_1554 = arith.constant 0.000000e+00 : f32
    %broadcast_in_dim3A_1555 = vector.broadcast %jit3A_1553 : f32 to vector<256x256xf32>
    %broadcast_in_dim3A_1556 = vector.broadcast %jit3A_1554 : f32 to vector<256x256xf32>
    %select_n3A_1557 = arith.select %and3A_1552, %broadcast_in_dim3A_1555, %broadcast_in_dim3A_1556 : vector<256x256xi1>, vector<256x256xf32>
    %convert_element_type3A_1558 = arith.truncf %select_n3A_1557 : vector<256x256xf32> to vector<256x256xbf16>
    %swap3A_1559 = arith.constant 1024 : index
    %swap3A_1560 = arith.constant 1024 : index
    %swap3A_1561 = vector.load %arg6[%swap3A_1559, %swap3A_1560] : memref<2048x2048xbf16, #tpu.memory_space<vmem>>, vector<256x256xbf16>
    tpu.vector_store %arg6[%swap3A_1559, %swap3A_1560], %convert_element_type3A_1558 {strides = array<i32>} : memref<2048x2048xbf16, #tpu.memory_space<vmem>>, vector<256x256xbf16>,
    %slice3A_1562 = vector.extract_strided_slice %min3A_133 {offsets = [1024, 0], sizes = [256, 1], strides = [1, 1]} : vector<2048x1xf32> to vector<256x1xf32>
    %slice3A_1563 = vector.extract_strided_slice %min3A_67 {offsets = [0, 1280], sizes = [1, 256], strides = [1, 1]} : vector<1x2048xf32> to vector<1x256xf32>
    %min3A_1564 = vector.broadcast %slice3A_1562 : vector<256x1xf32> to vector<256x256xf32>
    %min3A_1565 = vector.broadcast %slice3A_1563 : vector<1x256xf32> to vector<256x256xf32>
    %min3A_1566 = arith.minimumf %min3A_1564, %min3A_1565 : vector<256x256xf32>
    %slice3A_1567 = vector.extract_strided_slice %min3A_113 {offsets = [1024, 0], sizes = [256, 1], strides = [1, 1]} : vector<2048x1xf32> to vector<256x1xf32>
    %slice3A_1568 = vector.extract_strided_slice %min3A_47 {offsets = [0, 1280], sizes = [1, 256], strides = [1, 1]} : vector<1x2048xf32> to vector<1x256xf32>
    %max3A_1569 = vector.broadcast %slice3A_1567 : vector<256x1xf32> to vector<256x256xf32>
    %max3A_1570 = vector.broadcast %slice3A_1568 : vector<1x256xf32> to vector<256x256xf32>
    %max3A_1571 = arith.maximumf %max3A_1569, %max3A_1570 : vector<256x256xf32>
    %sub3A_1572 = arith.subf %min3A_1566, %max3A_1571 : vector<256x256xf32>
    %max3A_1573 = arith.constant 0.000000e+00 : f32
    %max3A_1574 = vector.broadcast %max3A_1573 : f32 to vector<256x256xf32>
    %max3A_1575 = arith.maximumf %sub3A_1572, %max3A_1574 : vector<256x256xf32>
    %slice3A_1576 = vector.extract_strided_slice %min3A_143 {offsets = [1024, 0], sizes = [256, 1], strides = [1, 1]} : vector<2048x1xf32> to vector<256x1xf32>
    %slice3A_1577 = vector.extract_strided_slice %min3A_77 {offsets = [0, 1280], sizes = [1, 256], strides = [1, 1]} : vector<1x2048xf32> to vector<1x256xf32>
    %min3A_1578 = vector.broadcast %slice3A_1576 : vector<256x1xf32> to vector<256x256xf32>
    %min3A_1579 = vector.broadcast %slice3A_1577 : vector<1x256xf32> to vector<256x256xf32>
    %min3A_1580 = arith.minimumf %min3A_1578, %min3A_1579 : vector<256x256xf32>
    %slice3A_1581 = vector.extract_strided_slice %min3A_123 {offsets = [1024, 0], sizes = [256, 1], strides = [1, 1]} : vector<2048x1xf32> to vector<256x1xf32>
    %slice3A_1582 = vector.extract_strided_slice %min3A_57 {offsets = [0, 1280], sizes = [1, 256], strides = [1, 1]} : vector<1x2048xf32> to vector<1x256xf32>
    %max3A_1583 = vector.broadcast %slice3A_1581 : vector<256x1xf32> to vector<256x256xf32>
    %max3A_1584 = vector.broadcast %slice3A_1582 : vector<1x256xf32> to vector<256x256xf32>
    %max3A_1585 = arith.maximumf %max3A_1583, %max3A_1584 : vector<256x256xf32>
    %sub3A_1586 = arith.subf %min3A_1580, %max3A_1585 : vector<256x256xf32>
    %max3A_1587 = arith.constant 0.000000e+00 : f32
    %max3A_1588 = vector.broadcast %max3A_1587 : f32 to vector<256x256xf32>
    %max3A_1589 = arith.maximumf %sub3A_1586, %max3A_1588 : vector<256x256xf32>
    %mul3A_1590 = arith.mulf %max3A_1575, %max3A_1589 : vector<256x256xf32>
    %slice3A_1591 = vector.extract_strided_slice %mul3A_149 {offsets = [1024, 0], sizes = [256, 1], strides = [1, 1]} : vector<2048x1xf32> to vector<256x1xf32>
    %slice3A_1592 = vector.extract_strided_slice %mul3A_146 {offsets = [0, 1280], sizes = [1, 256], strides = [1, 1]} : vector<1x2048xf32> to vector<1x256xf32>
    %add3A_1593 = vector.broadcast %slice3A_1591 : vector<256x1xf32> to vector<256x256xf32>
    %add3A_1594 = vector.broadcast %slice3A_1592 : vector<1x256xf32> to vector<256x256xf32>
    %add3A_1595 = arith.addf %add3A_1593, %add3A_1594 : vector<256x256xf32>
    %sub3A_1596 = arith.subf %add3A_1595, %mul3A_1590 : vector<256x256xf32>
    %max3A_1597 = arith.constant 9.99999993E-9 : f32
    %max3A_1598 = vector.broadcast %max3A_1597 : f32 to vector<256x256xf32>
    %max3A_1599 = arith.maximumf %sub3A_1596, %max3A_1598 : vector<256x256xf32>
    %div3A_1600 = arith.divf %mul3A_1590, %max3A_1599 : vector<256x256xf32>
    %gt3A_1601 = arith.constant 0.699999988 : f32
    %gt3A_1602 = vector.broadcast %gt3A_1601 : f32 to vector<256x256xf32>
    %gt3A_1603 = arith.cmpf ogt, %div3A_1600, %gt3A_1602 : vector<256x256xf32>
    %jit3A_1604 = arith.constant 1.000000e+00 : f32
    %jit3A_1605 = arith.constant 0.000000e+00 : f32
    %broadcast_in_dim3A_1606 = vector.broadcast %jit3A_1604 : f32 to vector<256x256xf32>
    %broadcast_in_dim3A_1607 = vector.broadcast %jit3A_1605 : f32 to vector<256x256xf32>
    %select_n3A_1608 = arith.select %gt3A_1603, %broadcast_in_dim3A_1606, %broadcast_in_dim3A_1607 : vector<256x256xi1>, vector<256x256xf32>
    %convert_element_type3A_1609 = arith.truncf %select_n3A_1608 : vector<256x256xf32> to vector<256x256xbf16>
    %swap3A_1610 = arith.constant 1024 : index
    %swap3A_1611 = arith.constant 1280 : index
    %swap3A_1612 = vector.load %arg6[%swap3A_1610, %swap3A_1611] : memref<2048x2048xbf16, #tpu.memory_space<vmem>>, vector<256x256xbf16>
    tpu.vector_store %arg6[%swap3A_1610, %swap3A_1611], %convert_element_type3A_1609 {strides = array<i32>} : memref<2048x2048xbf16, #tpu.memory_space<vmem>>, vector<256x256xbf16>,
    %slice3A_1613 = vector.extract_strided_slice %min3A_133 {offsets = [1024, 0], sizes = [256, 1], strides = [1, 1]} : vector<2048x1xf32> to vector<256x1xf32>
    %slice3A_1614 = vector.extract_strided_slice %min3A_67 {offsets = [0, 1536], sizes = [1, 256], strides = [1, 1]} : vector<1x2048xf32> to vector<1x256xf32>
    %min3A_1615 = vector.broadcast %slice3A_1613 : vector<256x1xf32> to vector<256x256xf32>
    %min3A_1616 = vector.broadcast %slice3A_1614 : vector<1x256xf32> to vector<256x256xf32>
    %min3A_1617 = arith.minimumf %min3A_1615, %min3A_1616 : vector<256x256xf32>
    %slice3A_1618 = vector.extract_strided_slice %min3A_113 {offsets = [1024, 0], sizes = [256, 1], strides = [1, 1]} : vector<2048x1xf32> to vector<256x1xf32>
    %slice3A_1619 = vector.extract_strided_slice %min3A_47 {offsets = [0, 1536], sizes = [1, 256], strides = [1, 1]} : vector<1x2048xf32> to vector<1x256xf32>
    %max3A_1620 = vector.broadcast %slice3A_1618 : vector<256x1xf32> to vector<256x256xf32>
    %max3A_1621 = vector.broadcast %slice3A_1619 : vector<1x256xf32> to vector<256x256xf32>
    %max3A_1622 = arith.maximumf %max3A_1620, %max3A_1621 : vector<256x256xf32>
    %sub3A_1623 = arith.subf %min3A_1617, %max3A_1622 : vector<256x256xf32>
    %max3A_1624 = arith.constant 0.000000e+00 : f32
    %max3A_1625 = vector.broadcast %max3A_1624 : f32 to vector<256x256xf32>
    %max3A_1626 = arith.maximumf %sub3A_1623, %max3A_1625 : vector<256x256xf32>
    %slice3A_1627 = vector.extract_strided_slice %min3A_143 {offsets = [1024, 0], sizes = [256, 1], strides = [1, 1]} : vector<2048x1xf32> to vector<256x1xf32>
    %slice3A_1628 = vector.extract_strided_slice %min3A_77 {offsets = [0, 1536], sizes = [1, 256], strides = [1, 1]} : vector<1x2048xf32> to vector<1x256xf32>
    %min3A_1629 = vector.broadcast %slice3A_1627 : vector<256x1xf32> to vector<256x256xf32>
    %min3A_1630 = vector.broadcast %slice3A_1628 : vector<1x256xf32> to vector<256x256xf32>
    %min3A_1631 = arith.minimumf %min3A_1629, %min3A_1630 : vector<256x256xf32>
    %slice3A_1632 = vector.extract_strided_slice %min3A_123 {offsets = [1024, 0], sizes = [256, 1], strides = [1, 1]} : vector<2048x1xf32> to vector<256x1xf32>
    %slice3A_1633 = vector.extract_strided_slice %min3A_57 {offsets = [0, 1536], sizes = [1, 256], strides = [1, 1]} : vector<1x2048xf32> to vector<1x256xf32>
    %max3A_1634 = vector.broadcast %slice3A_1632 : vector<256x1xf32> to vector<256x256xf32>
    %max3A_1635 = vector.broadcast %slice3A_1633 : vector<1x256xf32> to vector<256x256xf32>
    %max3A_1636 = arith.maximumf %max3A_1634, %max3A_1635 : vector<256x256xf32>
    %sub3A_1637 = arith.subf %min3A_1631, %max3A_1636 : vector<256x256xf32>
    %max3A_1638 = arith.constant 0.000000e+00 : f32
    %max3A_1639 = vector.broadcast %max3A_1638 : f32 to vector<256x256xf32>
    %max3A_1640 = arith.maximumf %sub3A_1637, %max3A_1639 : vector<256x256xf32>
    %mul3A_1641 = arith.mulf %max3A_1626, %max3A_1640 : vector<256x256xf32>
    %slice3A_1642 = vector.extract_strided_slice %mul3A_149 {offsets = [1024, 0], sizes = [256, 1], strides = [1, 1]} : vector<2048x1xf32> to vector<256x1xf32>
    %slice3A_1643 = vector.extract_strided_slice %mul3A_146 {offsets = [0, 1536], sizes = [1, 256], strides = [1, 1]} : vector<1x2048xf32> to vector<1x256xf32>
    %add3A_1644 = vector.broadcast %slice3A_1642 : vector<256x1xf32> to vector<256x256xf32>
    %add3A_1645 = vector.broadcast %slice3A_1643 : vector<1x256xf32> to vector<256x256xf32>
    %add3A_1646 = arith.addf %add3A_1644, %add3A_1645 : vector<256x256xf32>
    %sub3A_1647 = arith.subf %add3A_1646, %mul3A_1641 : vector<256x256xf32>
    %max3A_1648 = arith.constant 9.99999993E-9 : f32
    %max3A_1649 = vector.broadcast %max3A_1648 : f32 to vector<256x256xf32>
    %max3A_1650 = arith.maximumf %sub3A_1647, %max3A_1649 : vector<256x256xf32>
    %div3A_1651 = arith.divf %mul3A_1641, %max3A_1650 : vector<256x256xf32>
    %gt3A_1652 = arith.constant 0.699999988 : f32
    %gt3A_1653 = vector.broadcast %gt3A_1652 : f32 to vector<256x256xf32>
    %gt3A_1654 = arith.cmpf ogt, %div3A_1651, %gt3A_1653 : vector<256x256xf32>
    %jit3A_1655 = arith.constant 1.000000e+00 : f32
    %jit3A_1656 = arith.constant 0.000000e+00 : f32
    %broadcast_in_dim3A_1657 = vector.broadcast %jit3A_1655 : f32 to vector<256x256xf32>
    %broadcast_in_dim3A_1658 = vector.broadcast %jit3A_1656 : f32 to vector<256x256xf32>
    %select_n3A_1659 = arith.select %gt3A_1654, %broadcast_in_dim3A_1657, %broadcast_in_dim3A_1658 : vector<256x256xi1>, vector<256x256xf32>
    %convert_element_type3A_1660 = arith.truncf %select_n3A_1659 : vector<256x256xf32> to vector<256x256xbf16>
    %swap3A_1661 = arith.constant 1024 : index
    %swap3A_1662 = arith.constant 1536 : index
    %swap3A_1663 = vector.load %arg6[%swap3A_1661, %swap3A_1662] : memref<2048x2048xbf16, #tpu.memory_space<vmem>>, vector<256x256xbf16>
    tpu.vector_store %arg6[%swap3A_1661, %swap3A_1662], %convert_element_type3A_1660 {strides = array<i32>} : memref<2048x2048xbf16, #tpu.memory_space<vmem>>, vector<256x256xbf16>,
    %slice3A_1664 = vector.extract_strided_slice %min3A_133 {offsets = [1024, 0], sizes = [256, 1], strides = [1, 1]} : vector<2048x1xf32> to vector<256x1xf32>
    %slice3A_1665 = vector.extract_strided_slice %min3A_67 {offsets = [0, 1792], sizes = [1, 256], strides = [1, 1]} : vector<1x2048xf32> to vector<1x256xf32>
    %min3A_1666 = vector.broadcast %slice3A_1664 : vector<256x1xf32> to vector<256x256xf32>
    %min3A_1667 = vector.broadcast %slice3A_1665 : vector<1x256xf32> to vector<256x256xf32>
    %min3A_1668 = arith.minimumf %min3A_1666, %min3A_1667 : vector<256x256xf32>
    %slice3A_1669 = vector.extract_strided_slice %min3A_113 {offsets = [1024, 0], sizes = [256, 1], strides = [1, 1]} : vector<2048x1xf32> to vector<256x1xf32>
    %slice3A_1670 = vector.extract_strided_slice %min3A_47 {offsets = [0, 1792], sizes = [1, 256], strides = [1, 1]} : vector<1x2048xf32> to vector<1x256xf32>
    %max3A_1671 = vector.broadcast %slice3A_1669 : vector<256x1xf32> to vector<256x256xf32>
    %max3A_1672 = vector.broadcast %slice3A_1670 : vector<1x256xf32> to vector<256x256xf32>
    %max3A_1673 = arith.maximumf %max3A_1671, %max3A_1672 : vector<256x256xf32>
    %sub3A_1674 = arith.subf %min3A_1668, %max3A_1673 : vector<256x256xf32>
    %max3A_1675 = arith.constant 0.000000e+00 : f32
    %max3A_1676 = vector.broadcast %max3A_1675 : f32 to vector<256x256xf32>
    %max3A_1677 = arith.maximumf %sub3A_1674, %max3A_1676 : vector<256x256xf32>
    %slice3A_1678 = vector.extract_strided_slice %min3A_143 {offsets = [1024, 0], sizes = [256, 1], strides = [1, 1]} : vector<2048x1xf32> to vector<256x1xf32>
    %slice3A_1679 = vector.extract_strided_slice %min3A_77 {offsets = [0, 1792], sizes = [1, 256], strides = [1, 1]} : vector<1x2048xf32> to vector<1x256xf32>
    %min3A_1680 = vector.broadcast %slice3A_1678 : vector<256x1xf32> to vector<256x256xf32>
    %min3A_1681 = vector.broadcast %slice3A_1679 : vector<1x256xf32> to vector<256x256xf32>
    %min3A_1682 = arith.minimumf %min3A_1680, %min3A_1681 : vector<256x256xf32>
    %slice3A_1683 = vector.extract_strided_slice %min3A_123 {offsets = [1024, 0], sizes = [256, 1], strides = [1, 1]} : vector<2048x1xf32> to vector<256x1xf32>
    %slice3A_1684 = vector.extract_strided_slice %min3A_57 {offsets = [0, 1792], sizes = [1, 256], strides = [1, 1]} : vector<1x2048xf32> to vector<1x256xf32>
    %max3A_1685 = vector.broadcast %slice3A_1683 : vector<256x1xf32> to vector<256x256xf32>
    %max3A_1686 = vector.broadcast %slice3A_1684 : vector<1x256xf32> to vector<256x256xf32>
    %max3A_1687 = arith.maximumf %max3A_1685, %max3A_1686 : vector<256x256xf32>
    %sub3A_1688 = arith.subf %min3A_1682, %max3A_1687 : vector<256x256xf32>
    %max3A_1689 = arith.constant 0.000000e+00 : f32
    %max3A_1690 = vector.broadcast %max3A_1689 : f32 to vector<256x256xf32>
    %max3A_1691 = arith.maximumf %sub3A_1688, %max3A_1690 : vector<256x256xf32>
    %mul3A_1692 = arith.mulf %max3A_1677, %max3A_1691 : vector<256x256xf32>
    %slice3A_1693 = vector.extract_strided_slice %mul3A_149 {offsets = [1024, 0], sizes = [256, 1], strides = [1, 1]} : vector<2048x1xf32> to vector<256x1xf32>
    %slice3A_1694 = vector.extract_strided_slice %mul3A_146 {offsets = [0, 1792], sizes = [1, 256], strides = [1, 1]} : vector<1x2048xf32> to vector<1x256xf32>
    %add3A_1695 = vector.broadcast %slice3A_1693 : vector<256x1xf32> to vector<256x256xf32>
    %add3A_1696 = vector.broadcast %slice3A_1694 : vector<1x256xf32> to vector<256x256xf32>
    %add3A_1697 = arith.addf %add3A_1695, %add3A_1696 : vector<256x256xf32>
    %sub3A_1698 = arith.subf %add3A_1697, %mul3A_1692 : vector<256x256xf32>
    %max3A_1699 = arith.constant 9.99999993E-9 : f32
    %max3A_1700 = vector.broadcast %max3A_1699 : f32 to vector<256x256xf32>
    %max3A_1701 = arith.maximumf %sub3A_1698, %max3A_1700 : vector<256x256xf32>
    %div3A_1702 = arith.divf %mul3A_1692, %max3A_1701 : vector<256x256xf32>
    %gt3A_1703 = arith.constant 0.699999988 : f32
    %gt3A_1704 = vector.broadcast %gt3A_1703 : f32 to vector<256x256xf32>
    %gt3A_1705 = arith.cmpf ogt, %div3A_1702, %gt3A_1704 : vector<256x256xf32>
    %jit3A_1706 = arith.constant 1.000000e+00 : f32
    %jit3A_1707 = arith.constant 0.000000e+00 : f32
    %broadcast_in_dim3A_1708 = vector.broadcast %jit3A_1706 : f32 to vector<256x256xf32>
    %broadcast_in_dim3A_1709 = vector.broadcast %jit3A_1707 : f32 to vector<256x256xf32>
    %select_n3A_1710 = arith.select %gt3A_1705, %broadcast_in_dim3A_1708, %broadcast_in_dim3A_1709 : vector<256x256xi1>, vector<256x256xf32>
    %convert_element_type3A_1711 = arith.truncf %select_n3A_1710 : vector<256x256xf32> to vector<256x256xbf16>
    %swap3A_1712 = arith.constant 1024 : index
    %swap3A_1713 = arith.constant 1792 : index
    %swap3A_1714 = vector.load %arg6[%swap3A_1712, %swap3A_1713] : memref<2048x2048xbf16, #tpu.memory_space<vmem>>, vector<256x256xbf16>
    tpu.vector_store %arg6[%swap3A_1712, %swap3A_1713], %convert_element_type3A_1711 {strides = array<i32>} : memref<2048x2048xbf16, #tpu.memory_space<vmem>>, vector<256x256xbf16>,
    %swap3A_1715 = arith.constant 1280 : index
    %swap3A_1716 = arith.constant 0 : index
    %swap3A_1717 = vector.load %arg6[%swap3A_1715, %swap3A_1716] : memref<2048x2048xbf16, #tpu.memory_space<vmem>>, vector<256x256xbf16>
    tpu.vector_store %arg6[%swap3A_1715, %swap3A_1716], %broadcast_in_dim3A_150 {strides = array<i32>} : memref<2048x2048xbf16, #tpu.memory_space<vmem>>, vector<256x256xbf16>,
    %swap3A_1718 = arith.constant 1280 : index
    %swap3A_1719 = arith.constant 256 : index
    %swap3A_1720 = vector.load %arg6[%swap3A_1718, %swap3A_1719] : memref<2048x2048xbf16, #tpu.memory_space<vmem>>, vector<256x256xbf16>
    tpu.vector_store %arg6[%swap3A_1718, %swap3A_1719], %broadcast_in_dim3A_150 {strides = array<i32>} : memref<2048x2048xbf16, #tpu.memory_space<vmem>>, vector<256x256xbf16>,
    %swap3A_1721 = arith.constant 1280 : index
    %swap3A_1722 = arith.constant 512 : index
    %swap3A_1723 = vector.load %arg6[%swap3A_1721, %swap3A_1722] : memref<2048x2048xbf16, #tpu.memory_space<vmem>>, vector<256x256xbf16>
    tpu.vector_store %arg6[%swap3A_1721, %swap3A_1722], %broadcast_in_dim3A_150 {strides = array<i32>} : memref<2048x2048xbf16, #tpu.memory_space<vmem>>, vector<256x256xbf16>,
    %swap3A_1724 = arith.constant 1280 : index
    %swap3A_1725 = arith.constant 768 : index
    %swap3A_1726 = vector.load %arg6[%swap3A_1724, %swap3A_1725] : memref<2048x2048xbf16, #tpu.memory_space<vmem>>, vector<256x256xbf16>
    tpu.vector_store %arg6[%swap3A_1724, %swap3A_1725], %broadcast_in_dim3A_150 {strides = array<i32>} : memref<2048x2048xbf16, #tpu.memory_space<vmem>>, vector<256x256xbf16>,
    %swap3A_1727 = arith.constant 1280 : index
    %swap3A_1728 = arith.constant 1024 : index
    %swap3A_1729 = vector.load %arg6[%swap3A_1727, %swap3A_1728] : memref<2048x2048xbf16, #tpu.memory_space<vmem>>, vector<256x256xbf16>
    tpu.vector_store %arg6[%swap3A_1727, %swap3A_1728], %broadcast_in_dim3A_150 {strides = array<i32>} : memref<2048x2048xbf16, #tpu.memory_space<vmem>>, vector<256x256xbf16>,
    %slice3A_1730 = vector.extract_strided_slice %min3A_133 {offsets = [1280, 0], sizes = [256, 1], strides = [1, 1]} : vector<2048x1xf32> to vector<256x1xf32>
    %slice3A_1731 = vector.extract_strided_slice %min3A_67 {offsets = [0, 1280], sizes = [1, 256], strides = [1, 1]} : vector<1x2048xf32> to vector<1x256xf32>
    %min3A_1732 = vector.broadcast %slice3A_1730 : vector<256x1xf32> to vector<256x256xf32>
    %min3A_1733 = vector.broadcast %slice3A_1731 : vector<1x256xf32> to vector<256x256xf32>
    %min3A_1734 = arith.minimumf %min3A_1732, %min3A_1733 : vector<256x256xf32>
    %slice3A_1735 = vector.extract_strided_slice %min3A_113 {offsets = [1280, 0], sizes = [256, 1], strides = [1, 1]} : vector<2048x1xf32> to vector<256x1xf32>
    %slice3A_1736 = vector.extract_strided_slice %min3A_47 {offsets = [0, 1280], sizes = [1, 256], strides = [1, 1]} : vector<1x2048xf32> to vector<1x256xf32>
    %max3A_1737 = vector.broadcast %slice3A_1735 : vector<256x1xf32> to vector<256x256xf32>
    %max3A_1738 = vector.broadcast %slice3A_1736 : vector<1x256xf32> to vector<256x256xf32>
    %max3A_1739 = arith.maximumf %max3A_1737, %max3A_1738 : vector<256x256xf32>
    %sub3A_1740 = arith.subf %min3A_1734, %max3A_1739 : vector<256x256xf32>
    %max3A_1741 = arith.constant 0.000000e+00 : f32
    %max3A_1742 = vector.broadcast %max3A_1741 : f32 to vector<256x256xf32>
    %max3A_1743 = arith.maximumf %sub3A_1740, %max3A_1742 : vector<256x256xf32>
    %slice3A_1744 = vector.extract_strided_slice %min3A_143 {offsets = [1280, 0], sizes = [256, 1], strides = [1, 1]} : vector<2048x1xf32> to vector<256x1xf32>
    %slice3A_1745 = vector.extract_strided_slice %min3A_77 {offsets = [0, 1280], sizes = [1, 256], strides = [1, 1]} : vector<1x2048xf32> to vector<1x256xf32>
    %min3A_1746 = vector.broadcast %slice3A_1744 : vector<256x1xf32> to vector<256x256xf32>
    %min3A_1747 = vector.broadcast %slice3A_1745 : vector<1x256xf32> to vector<256x256xf32>
    %min3A_1748 = arith.minimumf %min3A_1746, %min3A_1747 : vector<256x256xf32>
    %slice3A_1749 = vector.extract_strided_slice %min3A_123 {offsets = [1280, 0], sizes = [256, 1], strides = [1, 1]} : vector<2048x1xf32> to vector<256x1xf32>
    %slice3A_1750 = vector.extract_strided_slice %min3A_57 {offsets = [0, 1280], sizes = [1, 256], strides = [1, 1]} : vector<1x2048xf32> to vector<1x256xf32>
    %max3A_1751 = vector.broadcast %slice3A_1749 : vector<256x1xf32> to vector<256x256xf32>
    %max3A_1752 = vector.broadcast %slice3A_1750 : vector<1x256xf32> to vector<256x256xf32>
    %max3A_1753 = arith.maximumf %max3A_1751, %max3A_1752 : vector<256x256xf32>
    %sub3A_1754 = arith.subf %min3A_1748, %max3A_1753 : vector<256x256xf32>
    %max3A_1755 = arith.constant 0.000000e+00 : f32
    %max3A_1756 = vector.broadcast %max3A_1755 : f32 to vector<256x256xf32>
    %max3A_1757 = arith.maximumf %sub3A_1754, %max3A_1756 : vector<256x256xf32>
    %mul3A_1758 = arith.mulf %max3A_1743, %max3A_1757 : vector<256x256xf32>
    %slice3A_1759 = vector.extract_strided_slice %mul3A_149 {offsets = [1280, 0], sizes = [256, 1], strides = [1, 1]} : vector<2048x1xf32> to vector<256x1xf32>
    %slice3A_1760 = vector.extract_strided_slice %mul3A_146 {offsets = [0, 1280], sizes = [1, 256], strides = [1, 1]} : vector<1x2048xf32> to vector<1x256xf32>
    %add3A_1761 = vector.broadcast %slice3A_1759 : vector<256x1xf32> to vector<256x256xf32>
    %add3A_1762 = vector.broadcast %slice3A_1760 : vector<1x256xf32> to vector<256x256xf32>
    %add3A_1763 = arith.addf %add3A_1761, %add3A_1762 : vector<256x256xf32>
    %sub3A_1764 = arith.subf %add3A_1763, %mul3A_1758 : vector<256x256xf32>
    %max3A_1765 = arith.constant 9.99999993E-9 : f32
    %max3A_1766 = vector.broadcast %max3A_1765 : f32 to vector<256x256xf32>
    %max3A_1767 = arith.maximumf %sub3A_1764, %max3A_1766 : vector<256x256xf32>
    %div3A_1768 = arith.divf %mul3A_1758, %max3A_1767 : vector<256x256xf32>
    %gt3A_1769 = arith.constant 0.699999988 : f32
    %gt3A_1770 = vector.broadcast %gt3A_1769 : f32 to vector<256x256xf32>
    %gt3A_1771 = arith.cmpf ogt, %div3A_1768, %gt3A_1770 : vector<256x256xf32>
    %lt3A_1772 = arith.cmpi slt, %iota3A, %iota3A_151 : vector<256x256xi32>
    %and3A_1773 = arith.andi %gt3A_1771, %lt3A_1772 : vector<256x256xi1>
    %jit3A_1774 = arith.constant 1.000000e+00 : f32
    %jit3A_1775 = arith.constant 0.000000e+00 : f32
    %broadcast_in_dim3A_1776 = vector.broadcast %jit3A_1774 : f32 to vector<256x256xf32>
    %broadcast_in_dim3A_1777 = vector.broadcast %jit3A_1775 : f32 to vector<256x256xf32>
    %select_n3A_1778 = arith.select %and3A_1773, %broadcast_in_dim3A_1776, %broadcast_in_dim3A_1777 : vector<256x256xi1>, vector<256x256xf32>
    %convert_element_type3A_1779 = arith.truncf %select_n3A_1778 : vector<256x256xf32> to vector<256x256xbf16>
    %swap3A_1780 = arith.constant 1280 : index
    %swap3A_1781 = arith.constant 1280 : index
    %swap3A_1782 = vector.load %arg6[%swap3A_1780, %swap3A_1781] : memref<2048x2048xbf16, #tpu.memory_space<vmem>>, vector<256x256xbf16>
    tpu.vector_store %arg6[%swap3A_1780, %swap3A_1781], %convert_element_type3A_1779 {strides = array<i32>} : memref<2048x2048xbf16, #tpu.memory_space<vmem>>, vector<256x256xbf16>,
    %slice3A_1783 = vector.extract_strided_slice %min3A_133 {offsets = [1280, 0], sizes = [256, 1], strides = [1, 1]} : vector<2048x1xf32> to vector<256x1xf32>
    %slice3A_1784 = vector.extract_strided_slice %min3A_67 {offsets = [0, 1536], sizes = [1, 256], strides = [1, 1]} : vector<1x2048xf32> to vector<1x256xf32>
    %min3A_1785 = vector.broadcast %slice3A_1783 : vector<256x1xf32> to vector<256x256xf32>
    %min3A_1786 = vector.broadcast %slice3A_1784 : vector<1x256xf32> to vector<256x256xf32>
    %min3A_1787 = arith.minimumf %min3A_1785, %min3A_1786 : vector<256x256xf32>
    %slice3A_1788 = vector.extract_strided_slice %min3A_113 {offsets = [1280, 0], sizes = [256, 1], strides = [1, 1]} : vector<2048x1xf32> to vector<256x1xf32>
    %slice3A_1789 = vector.extract_strided_slice %min3A_47 {offsets = [0, 1536], sizes = [1, 256], strides = [1, 1]} : vector<1x2048xf32> to vector<1x256xf32>
    %max3A_1790 = vector.broadcast %slice3A_1788 : vector<256x1xf32> to vector<256x256xf32>
    %max3A_1791 = vector.broadcast %slice3A_1789 : vector<1x256xf32> to vector<256x256xf32>
    %max3A_1792 = arith.maximumf %max3A_1790, %max3A_1791 : vector<256x256xf32>
    %sub3A_1793 = arith.subf %min3A_1787, %max3A_1792 : vector<256x256xf32>
    %max3A_1794 = arith.constant 0.000000e+00 : f32
    %max3A_1795 = vector.broadcast %max3A_1794 : f32 to vector<256x256xf32>
    %max3A_1796 = arith.maximumf %sub3A_1793, %max3A_1795 : vector<256x256xf32>
    %slice3A_1797 = vector.extract_strided_slice %min3A_143 {offsets = [1280, 0], sizes = [256, 1], strides = [1, 1]} : vector<2048x1xf32> to vector<256x1xf32>
    %slice3A_1798 = vector.extract_strided_slice %min3A_77 {offsets = [0, 1536], sizes = [1, 256], strides = [1, 1]} : vector<1x2048xf32> to vector<1x256xf32>
    %min3A_1799 = vector.broadcast %slice3A_1797 : vector<256x1xf32> to vector<256x256xf32>
    %min3A_1800 = vector.broadcast %slice3A_1798 : vector<1x256xf32> to vector<256x256xf32>
    %min3A_1801 = arith.minimumf %min3A_1799, %min3A_1800 : vector<256x256xf32>
    %slice3A_1802 = vector.extract_strided_slice %min3A_123 {offsets = [1280, 0], sizes = [256, 1], strides = [1, 1]} : vector<2048x1xf32> to vector<256x1xf32>
    %slice3A_1803 = vector.extract_strided_slice %min3A_57 {offsets = [0, 1536], sizes = [1, 256], strides = [1, 1]} : vector<1x2048xf32> to vector<1x256xf32>
    %max3A_1804 = vector.broadcast %slice3A_1802 : vector<256x1xf32> to vector<256x256xf32>
    %max3A_1805 = vector.broadcast %slice3A_1803 : vector<1x256xf32> to vector<256x256xf32>
    %max3A_1806 = arith.maximumf %max3A_1804, %max3A_1805 : vector<256x256xf32>
    %sub3A_1807 = arith.subf %min3A_1801, %max3A_1806 : vector<256x256xf32>
    %max3A_1808 = arith.constant 0.000000e+00 : f32
    %max3A_1809 = vector.broadcast %max3A_1808 : f32 to vector<256x256xf32>
    %max3A_1810 = arith.maximumf %sub3A_1807, %max3A_1809 : vector<256x256xf32>
    %mul3A_1811 = arith.mulf %max3A_1796, %max3A_1810 : vector<256x256xf32>
    %slice3A_1812 = vector.extract_strided_slice %mul3A_149 {offsets = [1280, 0], sizes = [256, 1], strides = [1, 1]} : vector<2048x1xf32> to vector<256x1xf32>
    %slice3A_1813 = vector.extract_strided_slice %mul3A_146 {offsets = [0, 1536], sizes = [1, 256], strides = [1, 1]} : vector<1x2048xf32> to vector<1x256xf32>
    %add3A_1814 = vector.broadcast %slice3A_1812 : vector<256x1xf32> to vector<256x256xf32>
    %add3A_1815 = vector.broadcast %slice3A_1813 : vector<1x256xf32> to vector<256x256xf32>
    %add3A_1816 = arith.addf %add3A_1814, %add3A_1815 : vector<256x256xf32>
    %sub3A_1817 = arith.subf %add3A_1816, %mul3A_1811 : vector<256x256xf32>
    %max3A_1818 = arith.constant 9.99999993E-9 : f32
    %max3A_1819 = vector.broadcast %max3A_1818 : f32 to vector<256x256xf32>
    %max3A_1820 = arith.maximumf %sub3A_1817, %max3A_1819 : vector<256x256xf32>
    %div3A_1821 = arith.divf %mul3A_1811, %max3A_1820 : vector<256x256xf32>
    %gt3A_1822 = arith.constant 0.699999988 : f32
    %gt3A_1823 = vector.broadcast %gt3A_1822 : f32 to vector<256x256xf32>
    %gt3A_1824 = arith.cmpf ogt, %div3A_1821, %gt3A_1823 : vector<256x256xf32>
    %jit3A_1825 = arith.constant 1.000000e+00 : f32
    %jit3A_1826 = arith.constant 0.000000e+00 : f32
    %broadcast_in_dim3A_1827 = vector.broadcast %jit3A_1825 : f32 to vector<256x256xf32>
    %broadcast_in_dim3A_1828 = vector.broadcast %jit3A_1826 : f32 to vector<256x256xf32>
    %select_n3A_1829 = arith.select %gt3A_1824, %broadcast_in_dim3A_1827, %broadcast_in_dim3A_1828 : vector<256x256xi1>, vector<256x256xf32>
    %convert_element_type3A_1830 = arith.truncf %select_n3A_1829 : vector<256x256xf32> to vector<256x256xbf16>
    %swap3A_1831 = arith.constant 1280 : index
    %swap3A_1832 = arith.constant 1536 : index
    %swap3A_1833 = vector.load %arg6[%swap3A_1831, %swap3A_1832] : memref<2048x2048xbf16, #tpu.memory_space<vmem>>, vector<256x256xbf16>
    tpu.vector_store %arg6[%swap3A_1831, %swap3A_1832], %convert_element_type3A_1830 {strides = array<i32>} : memref<2048x2048xbf16, #tpu.memory_space<vmem>>, vector<256x256xbf16>,
    %slice3A_1834 = vector.extract_strided_slice %min3A_133 {offsets = [1280, 0], sizes = [256, 1], strides = [1, 1]} : vector<2048x1xf32> to vector<256x1xf32>
    %slice3A_1835 = vector.extract_strided_slice %min3A_67 {offsets = [0, 1792], sizes = [1, 256], strides = [1, 1]} : vector<1x2048xf32> to vector<1x256xf32>
    %min3A_1836 = vector.broadcast %slice3A_1834 : vector<256x1xf32> to vector<256x256xf32>
    %min3A_1837 = vector.broadcast %slice3A_1835 : vector<1x256xf32> to vector<256x256xf32>
    %min3A_1838 = arith.minimumf %min3A_1836, %min3A_1837 : vector<256x256xf32>
    %slice3A_1839 = vector.extract_strided_slice %min3A_113 {offsets = [1280, 0], sizes = [256, 1], strides = [1, 1]} : vector<2048x1xf32> to vector<256x1xf32>
    %slice3A_1840 = vector.extract_strided_slice %min3A_47 {offsets = [0, 1792], sizes = [1, 256], strides = [1, 1]} : vector<1x2048xf32> to vector<1x256xf32>
    %max3A_1841 = vector.broadcast %slice3A_1839 : vector<256x1xf32> to vector<256x256xf32>
    %max3A_1842 = vector.broadcast %slice3A_1840 : vector<1x256xf32> to vector<256x256xf32>
    %max3A_1843 = arith.maximumf %max3A_1841, %max3A_1842 : vector<256x256xf32>
    %sub3A_1844 = arith.subf %min3A_1838, %max3A_1843 : vector<256x256xf32>
    %max3A_1845 = arith.constant 0.000000e+00 : f32
    %max3A_1846 = vector.broadcast %max3A_1845 : f32 to vector<256x256xf32>
    %max3A_1847 = arith.maximumf %sub3A_1844, %max3A_1846 : vector<256x256xf32>
    %slice3A_1848 = vector.extract_strided_slice %min3A_143 {offsets = [1280, 0], sizes = [256, 1], strides = [1, 1]} : vector<2048x1xf32> to vector<256x1xf32>
    %slice3A_1849 = vector.extract_strided_slice %min3A_77 {offsets = [0, 1792], sizes = [1, 256], strides = [1, 1]} : vector<1x2048xf32> to vector<1x256xf32>
    %min3A_1850 = vector.broadcast %slice3A_1848 : vector<256x1xf32> to vector<256x256xf32>
    %min3A_1851 = vector.broadcast %slice3A_1849 : vector<1x256xf32> to vector<256x256xf32>
    %min3A_1852 = arith.minimumf %min3A_1850, %min3A_1851 : vector<256x256xf32>
    %slice3A_1853 = vector.extract_strided_slice %min3A_123 {offsets = [1280, 0], sizes = [256, 1], strides = [1, 1]} : vector<2048x1xf32> to vector<256x1xf32>
    %slice3A_1854 = vector.extract_strided_slice %min3A_57 {offsets = [0, 1792], sizes = [1, 256], strides = [1, 1]} : vector<1x2048xf32> to vector<1x256xf32>
    %max3A_1855 = vector.broadcast %slice3A_1853 : vector<256x1xf32> to vector<256x256xf32>
    %max3A_1856 = vector.broadcast %slice3A_1854 : vector<1x256xf32> to vector<256x256xf32>
    %max3A_1857 = arith.maximumf %max3A_1855, %max3A_1856 : vector<256x256xf32>
    %sub3A_1858 = arith.subf %min3A_1852, %max3A_1857 : vector<256x256xf32>
    %max3A_1859 = arith.constant 0.000000e+00 : f32
    %max3A_1860 = vector.broadcast %max3A_1859 : f32 to vector<256x256xf32>
    %max3A_1861 = arith.maximumf %sub3A_1858, %max3A_1860 : vector<256x256xf32>
    %mul3A_1862 = arith.mulf %max3A_1847, %max3A_1861 : vector<256x256xf32>
    %slice3A_1863 = vector.extract_strided_slice %mul3A_149 {offsets = [1280, 0], sizes = [256, 1], strides = [1, 1]} : vector<2048x1xf32> to vector<256x1xf32>
    %slice3A_1864 = vector.extract_strided_slice %mul3A_146 {offsets = [0, 1792], sizes = [1, 256], strides = [1, 1]} : vector<1x2048xf32> to vector<1x256xf32>
    %add3A_1865 = vector.broadcast %slice3A_1863 : vector<256x1xf32> to vector<256x256xf32>
    %add3A_1866 = vector.broadcast %slice3A_1864 : vector<1x256xf32> to vector<256x256xf32>
    %add3A_1867 = arith.addf %add3A_1865, %add3A_1866 : vector<256x256xf32>
    %sub3A_1868 = arith.subf %add3A_1867, %mul3A_1862 : vector<256x256xf32>
    %max3A_1869 = arith.constant 9.99999993E-9 : f32
    %max3A_1870 = vector.broadcast %max3A_1869 : f32 to vector<256x256xf32>
    %max3A_1871 = arith.maximumf %sub3A_1868, %max3A_1870 : vector<256x256xf32>
    %div3A_1872 = arith.divf %mul3A_1862, %max3A_1871 : vector<256x256xf32>
    %gt3A_1873 = arith.constant 0.699999988 : f32
    %gt3A_1874 = vector.broadcast %gt3A_1873 : f32 to vector<256x256xf32>
    %gt3A_1875 = arith.cmpf ogt, %div3A_1872, %gt3A_1874 : vector<256x256xf32>
    %jit3A_1876 = arith.constant 1.000000e+00 : f32
    %jit3A_1877 = arith.constant 0.000000e+00 : f32
    %broadcast_in_dim3A_1878 = vector.broadcast %jit3A_1876 : f32 to vector<256x256xf32>
    %broadcast_in_dim3A_1879 = vector.broadcast %jit3A_1877 : f32 to vector<256x256xf32>
    %select_n3A_1880 = arith.select %gt3A_1875, %broadcast_in_dim3A_1878, %broadcast_in_dim3A_1879 : vector<256x256xi1>, vector<256x256xf32>
    %convert_element_type3A_1881 = arith.truncf %select_n3A_1880 : vector<256x256xf32> to vector<256x256xbf16>
    %swap3A_1882 = arith.constant 1280 : index
    %swap3A_1883 = arith.constant 1792 : index
    %swap3A_1884 = vector.load %arg6[%swap3A_1882, %swap3A_1883] : memref<2048x2048xbf16, #tpu.memory_space<vmem>>, vector<256x256xbf16>
    tpu.vector_store %arg6[%swap3A_1882, %swap3A_1883], %convert_element_type3A_1881 {strides = array<i32>} : memref<2048x2048xbf16, #tpu.memory_space<vmem>>, vector<256x256xbf16>,
    %swap3A_1885 = arith.constant 1536 : index
    %swap3A_1886 = arith.constant 0 : index
    %swap3A_1887 = vector.load %arg6[%swap3A_1885, %swap3A_1886] : memref<2048x2048xbf16, #tpu.memory_space<vmem>>, vector<256x256xbf16>
    tpu.vector_store %arg6[%swap3A_1885, %swap3A_1886], %broadcast_in_dim3A_150 {strides = array<i32>} : memref<2048x2048xbf16, #tpu.memory_space<vmem>>, vector<256x256xbf16>,
    %swap3A_1888 = arith.constant 1536 : index
    %swap3A_1889 = arith.constant 256 : index
    %swap3A_1890 = vector.load %arg6[%swap3A_1888, %swap3A_1889] : memref<2048x2048xbf16, #tpu.memory_space<vmem>>, vector<256x256xbf16>
    tpu.vector_store %arg6[%swap3A_1888, %swap3A_1889], %broadcast_in_dim3A_150 {strides = array<i32>} : memref<2048x2048xbf16, #tpu.memory_space<vmem>>, vector<256x256xbf16>,
    %swap3A_1891 = arith.constant 1536 : index
    %swap3A_1892 = arith.constant 512 : index
    %swap3A_1893 = vector.load %arg6[%swap3A_1891, %swap3A_1892] : memref<2048x2048xbf16, #tpu.memory_space<vmem>>, vector<256x256xbf16>
    tpu.vector_store %arg6[%swap3A_1891, %swap3A_1892], %broadcast_in_dim3A_150 {strides = array<i32>} : memref<2048x2048xbf16, #tpu.memory_space<vmem>>, vector<256x256xbf16>,
    %swap3A_1894 = arith.constant 1536 : index
    %swap3A_1895 = arith.constant 768 : index
    %swap3A_1896 = vector.load %arg6[%swap3A_1894, %swap3A_1895] : memref<2048x2048xbf16, #tpu.memory_space<vmem>>, vector<256x256xbf16>
    tpu.vector_store %arg6[%swap3A_1894, %swap3A_1895], %broadcast_in_dim3A_150 {strides = array<i32>} : memref<2048x2048xbf16, #tpu.memory_space<vmem>>, vector<256x256xbf16>,
    %swap3A_1897 = arith.constant 1536 : index
    %swap3A_1898 = arith.constant 1024 : index
    %swap3A_1899 = vector.load %arg6[%swap3A_1897, %swap3A_1898] : memref<2048x2048xbf16, #tpu.memory_space<vmem>>, vector<256x256xbf16>
    tpu.vector_store %arg6[%swap3A_1897, %swap3A_1898], %broadcast_in_dim3A_150 {strides = array<i32>} : memref<2048x2048xbf16, #tpu.memory_space<vmem>>, vector<256x256xbf16>,
    %swap3A_1900 = arith.constant 1536 : index
    %swap3A_1901 = arith.constant 1280 : index
    %swap3A_1902 = vector.load %arg6[%swap3A_1900, %swap3A_1901] : memref<2048x2048xbf16, #tpu.memory_space<vmem>>, vector<256x256xbf16>
    tpu.vector_store %arg6[%swap3A_1900, %swap3A_1901], %broadcast_in_dim3A_150 {strides = array<i32>} : memref<2048x2048xbf16, #tpu.memory_space<vmem>>, vector<256x256xbf16>,
    %slice3A_1903 = vector.extract_strided_slice %min3A_133 {offsets = [1536, 0], sizes = [256, 1], strides = [1, 1]} : vector<2048x1xf32> to vector<256x1xf32>
    %slice3A_1904 = vector.extract_strided_slice %min3A_67 {offsets = [0, 1536], sizes = [1, 256], strides = [1, 1]} : vector<1x2048xf32> to vector<1x256xf32>
    %min3A_1905 = vector.broadcast %slice3A_1903 : vector<256x1xf32> to vector<256x256xf32>
    %min3A_1906 = vector.broadcast %slice3A_1904 : vector<1x256xf32> to vector<256x256xf32>
    %min3A_1907 = arith.minimumf %min3A_1905, %min3A_1906 : vector<256x256xf32>
    %slice3A_1908 = vector.extract_strided_slice %min3A_113 {offsets = [1536, 0], sizes = [256, 1], strides = [1, 1]} : vector<2048x1xf32> to vector<256x1xf32>
    %slice3A_1909 = vector.extract_strided_slice %min3A_47 {offsets = [0, 1536], sizes = [1, 256], strides = [1, 1]} : vector<1x2048xf32> to vector<1x256xf32>
    %max3A_1910 = vector.broadcast %slice3A_1908 : vector<256x1xf32> to vector<256x256xf32>
    %max3A_1911 = vector.broadcast %slice3A_1909 : vector<1x256xf32> to vector<256x256xf32>
    %max3A_1912 = arith.maximumf %max3A_1910, %max3A_1911 : vector<256x256xf32>
    %sub3A_1913 = arith.subf %min3A_1907, %max3A_1912 : vector<256x256xf32>
    %max3A_1914 = arith.constant 0.000000e+00 : f32
    %max3A_1915 = vector.broadcast %max3A_1914 : f32 to vector<256x256xf32>
    %max3A_1916 = arith.maximumf %sub3A_1913, %max3A_1915 : vector<256x256xf32>
    %slice3A_1917 = vector.extract_strided_slice %min3A_143 {offsets = [1536, 0], sizes = [256, 1], strides = [1, 1]} : vector<2048x1xf32> to vector<256x1xf32>
    %slice3A_1918 = vector.extract_strided_slice %min3A_77 {offsets = [0, 1536], sizes = [1, 256], strides = [1, 1]} : vector<1x2048xf32> to vector<1x256xf32>
    %min3A_1919 = vector.broadcast %slice3A_1917 : vector<256x1xf32> to vector<256x256xf32>
    %min3A_1920 = vector.broadcast %slice3A_1918 : vector<1x256xf32> to vector<256x256xf32>
    %min3A_1921 = arith.minimumf %min3A_1919, %min3A_1920 : vector<256x256xf32>
    %slice3A_1922 = vector.extract_strided_slice %min3A_123 {offsets = [1536, 0], sizes = [256, 1], strides = [1, 1]} : vector<2048x1xf32> to vector<256x1xf32>
    %slice3A_1923 = vector.extract_strided_slice %min3A_57 {offsets = [0, 1536], sizes = [1, 256], strides = [1, 1]} : vector<1x2048xf32> to vector<1x256xf32>
    %max3A_1924 = vector.broadcast %slice3A_1922 : vector<256x1xf32> to vector<256x256xf32>
    %max3A_1925 = vector.broadcast %slice3A_1923 : vector<1x256xf32> to vector<256x256xf32>
    %max3A_1926 = arith.maximumf %max3A_1924, %max3A_1925 : vector<256x256xf32>
    %sub3A_1927 = arith.subf %min3A_1921, %max3A_1926 : vector<256x256xf32>
    %max3A_1928 = arith.constant 0.000000e+00 : f32
    %max3A_1929 = vector.broadcast %max3A_1928 : f32 to vector<256x256xf32>
    %max3A_1930 = arith.maximumf %sub3A_1927, %max3A_1929 : vector<256x256xf32>
    %mul3A_1931 = arith.mulf %max3A_1916, %max3A_1930 : vector<256x256xf32>
    %slice3A_1932 = vector.extract_strided_slice %mul3A_149 {offsets = [1536, 0], sizes = [256, 1], strides = [1, 1]} : vector<2048x1xf32> to vector<256x1xf32>
    %slice3A_1933 = vector.extract_strided_slice %mul3A_146 {offsets = [0, 1536], sizes = [1, 256], strides = [1, 1]} : vector<1x2048xf32> to vector<1x256xf32>
    %add3A_1934 = vector.broadcast %slice3A_1932 : vector<256x1xf32> to vector<256x256xf32>
    %add3A_1935 = vector.broadcast %slice3A_1933 : vector<1x256xf32> to vector<256x256xf32>
    %add3A_1936 = arith.addf %add3A_1934, %add3A_1935 : vector<256x256xf32>
    %sub3A_1937 = arith.subf %add3A_1936, %mul3A_1931 : vector<256x256xf32>
    %max3A_1938 = arith.constant 9.99999993E-9 : f32
    %max3A_1939 = vector.broadcast %max3A_1938 : f32 to vector<256x256xf32>
    %max3A_1940 = arith.maximumf %sub3A_1937, %max3A_1939 : vector<256x256xf32>
    %div3A_1941 = arith.divf %mul3A_1931, %max3A_1940 : vector<256x256xf32>
    %gt3A_1942 = arith.constant 0.699999988 : f32
    %gt3A_1943 = vector.broadcast %gt3A_1942 : f32 to vector<256x256xf32>
    %gt3A_1944 = arith.cmpf ogt, %div3A_1941, %gt3A_1943 : vector<256x256xf32>
    %lt3A_1945 = arith.cmpi slt, %iota3A, %iota3A_151 : vector<256x256xi32>
    %and3A_1946 = arith.andi %gt3A_1944, %lt3A_1945 : vector<256x256xi1>
    %jit3A_1947 = arith.constant 1.000000e+00 : f32
    %jit3A_1948 = arith.constant 0.000000e+00 : f32
    %broadcast_in_dim3A_1949 = vector.broadcast %jit3A_1947 : f32 to vector<256x256xf32>
    %broadcast_in_dim3A_1950 = vector.broadcast %jit3A_1948 : f32 to vector<256x256xf32>
    %select_n3A_1951 = arith.select %and3A_1946, %broadcast_in_dim3A_1949, %broadcast_in_dim3A_1950 : vector<256x256xi1>, vector<256x256xf32>
    %convert_element_type3A_1952 = arith.truncf %select_n3A_1951 : vector<256x256xf32> to vector<256x256xbf16>
    %swap3A_1953 = arith.constant 1536 : index
    %swap3A_1954 = arith.constant 1536 : index
    %swap3A_1955 = vector.load %arg6[%swap3A_1953, %swap3A_1954] : memref<2048x2048xbf16, #tpu.memory_space<vmem>>, vector<256x256xbf16>
    tpu.vector_store %arg6[%swap3A_1953, %swap3A_1954], %convert_element_type3A_1952 {strides = array<i32>} : memref<2048x2048xbf16, #tpu.memory_space<vmem>>, vector<256x256xbf16>,
    %slice3A_1956 = vector.extract_strided_slice %min3A_133 {offsets = [1536, 0], sizes = [256, 1], strides = [1, 1]} : vector<2048x1xf32> to vector<256x1xf32>
    %slice3A_1957 = vector.extract_strided_slice %min3A_67 {offsets = [0, 1792], sizes = [1, 256], strides = [1, 1]} : vector<1x2048xf32> to vector<1x256xf32>
    %min3A_1958 = vector.broadcast %slice3A_1956 : vector<256x1xf32> to vector<256x256xf32>
    %min3A_1959 = vector.broadcast %slice3A_1957 : vector<1x256xf32> to vector<256x256xf32>
    %min3A_1960 = arith.minimumf %min3A_1958, %min3A_1959 : vector<256x256xf32>
    %slice3A_1961 = vector.extract_strided_slice %min3A_113 {offsets = [1536, 0], sizes = [256, 1], strides = [1, 1]} : vector<2048x1xf32> to vector<256x1xf32>
    %slice3A_1962 = vector.extract_strided_slice %min3A_47 {offsets = [0, 1792], sizes = [1, 256], strides = [1, 1]} : vector<1x2048xf32> to vector<1x256xf32>
    %max3A_1963 = vector.broadcast %slice3A_1961 : vector<256x1xf32> to vector<256x256xf32>
    %max3A_1964 = vector.broadcast %slice3A_1962 : vector<1x256xf32> to vector<256x256xf32>
    %max3A_1965 = arith.maximumf %max3A_1963, %max3A_1964 : vector<256x256xf32>
    %sub3A_1966 = arith.subf %min3A_1960, %max3A_1965 : vector<256x256xf32>
    %max3A_1967 = arith.constant 0.000000e+00 : f32
    %max3A_1968 = vector.broadcast %max3A_1967 : f32 to vector<256x256xf32>
    %max3A_1969 = arith.maximumf %sub3A_1966, %max3A_1968 : vector<256x256xf32>
    %slice3A_1970 = vector.extract_strided_slice %min3A_143 {offsets = [1536, 0], sizes = [256, 1], strides = [1, 1]} : vector<2048x1xf32> to vector<256x1xf32>
    %slice3A_1971 = vector.extract_strided_slice %min3A_77 {offsets = [0, 1792], sizes = [1, 256], strides = [1, 1]} : vector<1x2048xf32> to vector<1x256xf32>
    %min3A_1972 = vector.broadcast %slice3A_1970 : vector<256x1xf32> to vector<256x256xf32>
    %min3A_1973 = vector.broadcast %slice3A_1971 : vector<1x256xf32> to vector<256x256xf32>
    %min3A_1974 = arith.minimumf %min3A_1972, %min3A_1973 : vector<256x256xf32>
    %slice3A_1975 = vector.extract_strided_slice %min3A_123 {offsets = [1536, 0], sizes = [256, 1], strides = [1, 1]} : vector<2048x1xf32> to vector<256x1xf32>
    %slice3A_1976 = vector.extract_strided_slice %min3A_57 {offsets = [0, 1792], sizes = [1, 256], strides = [1, 1]} : vector<1x2048xf32> to vector<1x256xf32>
    %max3A_1977 = vector.broadcast %slice3A_1975 : vector<256x1xf32> to vector<256x256xf32>
    %max3A_1978 = vector.broadcast %slice3A_1976 : vector<1x256xf32> to vector<256x256xf32>
    %max3A_1979 = arith.maximumf %max3A_1977, %max3A_1978 : vector<256x256xf32>
    %sub3A_1980 = arith.subf %min3A_1974, %max3A_1979 : vector<256x256xf32>
    %max3A_1981 = arith.constant 0.000000e+00 : f32
    %max3A_1982 = vector.broadcast %max3A_1981 : f32 to vector<256x256xf32>
    %max3A_1983 = arith.maximumf %sub3A_1980, %max3A_1982 : vector<256x256xf32>
    %mul3A_1984 = arith.mulf %max3A_1969, %max3A_1983 : vector<256x256xf32>
    %slice3A_1985 = vector.extract_strided_slice %mul3A_149 {offsets = [1536, 0], sizes = [256, 1], strides = [1, 1]} : vector<2048x1xf32> to vector<256x1xf32>
    %slice3A_1986 = vector.extract_strided_slice %mul3A_146 {offsets = [0, 1792], sizes = [1, 256], strides = [1, 1]} : vector<1x2048xf32> to vector<1x256xf32>
    %add3A_1987 = vector.broadcast %slice3A_1985 : vector<256x1xf32> to vector<256x256xf32>
    %add3A_1988 = vector.broadcast %slice3A_1986 : vector<1x256xf32> to vector<256x256xf32>
    %add3A_1989 = arith.addf %add3A_1987, %add3A_1988 : vector<256x256xf32>
    %sub3A_1990 = arith.subf %add3A_1989, %mul3A_1984 : vector<256x256xf32>
    %max3A_1991 = arith.constant 9.99999993E-9 : f32
    %max3A_1992 = vector.broadcast %max3A_1991 : f32 to vector<256x256xf32>
    %max3A_1993 = arith.maximumf %sub3A_1990, %max3A_1992 : vector<256x256xf32>
    %div3A_1994 = arith.divf %mul3A_1984, %max3A_1993 : vector<256x256xf32>
    %gt3A_1995 = arith.constant 0.699999988 : f32
    %gt3A_1996 = vector.broadcast %gt3A_1995 : f32 to vector<256x256xf32>
    %gt3A_1997 = arith.cmpf ogt, %div3A_1994, %gt3A_1996 : vector<256x256xf32>
    %jit3A_1998 = arith.constant 1.000000e+00 : f32
    %jit3A_1999 = arith.constant 0.000000e+00 : f32
    %broadcast_in_dim3A_2000 = vector.broadcast %jit3A_1998 : f32 to vector<256x256xf32>
    %broadcast_in_dim3A_2001 = vector.broadcast %jit3A_1999 : f32 to vector<256x256xf32>
    %select_n3A_2002 = arith.select %gt3A_1997, %broadcast_in_dim3A_2000, %broadcast_in_dim3A_2001 : vector<256x256xi1>, vector<256x256xf32>
    %convert_element_type3A_2003 = arith.truncf %select_n3A_2002 : vector<256x256xf32> to vector<256x256xbf16>
    %swap3A_2004 = arith.constant 1536 : index
    %swap3A_2005 = arith.constant 1792 : index
    %swap3A_2006 = vector.load %arg6[%swap3A_2004, %swap3A_2005] : memref<2048x2048xbf16, #tpu.memory_space<vmem>>, vector<256x256xbf16>
    tpu.vector_store %arg6[%swap3A_2004, %swap3A_2005], %convert_element_type3A_2003 {strides = array<i32>} : memref<2048x2048xbf16, #tpu.memory_space<vmem>>, vector<256x256xbf16>,
    %swap3A_2007 = arith.constant 1792 : index
    %swap3A_2008 = arith.constant 0 : index
    %swap3A_2009 = vector.load %arg6[%swap3A_2007, %swap3A_2008] : memref<2048x2048xbf16, #tpu.memory_space<vmem>>, vector<256x256xbf16>
    tpu.vector_store %arg6[%swap3A_2007, %swap3A_2008], %broadcast_in_dim3A_150 {strides = array<i32>} : memref<2048x2048xbf16, #tpu.memory_space<vmem>>, vector<256x256xbf16>,
    %swap3A_2010 = arith.constant 1792 : index
    %swap3A_2011 = arith.constant 256 : index
    %swap3A_2012 = vector.load %arg6[%swap3A_2010, %swap3A_2011] : memref<2048x2048xbf16, #tpu.memory_space<vmem>>, vector<256x256xbf16>
    tpu.vector_store %arg6[%swap3A_2010, %swap3A_2011], %broadcast_in_dim3A_150 {strides = array<i32>} : memref<2048x2048xbf16, #tpu.memory_space<vmem>>, vector<256x256xbf16>,
    %swap3A_2013 = arith.constant 1792 : index
    %swap3A_2014 = arith.constant 512 : index
    %swap3A_2015 = vector.load %arg6[%swap3A_2013, %swap3A_2014] : memref<2048x2048xbf16, #tpu.memory_space<vmem>>, vector<256x256xbf16>
    tpu.vector_store %arg6[%swap3A_2013, %swap3A_2014], %broadcast_in_dim3A_150 {strides = array<i32>} : memref<2048x2048xbf16, #tpu.memory_space<vmem>>, vector<256x256xbf16>,
    %swap3A_2016 = arith.constant 1792 : index
    %swap3A_2017 = arith.constant 768 : index
    %swap3A_2018 = vector.load %arg6[%swap3A_2016, %swap3A_2017] : memref<2048x2048xbf16, #tpu.memory_space<vmem>>, vector<256x256xbf16>
    tpu.vector_store %arg6[%swap3A_2016, %swap3A_2017], %broadcast_in_dim3A_150 {strides = array<i32>} : memref<2048x2048xbf16, #tpu.memory_space<vmem>>, vector<256x256xbf16>,
    %swap3A_2019 = arith.constant 1792 : index
    %swap3A_2020 = arith.constant 1024 : index
    %swap3A_2021 = vector.load %arg6[%swap3A_2019, %swap3A_2020] : memref<2048x2048xbf16, #tpu.memory_space<vmem>>, vector<256x256xbf16>
    tpu.vector_store %arg6[%swap3A_2019, %swap3A_2020], %broadcast_in_dim3A_150 {strides = array<i32>} : memref<2048x2048xbf16, #tpu.memory_space<vmem>>, vector<256x256xbf16>,
    %swap3A_2022 = arith.constant 1792 : index
    %swap3A_2023 = arith.constant 1280 : index
    %swap3A_2024 = vector.load %arg6[%swap3A_2022, %swap3A_2023] : memref<2048x2048xbf16, #tpu.memory_space<vmem>>, vector<256x256xbf16>
    tpu.vector_store %arg6[%swap3A_2022, %swap3A_2023], %broadcast_in_dim3A_150 {strides = array<i32>} : memref<2048x2048xbf16, #tpu.memory_space<vmem>>, vector<256x256xbf16>,
    %swap3A_2025 = arith.constant 1792 : index
    %swap3A_2026 = arith.constant 1536 : index
    %swap3A_2027 = vector.load %arg6[%swap3A_2025, %swap3A_2026] : memref<2048x2048xbf16, #tpu.memory_space<vmem>>, vector<256x256xbf16>
    tpu.vector_store %arg6[%swap3A_2025, %swap3A_2026], %broadcast_in_dim3A_150 {strides = array<i32>} : memref<2048x2048xbf16, #tpu.memory_space<vmem>>, vector<256x256xbf16>,
    %slice3A_2028 = vector.extract_strided_slice %min3A_133 {offsets = [1792, 0], sizes = [256, 1], strides = [1, 1]} : vector<2048x1xf32> to vector<256x1xf32>
    %slice3A_2029 = vector.extract_strided_slice %min3A_67 {offsets = [0, 1792], sizes = [1, 256], strides = [1, 1]} : vector<1x2048xf32> to vector<1x256xf32>
    %min3A_2030 = vector.broadcast %slice3A_2028 : vector<256x1xf32> to vector<256x256xf32>
    %min3A_2031 = vector.broadcast %slice3A_2029 : vector<1x256xf32> to vector<256x256xf32>
    %min3A_2032 = arith.minimumf %min3A_2030, %min3A_2031 : vector<256x256xf32>
    %slice3A_2033 = vector.extract_strided_slice %min3A_113 {offsets = [1792, 0], sizes = [256, 1], strides = [1, 1]} : vector<2048x1xf32> to vector<256x1xf32>
    %slice3A_2034 = vector.extract_strided_slice %min3A_47 {offsets = [0, 1792], sizes = [1, 256], strides = [1, 1]} : vector<1x2048xf32> to vector<1x256xf32>
    %max3A_2035 = vector.broadcast %slice3A_2033 : vector<256x1xf32> to vector<256x256xf32>
    %max3A_2036 = vector.broadcast %slice3A_2034 : vector<1x256xf32> to vector<256x256xf32>
    %max3A_2037 = arith.maximumf %max3A_2035, %max3A_2036 : vector<256x256xf32>
    %sub3A_2038 = arith.subf %min3A_2032, %max3A_2037 : vector<256x256xf32>
    %max3A_2039 = arith.constant 0.000000e+00 : f32
    %max3A_2040 = vector.broadcast %max3A_2039 : f32 to vector<256x256xf32>
    %max3A_2041 = arith.maximumf %sub3A_2038, %max3A_2040 : vector<256x256xf32>
    %slice3A_2042 = vector.extract_strided_slice %min3A_143 {offsets = [1792, 0], sizes = [256, 1], strides = [1, 1]} : vector<2048x1xf32> to vector<256x1xf32>
    %slice3A_2043 = vector.extract_strided_slice %min3A_77 {offsets = [0, 1792], sizes = [1, 256], strides = [1, 1]} : vector<1x2048xf32> to vector<1x256xf32>
    %min3A_2044 = vector.broadcast %slice3A_2042 : vector<256x1xf32> to vector<256x256xf32>
    %min3A_2045 = vector.broadcast %slice3A_2043 : vector<1x256xf32> to vector<256x256xf32>
    %min3A_2046 = arith.minimumf %min3A_2044, %min3A_2045 : vector<256x256xf32>
    %slice3A_2047 = vector.extract_strided_slice %min3A_123 {offsets = [1792, 0], sizes = [256, 1], strides = [1, 1]} : vector<2048x1xf32> to vector<256x1xf32>
    %slice3A_2048 = vector.extract_strided_slice %min3A_57 {offsets = [0, 1792], sizes = [1, 256], strides = [1, 1]} : vector<1x2048xf32> to vector<1x256xf32>
    %max3A_2049 = vector.broadcast %slice3A_2047 : vector<256x1xf32> to vector<256x256xf32>
    %max3A_2050 = vector.broadcast %slice3A_2048 : vector<1x256xf32> to vector<256x256xf32>
    %max3A_2051 = arith.maximumf %max3A_2049, %max3A_2050 : vector<256x256xf32>
    %sub3A_2052 = arith.subf %min3A_2046, %max3A_2051 : vector<256x256xf32>
    %max3A_2053 = arith.constant 0.000000e+00 : f32
    %max3A_2054 = vector.broadcast %max3A_2053 : f32 to vector<256x256xf32>
    %max3A_2055 = arith.maximumf %sub3A_2052, %max3A_2054 : vector<256x256xf32>
    %mul3A_2056 = arith.mulf %max3A_2041, %max3A_2055 : vector<256x256xf32>
    %slice3A_2057 = vector.extract_strided_slice %mul3A_149 {offsets = [1792, 0], sizes = [256, 1], strides = [1, 1]} : vector<2048x1xf32> to vector<256x1xf32>
    %slice3A_2058 = vector.extract_strided_slice %mul3A_146 {offsets = [0, 1792], sizes = [1, 256], strides = [1, 1]} : vector<1x2048xf32> to vector<1x256xf32>
    %add3A_2059 = vector.broadcast %slice3A_2057 : vector<256x1xf32> to vector<256x256xf32>
    %add3A_2060 = vector.broadcast %slice3A_2058 : vector<1x256xf32> to vector<256x256xf32>
    %add3A_2061 = arith.addf %add3A_2059, %add3A_2060 : vector<256x256xf32>
    %sub3A_2062 = arith.subf %add3A_2061, %mul3A_2056 : vector<256x256xf32>
    %max3A_2063 = arith.constant 9.99999993E-9 : f32
    %max3A_2064 = vector.broadcast %max3A_2063 : f32 to vector<256x256xf32>
    %max3A_2065 = arith.maximumf %sub3A_2062, %max3A_2064 : vector<256x256xf32>
    %div3A_2066 = arith.divf %mul3A_2056, %max3A_2065 : vector<256x256xf32>
    %gt3A_2067 = arith.constant 0.699999988 : f32
    %gt3A_2068 = vector.broadcast %gt3A_2067 : f32 to vector<256x256xf32>
    %gt3A_2069 = arith.cmpf ogt, %div3A_2066, %gt3A_2068 : vector<256x256xf32>
    %lt3A_2070 = arith.cmpi slt, %iota3A, %iota3A_151 : vector<256x256xi32>
    %and3A_2071 = arith.andi %gt3A_2069, %lt3A_2070 : vector<256x256xi1>
    %jit3A_2072 = arith.constant 1.000000e+00 : f32
    %jit3A_2073 = arith.constant 0.000000e+00 : f32
    %broadcast_in_dim3A_2074 = vector.broadcast %jit3A_2072 : f32 to vector<256x256xf32>
    %broadcast_in_dim3A_2075 = vector.broadcast %jit3A_2073 : f32 to vector<256x256xf32>
    %select_n3A_2076 = arith.select %and3A_2071, %broadcast_in_dim3A_2074, %broadcast_in_dim3A_2075 : vector<256x256xi1>, vector<256x256xf32>
    %convert_element_type3A_2077 = arith.truncf %select_n3A_2076 : vector<256x256xf32> to vector<256x256xbf16>
    %swap3A_2078 = arith.constant 1792 : index
    %swap3A_2079 = arith.constant 1792 : index
    %swap3A_2080 = vector.load %arg6[%swap3A_2078, %swap3A_2079] : memref<2048x2048xbf16, #tpu.memory_space<vmem>>, vector<256x256xbf16>
    tpu.vector_store %arg6[%swap3A_2078, %swap3A_2079], %convert_element_type3A_2077 {strides = array<i32>} : memref<2048x2048xbf16, #tpu.memory_space<vmem>>, vector<256x256xbf16>,
    %get3A_2081 = arith.constant 0 : index
    %get3A_2082 = arith.constant 0 : index
    %get3A_2083 = vector.load %arg6[%get3A_2081, %get3A_2082] : memref<2048x2048xbf16, #tpu.memory_space<vmem>>, vector<2048x2048xbf16>
    %iota3A_2084 = tpu.iota {dimensions = array<i32: 1>} : vector<1x2048xi32>
    %lt3A_2085 = arith.constant 2000 : i32
    %lt3A_2086 = vector.broadcast %lt3A_2085 : i32 to vector<1x2048xi32>
    %lt3A_2087 = arith.cmpi slt, %iota3A_2084, %lt3A_2086 : vector<1x2048xi32>
    %jit3A_2088 = arith.constant 1.000000e+00 : f32
    %jit3A_2089 = arith.constant 0.000000e+00 : f32
    %broadcast_in_dim3A_2090 = vector.broadcast %jit3A_2088 : f32 to vector<1x2048xf32>
    %broadcast_in_dim3A_2091 = vector.broadcast %jit3A_2089 : f32 to vector<1x2048xf32>
    %select_n3A_2092 = arith.select %lt3A_2087, %broadcast_in_dim3A_2090, %broadcast_in_dim3A_2091 : vector<1x2048xi1>, vector<1x2048xf32>
    %while3A = arith.constant true
    %while3A_2093:2 = scf.while (%while3A_2127 = %select_n3A_2092, %while3A_2128 = %while3A) : (vector<1x2048xf32>, i1) -> (vector<1x2048xf32>, i1) {
      scf.condition(%while3A_2128) %while3A_2127, %while3A_2128 : vector<1x2048xf32>, i1
    } do {
    ^bb0(%while3A_2127: vector<1x2048xf32>, %while3A_2128: i1):
      %convert_element_type3A_2129 = arith.truncf %while3A_2127 : vector<1x2048xf32> to vector<1x2048xbf16>
      %dot_general3A_2130 = arith.constant dense<0.000000e+00> : vector<1x2048xf32>
      %dot_general3A_2131 = tpu.matmul %convert_element_type3A_2129, %get3A_2083, %dot_general3A_2130 {dimension_numbers = #tpu.dot_dimension_numbers<[1], [0], [0], [1], [0, 0, 1, 1], [], []>, transpose_lhs_hint = false} : vector<1x2048xbf16>, vector<2048x2048xbf16>, vector<1x2048xf32> -> vector<1x2048xf32>
      %le3A_2132 = arith.constant 0.000000e+00 : f32
      %le3A_2133 = vector.broadcast %le3A_2132 : f32 to vector<1x2048xf32>
      %le3A_2134 = arith.cmpf ole, %dot_general3A_2131, %le3A_2133 : vector<1x2048xf32>
      %and3A_2135 = arith.andi %lt3A_2087, %le3A_2134 : vector<1x2048xi1>
      %jit3A_2136 = arith.constant 1.000000e+00 : f32
      %jit3A_2137 = arith.constant 0.000000e+00 : f32
      %broadcast_in_dim3A_2138 = vector.broadcast %jit3A_2136 : f32 to vector<1x2048xf32>
      %broadcast_in_dim3A_2139 = vector.broadcast %jit3A_2137 : f32 to vector<1x2048xf32>
      %select_n3A_2140 = arith.select %and3A_2135, %broadcast_in_dim3A_2138, %broadcast_in_dim3A_2139 : vector<1x2048xi1>, vector<1x2048xf32>
      %ne3A = arith.cmpf one, %select_n3A_2140, %while3A_2127 : vector<1x2048xf32>
      %reduce_or3A = arith.constant 1.000000e+00 : f32
      %reduce_or3A_2141 = arith.constant 0.000000e+00 : f32
      %reduce_or3A_2142 = vector.broadcast %reduce_or3A : f32 to vector<1x2048xf32>
      %reduce_or3A_2143 = vector.broadcast %reduce_or3A_2141 : f32 to vector<1x2048xf32>
      %reduce_or3A_2144 = arith.select %ne3A, %reduce_or3A_2142, %reduce_or3A_2143 : vector<1x2048xi1>, vector<1x2048xf32>
      %reduce_or3A_2145 = vector.shape_cast %reduce_or3A_2144 : vector<1x2048xf32> to vector<1x1x2048xf32>
      %reduce_or3A_2146 = arith.constant dense<0xFF800000> : vector<1xf32>
      %reduce_or3A_2147 = vector.multi_reduction <maximumf>, %reduce_or3A_2145, %reduce_or3A_2146 [1, 2] : vector<1x1x2048xf32> to vector<1xf32>
      %reduce_or3A_2148 = vector.shape_cast %reduce_or3A_2147 : vector<1xf32> to vector<1x1x1xf32>
      %reduce_or3A_2149 = vector.extract %reduce_or3A_2148[0, 0, 0] : f32 from vector<1x1x1xf32>
      %reduce_or3A_2150 = arith.constant 0.000000e+00 : f32
      %reduce_or3A_2151 = arith.cmpf ogt, %reduce_or3A_2149, %reduce_or3A_2150 : f32
      scf.yield %select_n3A_2140, %reduce_or3A_2151 : vector<1x2048xf32>, i1
    }
    %iota3A_2094 = tpu.iota {dimensions = array<i32: 0>} : vector<2048x2048xi32>
    %iota3A_2095 = tpu.iota {dimensions = array<i32: 1>} : vector<2048x2048xi32>
    %le3A = arith.cmpi sle, %iota3A_2094, %iota3A_2095 : vector<2048x2048xi32>
    %jit3A_2096 = arith.constant 1.000000e+00 : f32
    %jit3A_2097 = arith.constant 0.000000e+00 : f32
    %broadcast_in_dim3A_2098 = vector.broadcast %jit3A_2096 : f32 to vector<2048x2048xf32>
    %broadcast_in_dim3A_2099 = vector.broadcast %jit3A_2097 : f32 to vector<2048x2048xf32>
    %select_n3A_2100 = arith.select %le3A, %broadcast_in_dim3A_2098, %broadcast_in_dim3A_2099 : vector<2048x2048xi1>, vector<2048x2048xf32>
    %dot_general3A = arith.constant dense<0.000000e+00> : vector<1x2048xf32>
    %dot_general3A_2101 = tpu.matmul %while3A_2093#0, %select_n3A_2100, %dot_general3A {dimension_numbers = #tpu.dot_dimension_numbers<[1], [0], [0], [1], [0, 0, 1, 1], [], []>, transpose_lhs_hint = false} : vector<1x2048xf32>, vector<2048x2048xf32>, vector<1x2048xf32> -> vector<1x2048xf32>
    %sub3A_2102 = arith.constant 1.000000e+00 : f32
    %sub3A_2103 = vector.broadcast %sub3A_2102 : f32 to vector<1x2048xf32>
    %sub3A_2104 = arith.subf %dot_general3A_2101, %sub3A_2103 : vector<1x2048xf32>
    %iota3A_2105 = tpu.iota {dimensions = array<i32: 0>} : vector<1024x1xi32>
    %convert_element_type3A_2106 = arith.sitofp %iota3A_2105 : vector<1024x1xi32> to vector<1024x1xf32>
    %eq3A = vector.broadcast %sub3A_2104 : vector<1x2048xf32> to vector<1024x2048xf32>
    %eq3A_2107 = vector.broadcast %convert_element_type3A_2106 : vector<1024x1xf32> to vector<1024x2048xf32>
    %eq3A_2108 = arith.cmpf oeq, %eq3A, %eq3A_2107 : vector<1024x2048xf32>
    %gt3A_2109 = arith.constant 0.000000e+00 : f32
    %gt3A_2110 = vector.broadcast %gt3A_2109 : f32 to vector<1x2048xf32>
    %gt3A_2111 = arith.cmpf ogt, %while3A_2093#0, %gt3A_2110 : vector<1x2048xf32>
    %and3A_2112 = vector.broadcast %gt3A_2111 : vector<1x2048xi1> to vector<1024x2048xi1>
    %and3A_2113 = arith.andi %eq3A_2108, %and3A_2112 : vector<1024x2048xi1>
    %jit3A_2114 = arith.constant 1.000000e+00 : f32
    %jit3A_2115 = arith.constant 0.000000e+00 : f32
    %broadcast_in_dim3A_2116 = vector.broadcast %jit3A_2114 : f32 to vector<1024x2048xf32>
    %broadcast_in_dim3A_2117 = vector.broadcast %jit3A_2115 : f32 to vector<1024x2048xf32>
    %select_n3A_2118 = arith.select %and3A_2113, %broadcast_in_dim3A_2116, %broadcast_in_dim3A_2117 : vector<1024x2048xi1>, vector<1024x2048xf32>
    %concatenate3A = tpu.concatenate %min3A_47, %min3A_57, %min3A_67, %min3A_77 in 0 : vector<1x2048xf32>, vector<1x2048xf32>, vector<1x2048xf32>, vector<1x2048xf32> -> vector<4x2048xf32>
    %dot_general3A_2119 = arith.constant dense<0.000000e+00> : vector<4x1024xf32>
    %dot_general3A_2120 = tpu.matmul %concatenate3A, %select_n3A_2118, %dot_general3A_2119 {dimension_numbers = #tpu.dot_dimension_numbers<[1], [1], [0], [0], [0, 0, 1, 0], [], []>, precision = #tpu.contract_precision<fp32>, transpose_lhs_hint = false} : vector<4x2048xf32>, vector<1024x2048xf32>, vector<4x1024xf32> -> vector<4x1024xf32>
    %swap3A_2121 = arith.constant 0 : index
    %swap3A_2122 = arith.constant 0 : index
    %swap3A_2123 = arith.constant 0 : index
    %swap3A_2124 = vector.load %arg5[%swap3A_2121, %swap3A_2122, %swap3A_2123] : memref<1x4x1024xf32, #tpu.memory_space<vmem>>, vector<1x4x1024xf32>
    %swap3A_2125 = vector.shape_cast %swap3A_2124 : vector<1x4x1024xf32> to vector<4x1024xf32>
    %swap3A_2126 = vector.shape_cast %dot_general3A_2120 : vector<4x1024xf32> to vector<1x4x1024xf32>
    tpu.vector_store %arg5[%swap3A_2121, %swap3A_2122, %swap3A_2123], %swap3A_2126 {strides = array<i32>} : memref<1x4x1024xf32, #tpu.memory_space<vmem>>, vector<1x4x1024xf32>,
    return
  }
  func.func @transform_0(%arg0: i32) -> (i32, i32, i32) {
    %c0_i32 = arith.constant 0 : i32
    %c0_i32_0 = arith.constant 0 : i32
    %c0_i32_1 = arith.constant 0 : i32
    return %arg0, %c0_i32, %c0_i32_0 : i32, i32, i32
  }
  func.func @transform_1(%arg0: i32) -> (i32, i32, i32) {
    %c0_i32 = arith.constant 0 : i32
    %c0_i32_0 = arith.constant 0 : i32
    %c0_i32_1 = arith.constant 0 : i32
    return %arg0, %c0_i32, %c0_i32_0 : i32, i32, i32
  }
  func.func @transform_2(%arg0: i32) -> (i32, i32, i32) {
    %c0_i32 = arith.constant 0 : i32
    %c0_i32_0 = arith.constant 0 : i32
    %c0_i32_1 = arith.constant 0 : i32
    return %arg0, %c0_i32, %c0_i32_0 : i32, i32, i32
  }
  func.func @transform_3(%arg0: i32) -> (i32, i32, i32) {
    %c0_i32 = arith.constant 0 : i32
    %c0_i32_0 = arith.constant 0 : i32
    %c0_i32_1 = arith.constant 0 : i32
    return %arg0, %c0_i32, %c0_i32_0 : i32, i32, i32
  }
  func.func @transform_4(%arg0: i32) -> (i32, i32, i32) {
    %c0_i32 = arith.constant 0 : i32
    %c0_i32_0 = arith.constant 0 : i32
    %c0_i32_1 = arith.constant 0 : i32
    return %arg0, %c0_i32, %c0_i32_0 : i32, i32, i32
  }
}

</mosaic_0001>

<sc_bundles>
// kernel: gather_offload_async_start.1
scs
__scs_entry_jumppad:
0x0: {  	(pc) =	sbr.rel $0x88, $3  }
0x1: {  	(tag) =	ssettag $0x0;
	lr =	simm.s32 $0x1  }
0x2: {  	[smem:$0x3F9E] =	sst lr;
	_ =	strace $0xD0000000  }
0x3: {  	_ = 	snop  }
0x4: {  	_ = 	snop  }
0x5: {  	_ = 	snop  }
0x6: {  	_ = 	snop  }
0x7: {  	_ = 	snop  }
__scs_overlays_trampoline_lowered:
0x8: {  	[smem:$0x3FAD] =	sst s0  }
0x9: {  	[smem:$0x3FAE] =	sst s1  }
0xa: {  	[smem:$0x3FAF] =	sst s2  }
0xb: {  	[smem:$0x3FB0] =	sst s3  }
0xc: {  	[smem:$0x3FB1] =	sst s4  }
0xd: {  	[smem:$0x3FB2] =	sst s5  }
0xe: {  	[smem:$0x3FB3] =	sst s6  }
0xf: {  	[smem:$0x3FB4] =	sst s7  }
0x10: {  	[smem:$0x3FB5] =	sst s8  }
0x11: {  	[smem:$0x3FB6] =	sst s9;
	s0 =	simm.s32 @!p0 $0x0  }
0x12: {  	s1 =	sld [smem:$0x3F9C];
	s0 =	simm.s32 @p0 $0x1  }
0x13: {  	[smem:$0x3FB7] =	sst s0;
	s0 =	simm.s32 @!p1 $0x0  }
0x14: {  	s2 =	sld [smem:$0x3F9B];
	s0 =	simm.s32 @p1 $0x1  }
0x15: {  	[smem:$0x3FB8] =	sst s0;
	s0 =	simm.s32 @!p2 $0x0  }
0x16: {  	s3 =	sld [smem:$0x3FDB];
	s0 =	simm.s32 @p2 $0x1  }
0x17: {  	s4 =	simm.s32 $0x1BF5;
	[smem:$0x3FBA] =	sst s0  }
0x18: {  	s0 =	sld [smem:$0x3F9D];
	_ =	swait.ge [sflag:s4], $0x0  }
0x19: {  	s7 =	sld [smem:$0x3F9E]  }
0x1a: {  	s8 =	sadd.s32 $0xFFFFE003, lr  }
0x1b: {  	s9 =	sadd.s32 $0xFFFFFEF7, lr;
	s5 =	simm.s32 $0xFFFFFFFF;
	p2 =	slt.u32 s8, $0xFFFFF086  }
0x1c: {  	p1 =	slt.u32 s9, $0xF7A;
	s5 =	simm.s32 @!p2 $0x0  }
0x1d: {  	s5 =	simm.s32 @p1 $0x1;
	p0 =	seq.s32 s7, s2  }
0x1e: {  	s7 =	smul.u32 @!p0 $0xF7A, s2;
	p2 =	seq.s32 @!p0 s5, $0x0  }
0x1f: {  	s9 =	smul.u32 $0xF7A, s1;
	s8 =	simm.s32 @!p0 $0x1BF5;
	p2 =	por !p2, p0  }
0x20: {  	[sflag:s8] =	ssyncset.s32 @!p0 $0xFFFFF086;
	s6 =	sadd.s32 @!p0 s3, s7;
	s7 =	simm.s32 @!p0 $0x108  }
0x21: {  	s3 =	sadd.s32 s3, s9;
	s6 =	sadd.s32 @!p0 $0x88, s6;
	s7 =	simm.s32 @p2 $0x1082  }
0x22: {  	[simem:s7], [sflag:s8] =	dma.local @!p0 [hbm:s6], $0xF7A  }
0x23: {  	s9 =	sor.u32 $0xD0000000, s2;
	s6 =	simm.s32 $0x108;
	_ =	swait.ge @!p0 [sflag:s8], $0x0  }
0x24: {  	s3 =	sadd.s32 $0x88, s3;
	s6 =	simm.s32 @!p1 $0x1082;
	[sflag:s4] =	ssyncset.s32 $0xFFFFF086  }
0x25: {  	[simem:s6], [sflag:s4] =	dma.local [hbm:s3], $0xF7A  }
0x26: {  	[smem:$0x3F9E] =	sst s1;
	(tag) =	ssettag s2;
	_ =	strace s9  }
0x27: {  	s1 =	sld [smem:$0x3FAE]  }
0x28: {  	s2 =	sld [smem:$0x3FAF]  }
0x29: {  	s4 =	sld [smem:$0x3FB1]  }
0x2a: {  	p0 =	seq.s32 s5, $0x0;
	s5 =	sld [smem:$0x3FB2]  }
0x2b: {  	s6 =	sld [smem:$0x3FB3]  }
0x2c: {  	s7 =	sld [smem:$0x3FB4]  }
0x2d: {  	s3 =	simm.s32 $0x108;
	s8 =	sld [smem:$0x3FB5]  }
0x2e: {  	s3 =	simm.s32 @!p0 $0x1082;
	s9 =	sld [smem:$0x3FB6]  }
0x2f: {  	lr =	sadd.s32 s0, s3;
	s0 =	sld [smem:$0x3FAD]  }
0x30: {  	s3 =	sld [smem:$0x3FB0]  }
0x31: {  	[smem:$0x3FB9] =	sst s10  }
0x32: {  	s10 =	sld [smem:$0x3FB7];
	_ =	sdelay $0x3  }
0x33: {  	p0 =	seq.s32 s10, $0x1;
	s10 =	sld [smem:$0x3FB9];
	_ =	sdelay $0x3  }
0x34: {  	[smem:$0x3FB9] =	sst s10  }
0x35: {  	s10 =	sld [smem:$0x3FB8];
	_ =	sdelay $0x3  }
0x36: {  	p1 =	seq.s32 s10, $0x1;
	s10 =	sld [smem:$0x3FB9];
	_ =	sdelay $0x3  }
0x37: {  	[smem:$0x3FB9] =	sst s10  }
0x38: {  	s10 =	sld [smem:$0x3FBA]  }
0x39: {  	_ = 	snop;
	(pc) =	sbr.ind lr, $3  }
0x3a: {  	_ = 	snop  }
0x3b: {  	_ = 	snop  }
0x3c: {  	p2 =	seq.s32 s10, $0x1;
	s10 =	sld [smem:$0x3FB9]  }
0x3d: {  	_ =	shalt  }
0x3e: {  	_ =	shalt  }
0x3f: {  	_ =	shalt  }
0x40: {  	_ =	shalt  }
0x41: {  	_ =	shalt  }
0x42: {  	_ =	shalt  }
0x43: {  	_ =	shalt  }
0x44: {  	_ =	shalt  }
0x45: {  	_ =	shalt  }
0x46: {  	_ =	shalt  }
0x47: {  	_ =	shalt  }
0x48: {  	_ =	shalt  }
0x49: {  	_ =	shalt  }
0x4a: {  	_ =	shalt  }
0x4b: {  	_ =	shalt  }
0x4c: {  	_ =	shalt  }
0x4d: {  	_ =	shalt  }
0x4e: {  	_ =	shalt  }
0x4f: {  	_ =	shalt  }
0x50: {  	_ =	shalt  }
0x51: {  	_ =	shalt  }
0x52: {  	_ =	shalt  }
0x53: {  	_ =	shalt  }
0x54: {  	_ =	shalt  }
0x55: {  	_ =	shalt  }
0x56: {  	_ =	shalt  }
0x57: {  	_ =	shalt  }
0x58: {  	_ =	shalt  }
0x59: {  	_ =	shalt  }
0x5a: {  	_ =	shalt  }
0x5b: {  	_ =	shalt  }
0x5c: {  	_ =	shalt  }
0x5d: {  	_ =	shalt  }
0x5e: {  	_ =	shalt  }
0x5f: {  	_ =	shalt  }
0x60: {  	_ =	shalt  }
0x61: {  	_ =	shalt  }
0x62: {  	_ =	shalt  }
0x63: {  	_ =	shalt  }
0x64: {  	_ =	shalt  }
0x65: {  	_ =	shalt  }
0x66: {  	_ =	shalt  }
0x67: {  	_ =	shalt  }
0x68: {  	_ =	shalt  }
0x69: {  	_ =	shalt  }
0x6a: {  	_ =	shalt  }
0x6b: {  	_ =	shalt  }
0x6c: {  	_ =	shalt  }
0x6d: {  	_ =	shalt  }
0x6e: {  	_ =	shalt  }
0x6f: {  	_ =	shalt  }
0x70: {  	_ =	shalt  }
0x71: {  	_ =	shalt  }
0x72: {  	_ =	shalt  }
0x73: {  	_ =	shalt  }
0x74: {  	_ =	shalt  }
0x75: {  	_ =	shalt  }
0x76: {  	_ =	shalt  }
0x77: {  	_ =	shalt  }
0x78: {  	_ =	shalt  }
0x79: {  	_ =	shalt  }
0x7a: {  	_ =	shalt  }
0x7b: {  	_ =	shalt  }
0x7c: {  	_ =	shalt  }
0x7d: {  	_ =	shalt  }
0x7e: {  	_ =	shalt  }
0x7f: {  	_ =	shalt  }
0x80: {  	_ =	shalt  }
0x81: {  	_ =	shalt  }
0x82: {  	_ =	shalt  }
0x83: {  	_ =	shalt  }
0x84: {  	_ =	shalt  }
0x85: {  	_ =	shalt  }
0x86: {  	_ =	shalt  }
0x87: {  	_ =	shalt  }
.Lfunc_end0:
.L_simem_size_0:
called_computation.1_lowered:
.L_overlay_start_0:
0x88: {  	s2 =	sld [smem:$0x3FD9]  }
0x89: {  	s3 =	sld [smem:$0x3FFE];
	_ =	sdelay $0x1  }
0x8a: {  	s1 =	srdreg.scid  }
0x8b: {  	s0 =	sand.u32 $0x1, s1  }
0x8c: {  	s17 =	sshll.u32 s0, $0xA;
	s2 =	sadd.s32 s3, s2  }
0x8d: {  	s2 =	sadd.s32 s2, s17  }
0x8e: {  	[smem:$0x3FC5] =	sst s2  }
0x8f: {  	_ = 	snop  }
0x90: {  	s18 =	sld [smem:$0x3FD0];
	(tm) =	ssettm $0x1  }
0x91: {  	s19 =	sld [smem:$0x3FFB];
	_ =	sdelay $0x3  }
0x92: {  	_ =	strace s19  }
0x93: {  	s2 =	sld [smem:$0x3FFC];
	_ =	sdelay $0x3  }
0x94: {  	_ =	strace s2  }
0x95: {  	s2 =	sld [smem:$0x3FFD];
	_ =	sdelay $0x3  }
0x96: {  	_ =	strace s2  }
0x97: {  	_ =	strace $0x8FFFFFFF  }
0x98: {  	s20 =	sld [smem:$0x3FDB];
	_ =	sdelay $0x1  }
0x99: {  	s4 =	simm.s32 $_scs_section_size  }
0x9a: {  	s5 =	simm.s32 $_size__tile_overlayer_lowered;
	s6 =	simm.s32 $_tile_overlayer_lowered  }
0x9b: {  	s7 =	simm.s32 $0x1BFF;
	s21 =	sshll.u32 s6, $0x1;
	s4 =	sadd.s32 s4, s20  }
0x9c: {  	s22 =	simm.s32 $0x0;
	s5 =	sshll.u32 s5, $0x1;
	s6 =	sadd.s32 s21, s4  }
0x9d: {  	[timem:s22], [sflag:s7] =	dma.local [hbm:s6], s5  }
0x9e: {  	_ =	swait.ge [sflag:s7], s5  }
0x9f: {  	s5 =	ssub.s32 $0x0, s5;
	[sflag:s7] =	ssyncset.done $0x0  }
0xa0: {  	[sflag:s7] =	ssyncadd.s32 s5;
	_ =	sdelay $0x1  }
0xa1: {  	s23 =	simm.s32 $0x1B8B  }
0xa2: {  	_ =	swait.ge [sflag:s23], $0x1  }
0xa3: {  	[sflag:s23] =	ssyncset.done $0x0  }
0xa4: {  	[sflag:s23] =	ssyncadd.s32 $0xFFFFFFFF  }
0xa5: {  	s5 =	sld [smem:$0x0]  }
0xa6: {  	s6 =	sand.u32 $0xFFFFFFFE, s1  }
0xa7: {  	p0 =	sne.s32 s1, s6  }
0xa8: {  	s6 =	sshll.u32 @p0 s6, $0xE  }
0xa9: {  	s6 =	sadd.s32 @p0 $0x11B8D, s6;
	s7 =	sshll.u32 @p0 s5, $0x11  }
0xaa: {  	s6 =	sor.u32 @p0 s7, s6  }
0xab: {  	[sflag:s6] =	ssyncadd.remote.s32 @p0 $0x1;
	_ =	sdelay $0x1  }
0xac: {  	s6 =	simm.s32 @p0 $0x1B8D  }
0xad: {  	_ =	swait.eq @p0 [sflag:s6], $0x1  }
0xae: {  	[sflag:s6] =	ssyncadd.s32 @p0 $0xFFFFFFFF  }
0xaf: {  	s7 =	sshll.u32 @!p0 s1, $0xE  }
0xb0: {  	s7 =	sor.u32 @!p0 $0x4000, s7;
	s6 =	simm.s32 @!p0 $0x1B8D  }
0xb1: {  	s5 =	sshll.u32 @!p0 s5, $0x11;
	s7 =	sadd.s32 @!p0 $0x11B8D, s7;
	_ =	swait.eq @!p0 [sflag:s6], $0x1  }
0xb2: {  	s5 =	sor.u32 @!p0 s5, s7;
	[sflag:s6] =	ssyncadd.s32 @!p0 $0xFFFFFFFF  }
0xb3: {  	s25 =	simm.s32 $0x1B8E;
	s24 =	sld [smem:$0x3FFE];
	[sflag:s5] =	ssyncadd.remote.s32 @!p0 $0x1  }
0xb4: {  	s26 =	simm.s32 $execute0_lowered;
	[smem:$0x3FD2] =	sst s25  }
0xb5: {  	s6 =	sshll.u32 s26, $0x1;
	_ =	strace $0x80000049;
	[dreg:$0x1] =	wrdreg $0xFFFFFFFF  }
0xb6: {  	s28 =	simm.s32 $_size_execute0_lowered;
	s4 =	sadd.s32 s4, s6;
	[dreg:$0x0] =	wrdreg $0x0  }
0xb7: {  	s6 =	sshll.u32 s28, $0x1;
	[dreg:$0x2] =	wrdreg s4  }
0xb8: {  	[dreg:$0x3] =	wrdreg s6  }
0xb9: {  	[dreg:$0x4] =	wrdreg $0xC0  }
0xba: {  	_ =	task [dreg:s22], $0x5FFFF  }
0xbb: {  	[dreg:$0x1] =	wrdreg $0xFFFFFFFF  }
0xbc: {  	[dreg:$0x0] =	wrdreg $0x60  }
0xbd: {  	[dreg:$0x2] =	wrdreg s24  }
0xbe: {  	[dreg:$0x3] =	wrdreg s18  }
0xbf: {  	[dreg:$0x4] =	wrdreg $0xA  }
0xc0: {  	_ =	task.clear_ibuf [dreg:s22], $0x5FFFF;
	_ =	strace $0x90000049  }
0xc1: {  	s29 =	simm.s32 $0xA;
	_ =	strace $0x8000004B  }
0xc2: {  	_ =	swait.ge [sflag:s29], $0x1  }
0xc3: {  	[sflag:s29] =	ssyncadd.s32 $0xFFFFFFFF  }
0xc4: {  	_ =	strace $0x9000004B  }
0xc5: {  	_ =	sfence  }
0xc6: {  	s30 =	sld [smem:$0x0];
	_ =	sdelay $0x2  }
0xc7: {  	s31 =	sshll.u32 s1, $0xD;
	s1 =	sshrl.u32 s1, $0x2  }
0xc8: {  	s4 =	sand.u32 $0x4000, s31;
	s1 =	sadd.s32 s1, s30  }
0xc9: {  	s0 =	sor.u32 s4, s0;
	s1 =	sshll.u32 s1, $0x11  }
0xca: {  	s0 =	sor.u32 s1, s0  }
0xcb: {  	s0 =	sadd.s32 $0x8F2B, s0  }
0xcc: {  	[sflag:s0] =	ssyncadd.remote.s32 $0x1  }
0xcd: {  	_ =	sfence.sel $0xFFFF  }
0xce: {  	[dreg:$0x0] =	wrdreg $0xFFFFFFFF;
	(pc) =	sbr.abs _section_cstart, $3  }
0xcf: {  	[dreg:$0x1] =	wrdreg $0xFFFFFFFF  }
0xd0: {  	_ =	task.clear_ibuf [dreg:s22], $0x2FFFF;
	_ =	strace $0x9FFFFFFF  }
0xd1: {  	(tm) =	ssettm $0x7FFFFFFF  }
tec
execute0_lowered:
.L_overlay_start_1:
0x0: {  	(tag) =	ssettag $0x1  }
0x1: {  	s0 =	srdreg.scid  }
0x2: {  	s1 =	sshll.u32 s0, $0x4  }
0x3: {  	s0 =	stileid.u32;
	s1 =	sand.u32 $0x10, s1  }
0x4: {  	s2 =	sor.u32 s0, s1  }
0x5: {  	s1 =	smin.u32 s2, $0x12  }
0x6: {  	s1 =	sadd.s32 s2, s1  }
0x7: {  	p0 =	slt.u32 s2, $0x12;
	s2 =	simm.s32 $0x280;
	s1 =	smul.u32 $0x140, s1  }
0x8: {  	s2 =	simm.s32 @!p0 $0x140  }
0x9: {  	s2 =	sadd.s32 s2, s1  }
0xa: {  	s3 =	smin.u32 s2, $0x3E80  }
0xb: {  	s7 =	ssub.s32 s3, s1  }
0xc: {  	p0 =	sgt.s32 s7, $0x0  }
0xd: {  	s7 =	simm.s32 @!p0 $0x0  }
0xe: {  	s9 =	rddreg [dreg:$0x0];
	s31 =	smul.u32 $0xCCCD, s7  }
0xf: {  	s4 =	rddreg [dreg:$0x1];
	s6 =	simm.s32 $0x1  }
0x10: {  	s11 =	simm.s32 $0x3;
	s13 =	simm.s32 $0x0;
	s8 =	sshrl.u32 s31, $0x18  }
0x11: {  	s12 =	simm.s32 $0x0;
	s5 =	sadd.s32 $0x8D200, s9;
	s10 =	smul.u32 $0x140, s8  }
.Ltmp0:
0x12: {  	s9 =	sadd.s32 $0x2FE200, s9;
	s2 =	rddreg [dreg:$0x2];
	(pc) =	sbr.rel .LBB2_1-.Ltmp0, $4  }
0x13: {  	_ =	strace $0x8000004A;
	p0 =	sne.s32 s7, s10;
	s10 =	simm.s32 $0x1  }
0x14: {  	[sflag:s6] =	ssyncpa.u1 $0x0;
	s7 =	simm.s32 $0x2;
	s10 =	simm.s32 @!p0 $0x0  }
0x15: {  	[sflag:s7] =	ssyncpa.u1 $0x0;
	p0 =	por $0x0, $0x0;
	s8 =	sadd.s32 s8, s10  }
0x16: {  	vm0 =	vmmov $0xff;
	vm1 =	vcmask $0x3F20;
	[sflag:s11] =	ssyncpa.u1 $0x0;
	s11 =	smov.u32 s1;
	s10 =	sadd.s32 $0x1, s8  }
.LBB2_6:
0x17: {  	[hbm:s17] =	stream.linear.scatter [tilespmem:s14], [sflag:$0x3], $0x400, $0x38;
	[tilespmem:$0x14280] =	vst v63  }
.LBB2_7:
0x18: {  	s13 =	sadd.s32 $0x140, s11  }
0x19: {  	s15 =	smov.u32 s1;
	p2 =	slt.s32 s13, s3  }
0x1a: {  	s15 =	smov.u32 @p2 s13;
	p2 =	sne.s32 s12, s10  }
.Ltmp1:
0x1b: {  	p1 =	slt.u32 s12, $0x2;
	(pc) =	sbr.rel @!p2 .LBB2_8-.Ltmp1, $4  }
0x1c: {  	s14 =	simm.s32 @!p1 $0x3  }
0x1d: {  	s16 =	sadd.s32 $0x1, s12;
	_ =	swait.ge @!p1 [sflag:s14], $0xA000  }
0x1e: {  	p0 =	por !p0, !p0;
	s13 =	smov.u32 s11;
	[sflag:s14] =	ssyncset.done @!p1 $0x0  }
0x1f: {  	s12 =	smov.u32 s16;
	s11 =	smov.u32 s15;
	[sflag:s14] =	ssyncadd.s32 @!p1 $0xFFFF6000  }
.LBB2_1:
0x20: {  	p1 =	sge.u32 s12, s8  }
0x21: {  	s14 =	sxor.u32 @!p1 $0xFFFFFFFF, s12  }
0x22: {  	s14 =	sand.u32 @!p1 $0x1, s14  }
0x23: {  	s14 =	smul.u32 @!p1 $0x500, s14  }
0x24: {  	s31 =	sadd.s32 $0xFFFFFFFF, s12;
	s15 =	sshrl.u32 @!p1 s11, $0x3  }
0x25: {  	s16 =	sand.u32 @!p1 $0x7, s11;
	s15 =	sadd.s32 @!p1 s4, s15;
	s14 =	sshrl.u32 @!p1 s14, $0x2  }
0x26: {  	[tilespmem:s14], [sflag:$0x2] =	stream.linear.gather @!p1 [hbm4b:s15+s16], $0x140, $0x38;
	[tilespmem:$0x14280] =	vst v63  }
0x27: {  	p1 =	sge.u32 s31, s8  }
.Ltmp2:
0x28: {  	_ = 	snop;
	(pc) =	sbr.rel @p1 .LBB2_7-.Ltmp2, $1  }
0x29: {  	_ =	sdelay $0x3  }
0x2a: {  	s14 =	simm.s32 $0x1  }
0x2b: {  	s14 =	simm.s32 @!p0 $0x0  }
0x2c: {  	s15 =	smul.u32 $0x500, s14  }
0x2d: {  	_ =	swait.ge [sflag:s7], $0x140  }
0x2e: {  	[sflag:s7] =	ssyncset.done $0x0;
	s16 =	sshrl.u32 s15, $0x2  }
0x2f: {  	[sflag:s7] =	ssyncadd.s32 $0xFFFFFEC0;
	s15 =	sadd.s32 $0x0, s16  }
0x30: {  	v0 =	vld.msk [tilespmem:s15+$0x0 ss:$0x1], $0xffff;
	_ =	sdelay $0x4  }
0x31: {  	v1 =	vand.u32 $0x7, v0;
	v2 =	vshll.u32 v0, $0x4  }
0x32: {  	vm2 =	veq.s32 v0, $0x80000000;
	v0 =	vmul.u32 $0x271000, v1;
	v1 =	vand.u32 $0x3FFF80, v2  }
0x33: {  	v1 =	vsel vm2, $0xFFFFFF80, v1  }
0x34: {  	v0 =	vsel vm2, $0xFFD8F000, v0;
	v2 =	vand.u32 $0xFFFFFC00, v1  }
0x35: {  	v1 =	vand.u32 $0x380, v1;
	v0 =	vadd.s32 v0, v2  }
0x36: {  	v0 =	vor.u32 v1, v0  }
0x37: {  	v0 =	vshrl.u32 v0, $0x3  }
0x38: {  	s14 =	smul.u32 $0x28000, s14;
	_ =	sdelay $0x1  }
0x39: {  	s14 =	sshrl.u32 s14, $0x2  }
0x3a: {  	s14 =	sor.u32 $0x280, s14  }
0x3b: {  	[tilespmem:s14], [sflag:$0x1] =	stream.indirect_vreg.gather [hbm:s5], $0x80, v0, vm0, $0x38;
	[tilespmem:$0x14280] =	vst v63  }
0x3c: {  	s17 =	sadd.s32 $0x10, s16;
	s15 =	sadd.s32 $0x400, s14  }
0x3d: {  	[tilespmem:s15], [sflag:$0x1] =	stream.indirect_vreg.gather [hbm:s5], $0x80, v0, vm1, $0x38;
	[tilespmem:$0x14280] =	vst v63  }
0x3e: {  	s18 =	simm.s32 $0x80;
	v0 =	vld.msk [tilespmem:s17+$0x0 ss:$0x1], $0xffff;
	s17 =	smov.u32 s14  }
.LBB2_3:
0x3f: {  	p1 =	sne.s32 s18, $0x4C0;
	_ =	sdelay $0x4  }
0x40: {  	v1 =	vand.u32 $0x7, v0;
	v2 =	vshll.u32 v0, $0x4  }
0x41: {  	vm2 =	veq.s32 v0, $0x80000000;
	v0 =	vmul.u32 $0x271000, v1;
	v1 =	vand.u32 $0x3FFF80, v2  }
0x42: {  	v1 =	vsel vm2, $0xFFFFFF80, v1  }
0x43: {  	v0 =	vsel vm2, $0xFFD8F000, v0;
	v2 =	vand.u32 $0xFFFFFC00, v1  }
0x44: {  	v1 =	vand.u32 $0x380, v1;
	v0 =	vadd.s32 v0, v2  }
0x45: {  	v0 =	vor.u32 v1, v0  }
0x46: {  	v0 =	vshrl.u32 v0, $0x3;
	_ =	sdelay $0x3  }
.Ltmp3:
0x47: {  	s19 =	sshra.s32 s18, $0x2;
	s17 =	sadd.s32 $0x800, s17;
	(pc) =	sbr.rel @p1 .LBB2_3-.Ltmp3, $4  }
0x48: {  	[tilespmem:s17], [sflag:$0x1] =	stream.indirect_vreg.gather [hbm:s5], $0x80, v0, vm0, $0x38;
	[tilespmem:$0x14280] =	vst v63  }
0x49: {  	s19 =	sadd.s32 s19, s16;
	s20 =	sadd.s32 $0x400, s17  }
0x4a: {  	[tilespmem:s20], [sflag:$0x1] =	stream.indirect_vreg.gather [hbm:s5], $0x80, v0, vm1, $0x38;
	[tilespmem:$0x14280] =	vst v63  }
0x4b: {  	s18 =	sadd.s32 $0x40, s18;
	v0 =	vld.msk [tilespmem:s19+$0x0 ss:$0x1], $0xffff  }
0x4c: {  	_ =	sdelay $0x3  }
0x4d: {  	v1 =	vand.u32 $0x7, v0;
	v2 =	vshll.u32 v0, $0x4  }
0x4e: {  	vm2 =	veq.s32 v0, $0x80000000;
	v61 =	vmul.u32 $0x271000, v1;
	v62 =	vand.u32 $0x3FFF80, v2  }
0x4f: {  	v1 =	vsel vm2, $0xFFFFFF80, v62  }
0x50: {  	v0 =	vsel vm2, $0xFFD8F000, v61;
	v63 =	vand.u32 $0xFFFFFC00, v1  }
0x51: {  	v1 =	vand.u32 $0x380, v1;
	v0 =	vadd.s32 v0, v63  }
0x52: {  	v0 =	vor.u32 v1, v0  }
0x53: {  	v0 =	vshrl.u32 v0, $0x3;
	_ =	sdelay $0x3  }
0x54: {  	s16 =	sadd.s32 $0x800, s17  }
0x55: {  	[tilespmem:s16], [sflag:$0x1] =	stream.indirect_vreg.gather [hbm:s5], $0x80, v0, vm0, $0x38;
	[tilespmem:$0x14280] =	vst v63  }
0x56: {  	s16 =	sadd.s32 $0x400, s16  }
0x57: {  	[tilespmem:s16], [sflag:$0x1] =	stream.indirect_vreg.gather [hbm:s5], $0x80, v0, vm1, $0x38;
	[tilespmem:$0x14280] =	vst v63  }
0x58: {  	s13 =	sshll.u32 s13, $0x4;
	_ =	swait.ge [sflag:s6], $0xA000  }
0x59: {  	s13 =	sadd.s32 s13, s9;
	[sflag:s6] =	ssyncset.done $0x0  }
0x5a: {  	s17 =	sadd.s32 $0x0, s13;
	s16 =	simm.s32 $0x80;
	[sflag:s6] =	ssyncadd.s32 $0xFFFF6000  }
.LBB2_5:
0x5b: {  	[hbm:s17] =	stream.linear.scatter [tilespmem:s14], [sflag:$0x3], $0x400, $0x38;
	[tilespmem:$0x14280] =	vst v63  }
0x5c: {  	s17 =	smov.u32 s16;
	s14 =	smov.u32 s15;
	p1 =	sne.s32 s16, $0x1380  }
.Ltmp4:
0x5d: {  	s16 =	sadd.s32 $0x80, s16;
	(pc) =	sbr.rel @p1 .LBB2_5-.Ltmp4, $2  }
0x5e: {  	_ =	sdelay $0x2  }
0x5f: {  	s15 =	sadd.s32 $0x400, s15;
	s17 =	sadd.s32 s17, s13  }
.Ltmp5:
0x60: {  	_ = 	snop;
	(pc) =	sbr.rel .LBB2_6-.Ltmp5, $1  }
0x61: {  	_ =	sdelay $0x3  }
.LBB2_8:
0x62: {  	_ =	sfence.sel $0x180000  }
0x63: {  	s1 =	simm.s32 $0x2;
	[bflag:$0x0] =	sbarrier.arrive $0xFFFF  }
0x64: {  	s30 =	simm.s32 $0x3;
	[sflag:s1] =	ssyncpa.u1 $0x1  }
0x65: {  	s31 =	simm.s32 $0x1;
	[sflag:s30] =	ssyncpa.u1 $0x1  }
0x66: {  	[sflag:s31] =	ssyncpa.u1 $0x1  }
0x67: {  	p0 =	sne.s32 s0, $0x0;
	_ =	strace $0x9000004A  }
0x68: {  	s0 =	sadd.s32 @!p0 $0x100000, s2;
	[bflag:$0x2] =	sbarrier.arrive $0xFFFF  }
0x69: {  	[sflag:s0] =	ssyncadd.tile.s32 @!p0 $0x1;
	_ =	shalt  }
.Lfunc_end2:
_tile_overlayer_lowered:
.L_overlay_start_2:
0x6a: {  	(tag) =	ssettag $0x2  }
0x6b: {  	s0 =	rddreg [dreg:$0x0];
	s2 =	stileid.u32  }
0x6c: {  	s1 =	rddreg [dreg:$0x1];
	p0 =	sne.s32 s2, $0x0  }
0x6d: {  	s3 =	rddreg [dreg:$0x2];
	[bflag:$0x3] =	sbarrier.arrive $0xFFFF;
	s2 =	simm.s32 @!p0 $0x1C01  }
0x6e: {  	[timem:s3], [sflag:s2] =	dma.local @!p0 [hbm:s0], s1  }
0x6f: {  	s0 =	simm.s32 @!p0 $0x1  }
0x70: {  	_ =	swait.ge @!p0 [sflag:s0], s1  }
0x71: {  	s1 =	ssub.s32 @!p0 $0x0, s1;
	[sflag:s0] =	ssyncset.done @!p0 $0x0  }
0x72: {  	[sflag:s0] =	ssyncadd.s32 @!p0 s1  }
0x73: {  	[bflag:$0x3] =	sbarrier.arrive $0xFFFF  }
0x74: {  	_ =	shalt  }

// kernel: gather_offload_async_start
scs
__scs_entry_jumppad:
0x0: {  	(pc) =	sbr.rel $0x88, $3  }
0x1: {  	(tag) =	ssettag $0x0;
	lr =	simm.s32 $0x1  }
0x2: {  	[smem:$0x3F9E] =	sst lr;
	_ =	strace $0xD0000000  }
0x3: {  	_ = 	snop  }
0x4: {  	_ = 	snop  }
0x5: {  	_ = 	snop  }
0x6: {  	_ = 	snop  }
0x7: {  	_ = 	snop  }
__scs_overlays_trampoline_lowered:
0x8: {  	[smem:$0x3FAD] =	sst s0  }
0x9: {  	[smem:$0x3FAE] =	sst s1  }
0xa: {  	[smem:$0x3FAF] =	sst s2  }
0xb: {  	[smem:$0x3FB0] =	sst s3  }
0xc: {  	[smem:$0x3FB1] =	sst s4  }
0xd: {  	[smem:$0x3FB2] =	sst s5  }
0xe: {  	[smem:$0x3FB3] =	sst s6  }
0xf: {  	[smem:$0x3FB4] =	sst s7  }
0x10: {  	[smem:$0x3FB5] =	sst s8  }
0x11: {  	[smem:$0x3FB6] =	sst s9;
	s0 =	simm.s32 @!p0 $0x0  }
0x12: {  	s1 =	sld [smem:$0x3F9C];
	s0 =	simm.s32 @p0 $0x1  }
0x13: {  	[smem:$0x3FB7] =	sst s0;
	s0 =	simm.s32 @!p1 $0x0  }
0x14: {  	s2 =	sld [smem:$0x3F9B];
	s0 =	simm.s32 @p1 $0x1  }
0x15: {  	[smem:$0x3FB8] =	sst s0;
	s0 =	simm.s32 @!p2 $0x0  }
0x16: {  	s3 =	sld [smem:$0x3FDB];
	s0 =	simm.s32 @p2 $0x1  }
0x17: {  	s4 =	simm.s32 $0x1BF5;
	[smem:$0x3FBA] =	sst s0  }
0x18: {  	s0 =	sld [smem:$0x3F9D];
	_ =	swait.ge [sflag:s4], $0x0  }
0x19: {  	s7 =	sld [smem:$0x3F9E]  }
0x1a: {  	s8 =	sadd.s32 $0xFFFFE003, lr  }
0x1b: {  	s9 =	sadd.s32 $0xFFFFFEF7, lr;
	s5 =	simm.s32 $0xFFFFFFFF;
	p2 =	slt.u32 s8, $0xFFFFF086  }
0x1c: {  	p1 =	slt.u32 s9, $0xF7A;
	s5 =	simm.s32 @!p2 $0x0  }
0x1d: {  	s5 =	simm.s32 @p1 $0x1;
	p0 =	seq.s32 s7, s2  }
0x1e: {  	s7 =	smul.u32 @!p0 $0xF7A, s2;
	p2 =	seq.s32 @!p0 s5, $0x0  }
0x1f: {  	s9 =	smul.u32 $0xF7A, s1;
	s8 =	simm.s32 @!p0 $0x1BF5;
	p2 =	por !p2, p0  }
0x20: {  	[sflag:s8] =	ssyncset.s32 @!p0 $0xFFFFF086;
	s6 =	sadd.s32 @!p0 s3, s7;
	s7 =	simm.s32 @!p0 $0x108  }
0x21: {  	s3 =	sadd.s32 s3, s9;
	s6 =	sadd.s32 @!p0 $0x88, s6;
	s7 =	simm.s32 @p2 $0x1082  }
0x22: {  	[simem:s7], [sflag:s8] =	dma.local @!p0 [hbm:s6], $0xF7A  }
0x23: {  	s9 =	sor.u32 $0xD0000000, s2;
	s6 =	simm.s32 $0x108;
	_ =	swait.ge @!p0 [sflag:s8], $0x0  }
0x24: {  	s3 =	sadd.s32 $0x88, s3;
	s6 =	simm.s32 @!p1 $0x1082;
	[sflag:s4] =	ssyncset.s32 $0xFFFFF086  }
0x25: {  	[simem:s6], [sflag:s4] =	dma.local [hbm:s3], $0xF7A  }
0x26: {  	[smem:$0x3F9E] =	sst s1;
	(tag) =	ssettag s2;
	_ =	strace s9  }
0x27: {  	s1 =	sld [smem:$0x3FAE]  }
0x28: {  	s2 =	sld [smem:$0x3FAF]  }
0x29: {  	s4 =	sld [smem:$0x3FB1]  }
0x2a: {  	p0 =	seq.s32 s5, $0x0;
	s5 =	sld [smem:$0x3FB2]  }
0x2b: {  	s6 =	sld [smem:$0x3FB3]  }
0x2c: {  	s7 =	sld [smem:$0x3FB4]  }
0x2d: {  	s3 =	simm.s32 $0x108;
	s8 =	sld [smem:$0x3FB5]  }
0x2e: {  	s3 =	simm.s32 @!p0 $0x1082;
	s9 =	sld [smem:$0x3FB6]  }
0x2f: {  	lr =	sadd.s32 s0, s3;
	s0 =	sld [smem:$0x3FAD]  }
0x30: {  	s3 =	sld [smem:$0x3FB0]  }
0x31: {  	[smem:$0x3FB9] =	sst s10  }
0x32: {  	s10 =	sld [smem:$0x3FB7];
	_ =	sdelay $0x3  }
0x33: {  	p0 =	seq.s32 s10, $0x1;
	s10 =	sld [smem:$0x3FB9];
	_ =	sdelay $0x3  }
0x34: {  	[smem:$0x3FB9] =	sst s10  }
0x35: {  	s10 =	sld [smem:$0x3FB8];
	_ =	sdelay $0x3  }
0x36: {  	p1 =	seq.s32 s10, $0x1;
	s10 =	sld [smem:$0x3FB9];
	_ =	sdelay $0x3  }
0x37: {  	[smem:$0x3FB9] =	sst s10  }
0x38: {  	s10 =	sld [smem:$0x3FBA]  }
0x39: {  	_ = 	snop;
	(pc) =	sbr.ind lr, $3  }
0x3a: {  	_ = 	snop  }
0x3b: {  	_ = 	snop  }
0x3c: {  	p2 =	seq.s32 s10, $0x1;
	s10 =	sld [smem:$0x3FB9]  }
0x3d: {  	_ =	shalt  }
0x3e: {  	_ =	shalt  }
0x3f: {  	_ =	shalt  }
0x40: {  	_ =	shalt  }
0x41: {  	_ =	shalt  }
0x42: {  	_ =	shalt  }
0x43: {  	_ =	shalt  }
0x44: {  	_ =	shalt  }
0x45: {  	_ =	shalt  }
0x46: {  	_ =	shalt  }
0x47: {  	_ =	shalt  }
0x48: {  	_ =	shalt  }
0x49: {  	_ =	shalt  }
0x4a: {  	_ =	shalt  }
0x4b: {  	_ =	shalt  }
0x4c: {  	_ =	shalt  }
0x4d: {  	_ =	shalt  }
0x4e: {  	_ =	shalt  }
0x4f: {  	_ =	shalt  }
0x50: {  	_ =	shalt  }
0x51: {  	_ =	shalt  }
0x52: {  	_ =	shalt  }
0x53: {  	_ =	shalt  }
0x54: {  	_ =	shalt  }
0x55: {  	_ =	shalt  }
0x56: {  	_ =	shalt  }
0x57: {  	_ =	shalt  }
0x58: {  	_ =	shalt  }
0x59: {  	_ =	shalt  }
0x5a: {  	_ =	shalt  }
0x5b: {  	_ =	shalt  }
0x5c: {  	_ =	shalt  }
0x5d: {  	_ =	shalt  }
0x5e: {  	_ =	shalt  }
0x5f: {  	_ =	shalt  }
0x60: {  	_ =	shalt  }
0x61: {  	_ =	shalt  }
0x62: {  	_ =	shalt  }
0x63: {  	_ =	shalt  }
0x64: {  	_ =	shalt  }
0x65: {  	_ =	shalt  }
0x66: {  	_ =	shalt  }
0x67: {  	_ =	shalt  }
0x68: {  	_ =	shalt  }
0x69: {  	_ =	shalt  }
0x6a: {  	_ =	shalt  }
0x6b: {  	_ =	shalt  }
0x6c: {  	_ =	shalt  }
0x6d: {  	_ =	shalt  }
0x6e: {  	_ =	shalt  }
0x6f: {  	_ =	shalt  }
0x70: {  	_ =	shalt  }
0x71: {  	_ =	shalt  }
0x72: {  	_ =	shalt  }
0x73: {  	_ =	shalt  }
0x74: {  	_ =	shalt  }
0x75: {  	_ =	shalt  }
0x76: {  	_ =	shalt  }
0x77: {  	_ =	shalt  }
0x78: {  	_ =	shalt  }
0x79: {  	_ =	shalt  }
0x7a: {  	_ =	shalt  }
0x7b: {  	_ =	shalt  }
0x7c: {  	_ =	shalt  }
0x7d: {  	_ =	shalt  }
0x7e: {  	_ =	shalt  }
0x7f: {  	_ =	shalt  }
0x80: {  	_ =	shalt  }
0x81: {  	_ =	shalt  }
0x82: {  	_ =	shalt  }
0x83: {  	_ =	shalt  }
0x84: {  	_ =	shalt  }
0x85: {  	_ =	shalt  }
0x86: {  	_ =	shalt  }
0x87: {  	_ =	shalt  }
.Lfunc_end0:
.L_simem_size_0:
called_computation_lowered:
.L_overlay_start_0:
0x88: {  	s2 =	sld [smem:$0x3FD9]  }
0x89: {  	s3 =	sld [smem:$0x3FFE];
	_ =	sdelay $0x1  }
0x8a: {  	s1 =	srdreg.scid  }
0x8b: {  	s0 =	sand.u32 $0x1, s1  }
0x8c: {  	s16 =	sshll.u32 s0, $0xA;
	s2 =	sadd.s32 s3, s2  }
0x8d: {  	s2 =	sadd.s32 s2, s16  }
0x8e: {  	[smem:$0x3FC5] =	sst s2  }
0x8f: {  	_ = 	snop  }
0x90: {  	(tm) =	ssettm $0x1  }
0x91: {  	s17 =	sld [smem:$0x3FFB];
	_ =	sdelay $0x3  }
0x92: {  	_ =	strace s17  }
0x93: {  	s2 =	sld [smem:$0x3FFC];
	_ =	sdelay $0x3  }
0x94: {  	_ =	strace s2  }
0x95: {  	s2 =	sld [smem:$0x3FFD];
	_ =	sdelay $0x3  }
0x96: {  	_ =	strace s2  }
0x97: {  	_ =	strace $0x8FFFFFFF  }
0x98: {  	s18 =	sld [smem:$0x3FDB];
	_ =	sdelay $0x1  }
0x99: {  	s19 =	simm.s32 $_scs_section_size  }
0x9a: {  	s4 =	simm.s32 $_size__tile_overlayer_lowered;
	s5 =	simm.s32 $_tile_overlayer_lowered  }
0x9b: {  	s22 =	simm.s32 $0x1BFF;
	s21 =	sshll.u32 s5, $0x1;
	s2 =	sadd.s32 s19, s18  }
0x9c: {  	s6 =	simm.s32 $0x0;
	s20 =	sshll.u32 s4, $0x1;
	s4 =	sadd.s32 s21, s2  }
0x9d: {  	[timem:s6], [sflag:s22] =	dma.local [hbm:s4], s20  }
0x9e: {  	_ =	swait.ge [sflag:s22], s20  }
0x9f: {  	s3 =	ssub.s32 $0x0, s20;
	[sflag:s22] =	ssyncset.done $0x0  }
0xa0: {  	[sflag:s22] =	ssyncadd.s32 s3;
	_ =	sdelay $0x1  }
0xa1: {  	s23 =	simm.s32 $0x1B8B  }
0xa2: {  	_ =	swait.ge [sflag:s23], $0x1  }
0xa3: {  	[sflag:s23] =	ssyncset.done $0x0  }
0xa4: {  	s25 =	simm.s32 $0x1B8E;
	s24 =	sld [smem:$0x3FFE];
	[sflag:s23] =	ssyncadd.s32 $0xFFFFFFFF  }
0xa5: {  	s26 =	simm.s32 $execute0_lowered;
	[smem:$0x3FD2] =	sst s25  }
0xa6: {  	s4 =	sshll.u32 s26, $0x1;
	_ =	strace $0x80000046;
	[dreg:$0x1] =	wrdreg $0xFFFFFFFF  }
0xa7: {  	s28 =	simm.s32 $_size_execute0_lowered;
	s2 =	sadd.s32 s2, s4;
	[dreg:$0x0] =	wrdreg $0x0  }
0xa8: {  	s4 =	sshll.u32 s28, $0x1;
	[dreg:$0x2] =	wrdreg s2  }
0xa9: {  	[dreg:$0x3] =	wrdreg s4  }
0xaa: {  	[dreg:$0x4] =	wrdreg $0xC0  }
0xab: {  	_ =	task [dreg:s6], $0x5FFFF  }
0xac: {  	[dreg:$0x1] =	wrdreg $0xFFFFFFFF  }
0xad: {  	[dreg:$0x0] =	wrdreg $0x60  }
0xae: {  	[dreg:$0x2] =	wrdreg s24  }
0xaf: {  	[dreg:$0x3] =	wrdreg $0x9  }
0xb0: {  	_ =	task.clear_ibuf [dreg:s6], $0x4FFFF;
	_ =	strace $0x90000046  }
0xb1: {  	s29 =	simm.s32 $0x9;
	_ =	strace $0x80000048  }
0xb2: {  	_ =	swait.ge [sflag:s29], $0x1  }
0xb3: {  	[sflag:s29] =	ssyncadd.s32 $0xFFFFFFFF  }
0xb4: {  	_ =	strace $0x90000048  }
0xb5: {  	_ =	sfence  }
0xb6: {  	s30 =	sld [smem:$0x0];
	_ =	sdelay $0x2  }
0xb7: {  	s31 =	sshll.u32 s1, $0xD;
	s1 =	sshrl.u32 s1, $0x2  }
0xb8: {  	s3 =	sand.u32 $0x4000, s31;
	s1 =	sadd.s32 s1, s30  }
0xb9: {  	s0 =	sor.u32 s3, s0;
	s1 =	sshll.u32 s1, $0x11  }
0xba: {  	s0 =	sor.u32 s1, s0  }
0xbb: {  	s0 =	sadd.s32 $0x8F2B, s0  }
0xbc: {  	[sflag:s0] =	ssyncadd.remote.s32 $0x1  }
0xbd: {  	_ =	sfence.sel $0xFFFF  }
0xbe: {  	[dreg:$0x0] =	wrdreg $0xFFFFFFFF;
	(pc) =	sbr.abs _section_cstart, $3  }
0xbf: {  	[dreg:$0x1] =	wrdreg $0xFFFFFFFF  }
0xc0: {  	_ =	task.clear_ibuf [dreg:s6], $0x2FFFF;
	_ =	strace $0x9FFFFFFF  }
0xc1: {  	(tm) =	ssettm $0x7FFFFFFF  }
tec
execute0_lowered:
.L_overlay_start_1:
0x0: {  	(tag) =	ssettag $0x1  }
0x1: {  	s0 =	srdreg.scid  }
0x2: {  	s1 =	sshll.u32 s0, $0x4  }
0x3: {  	s0 =	stileid.u32;
	s1 =	sand.u32 $0x10, s1  }
0x4: {  	s1 =	sor.u32 s0, s1  }
0x5: {  	s2 =	smin.u32 s1, $0x12  }
0x6: {  	s2 =	sadd.s32 s1, s2  }
0x7: {  	p0 =	slt.u32 s1, $0x12;
	s1 =	simm.s32 $0x280;
	s2 =	smul.u32 $0x140, s2  }
0x8: {  	s1 =	simm.s32 @!p0 $0x140  }
0x9: {  	s1 =	sadd.s32 s1, s2  }
0xa: {  	s3 =	smin.u32 s1, $0x3E80  }
0xb: {  	s7 =	ssub.s32 s3, s2  }
0xc: {  	p0 =	sgt.s32 s7, $0x0  }
0xd: {  	s7 =	simm.s32 @!p0 $0x0  }
0xe: {  	s31 =	smul.u32 $0xCCCD, s7  }
0xf: {  	s4 =	rddreg [dreg:$0x0];
	s6 =	simm.s32 $0x1  }
0x10: {  	s10 =	simm.s32 $0x3;
	s13 =	simm.s32 $0x0;
	s8 =	sshrl.u32 s31, $0x18  }
0x11: {  	s12 =	simm.s32 $0x0;
	s5 =	sadd.s32 $0x800, s4;
	s9 =	smul.u32 $0x140, s8  }
.Ltmp0:
0x12: {  	s11 =	smov.u32 s2;
	s1 =	rddreg [dreg:$0x1];
	(pc) =	sbr.rel .LBB2_1-.Ltmp0, $4  }
0x13: {  	_ =	strace $0x80000047;
	p0 =	sne.s32 s7, s9;
	s9 =	simm.s32 $0x1  }
0x14: {  	[sflag:s6] =	ssyncpa.u1 $0x0;
	s7 =	simm.s32 $0x2;
	s9 =	simm.s32 @!p0 $0x0  }
0x15: {  	[sflag:s7] =	ssyncpa.u1 $0x0;
	p0 =	por $0x0, $0x0;
	s8 =	sadd.s32 s8, s9  }
0x16: {  	vm0 =	vmmov $0xff;
	vm1 =	vcmask $0x3F20;
	s9 =	sadd.s32 $0x4EA00, s4;
	[sflag:s10] =	ssyncpa.u1 $0x0;
	s10 =	sadd.s32 $0x1, s8  }
.LBB2_6:
0x17: {  	[hbm:s17] =	stream.linear.scatter [tilespmem:s14], [sflag:$0x3], $0x400, $0x38;
	[tilespmem:$0x14280] =	vst v63  }
.LBB2_7:
0x18: {  	s13 =	sadd.s32 $0x140, s11  }
0x19: {  	s15 =	smov.u32 s2;
	p2 =	slt.s32 s13, s3  }
0x1a: {  	s15 =	smov.u32 @p2 s13;
	p2 =	sne.s32 s12, s10  }
.Ltmp1:
0x1b: {  	p1 =	slt.u32 s12, $0x2;
	(pc) =	sbr.rel @!p2 .LBB2_8-.Ltmp1, $4  }
0x1c: {  	s14 =	simm.s32 @!p1 $0x3  }
0x1d: {  	s16 =	sadd.s32 $0x1, s12;
	_ =	swait.ge @!p1 [sflag:s14], $0xA000  }
0x1e: {  	p0 =	por !p0, !p0;
	s13 =	smov.u32 s11;
	[sflag:s14] =	ssyncset.done @!p1 $0x0  }
0x1f: {  	s12 =	smov.u32 s16;
	s11 =	smov.u32 s15;
	[sflag:s14] =	ssyncadd.s32 @!p1 $0xFFFF6000  }
.LBB2_1:
0x20: {  	p1 =	sge.u32 s12, s8  }
0x21: {  	s14 =	sxor.u32 @!p1 $0xFFFFFFFF, s12  }
0x22: {  	s14 =	sand.u32 @!p1 $0x1, s14  }
0x23: {  	s14 =	smul.u32 @!p1 $0x500, s14  }
0x24: {  	s31 =	sadd.s32 $0xFFFFFFFF, s12;
	s15 =	sshrl.u32 @!p1 s11, $0x3  }
0x25: {  	s16 =	sand.u32 @!p1 $0x7, s11;
	s15 =	sadd.s32 @!p1 s4, s15;
	s14 =	sshrl.u32 @!p1 s14, $0x2  }
0x26: {  	[tilespmem:s14], [sflag:$0x2] =	stream.linear.gather @!p1 [hbm4b:s15+s16], $0x140, $0x38;
	[tilespmem:$0x14280] =	vst v63  }
0x27: {  	p1 =	sge.u32 s31, s8  }
.Ltmp2:
0x28: {  	_ = 	snop;
	(pc) =	sbr.rel @p1 .LBB2_7-.Ltmp2, $1  }
0x29: {  	_ =	sdelay $0x3  }
0x2a: {  	s14 =	simm.s32 $0x1  }
0x2b: {  	s14 =	simm.s32 @!p0 $0x0  }
0x2c: {  	s15 =	smul.u32 $0x500, s14  }
0x2d: {  	_ =	swait.ge [sflag:s7], $0x140  }
0x2e: {  	[sflag:s7] =	ssyncset.done $0x0;
	s16 =	sshrl.u32 s15, $0x2  }
0x2f: {  	[sflag:s7] =	ssyncadd.s32 $0xFFFFFEC0;
	s15 =	sadd.s32 $0x0, s16  }
0x30: {  	v0 =	vld.msk [tilespmem:s15+$0x0 ss:$0x1], $0xffff;
	_ =	sdelay $0x4  }
0x31: {  	vm2 =	vgt.s32 v0, $0x0  }
0x32: {  	v0 =	vnsel vm2, $0x0, v0  }
0x33: {  	v0 =	vmin.u32 v0, $0x4E1F  }
0x34: {  	v0 =	vshll.u32 v0, $0x4  }
0x35: {  	s14 =	smul.u32 $0x28000, s14;
	_ =	sdelay $0x1  }
0x36: {  	s14 =	sshrl.u32 s14, $0x2  }
0x37: {  	s14 =	sor.u32 $0x280, s14  }
0x38: {  	[tilespmem:s14], [sflag:$0x1] =	stream.indirect_vreg.gather [hbm:s5], $0x80, v0, vm0, $0x38;
	[tilespmem:$0x14280] =	vst v63  }
0x39: {  	s17 =	sadd.s32 $0x10, s16;
	s15 =	sadd.s32 $0x400, s14  }
0x3a: {  	[tilespmem:s15], [sflag:$0x1] =	stream.indirect_vreg.gather [hbm:s5], $0x80, v0, vm1, $0x38;
	[tilespmem:$0x14280] =	vst v63  }
0x3b: {  	s18 =	simm.s32 $0x80;
	v0 =	vld.msk [tilespmem:s17+$0x0 ss:$0x1], $0xffff;
	s17 =	smov.u32 s14  }
.LBB2_3:
0x3c: {  	p1 =	sne.s32 s18, $0x4C0;
	_ =	sdelay $0x4  }
0x3d: {  	vm2 =	vgt.s32 v0, $0x0  }
0x3e: {  	v0 =	vnsel vm2, $0x0, v0  }
0x3f: {  	v0 =	vmin.u32 v0, $0x4E1F  }
0x40: {  	v0 =	vshll.u32 v0, $0x4;
	_ =	sdelay $0x3  }
.Ltmp3:
0x41: {  	s19 =	sshra.s32 s18, $0x2;
	s17 =	sadd.s32 $0x800, s17;
	(pc) =	sbr.rel @p1 .LBB2_3-.Ltmp3, $4  }
0x42: {  	[tilespmem:s17], [sflag:$0x1] =	stream.indirect_vreg.gather [hbm:s5], $0x80, v0, vm0, $0x38;
	[tilespmem:$0x14280] =	vst v63  }
0x43: {  	s19 =	sadd.s32 s19, s16;
	s20 =	sadd.s32 $0x400, s17  }
0x44: {  	[tilespmem:s20], [sflag:$0x1] =	stream.indirect_vreg.gather [hbm:s5], $0x80, v0, vm1, $0x38;
	[tilespmem:$0x14280] =	vst v63  }
0x45: {  	s18 =	sadd.s32 $0x40, s18;
	v0 =	vld.msk [tilespmem:s19+$0x0 ss:$0x1], $0xffff  }
0x46: {  	_ =	sdelay $0x3  }
0x47: {  	vm2 =	vgt.s32 v0, $0x0  }
0x48: {  	v0 =	vnsel vm2, $0x0, v0  }
0x49: {  	v0 =	vmin.u32 v0, $0x4E1F  }
0x4a: {  	v0 =	vshll.u32 v0, $0x4;
	_ =	sdelay $0x3  }
0x4b: {  	s16 =	sadd.s32 $0x800, s17  }
0x4c: {  	[tilespmem:s16], [sflag:$0x1] =	stream.indirect_vreg.gather [hbm:s5], $0x80, v0, vm0, $0x38;
	[tilespmem:$0x14280] =	vst v63  }
0x4d: {  	s16 =	sadd.s32 $0x400, s16  }
0x4e: {  	[tilespmem:s16], [sflag:$0x1] =	stream.indirect_vreg.gather [hbm:s5], $0x80, v0, vm1, $0x38;
	[tilespmem:$0x14280] =	vst v63  }
0x4f: {  	s13 =	sshll.u32 s13, $0x4;
	_ =	swait.ge [sflag:s6], $0xA000  }
0x50: {  	s13 =	sadd.s32 s13, s9;
	[sflag:s6] =	ssyncset.done $0x0  }
0x51: {  	s17 =	sadd.s32 $0x0, s13;
	s16 =	simm.s32 $0x80;
	[sflag:s6] =	ssyncadd.s32 $0xFFFF6000  }
.LBB2_5:
0x52: {  	[hbm:s17] =	stream.linear.scatter [tilespmem:s14], [sflag:$0x3], $0x400, $0x38;
	[tilespmem:$0x14280] =	vst v63  }
0x53: {  	s17 =	smov.u32 s16;
	s14 =	smov.u32 s15;
	p1 =	sne.s32 s16, $0x1380  }
.Ltmp4:
0x54: {  	s16 =	sadd.s32 $0x80, s16;
	(pc) =	sbr.rel @p1 .LBB2_5-.Ltmp4, $2  }
0x55: {  	_ =	sdelay $0x2  }
0x56: {  	s15 =	sadd.s32 $0x400, s15;
	s17 =	sadd.s32 s17, s13  }
.Ltmp5:
0x57: {  	_ = 	snop;
	(pc) =	sbr.rel .LBB2_6-.Ltmp5, $1  }
0x58: {  	_ =	sdelay $0x3  }
.LBB2_8:
0x59: {  	_ =	sfence.sel $0x180000  }
0x5a: {  	s2 =	simm.s32 $0x2;
	[bflag:$0x0] =	sbarrier.arrive $0xFFFF  }
0x5b: {  	s30 =	simm.s32 $0x3;
	[sflag:s2] =	ssyncpa.u1 $0x1  }
0x5c: {  	s31 =	simm.s32 $0x1;
	[sflag:s30] =	ssyncpa.u1 $0x1  }
0x5d: {  	[sflag:s31] =	ssyncpa.u1 $0x1  }
0x5e: {  	p0 =	sne.s32 s0, $0x0;
	_ =	strace $0x90000047  }
0x5f: {  	s0 =	sadd.s32 @!p0 $0x100000, s1;
	[bflag:$0x2] =	sbarrier.arrive $0xFFFF  }
0x60: {  	[sflag:s0] =	ssyncadd.tile.s32 @!p0 $0x1;
	_ =	shalt  }
.Lfunc_end2:
_tile_overlayer_lowered:
.L_overlay_start_2:
0x61: {  	(tag) =	ssettag $0x2  }
0x62: {  	s0 =	rddreg [dreg:$0x0];
	s2 =	stileid.u32  }
0x63: {  	s1 =	rddreg [dreg:$0x1];
	p0 =	sne.s32 s2, $0x0  }
0x64: {  	s3 =	rddreg [dreg:$0x2];
	[bflag:$0x3] =	sbarrier.arrive $0xFFFF;
	s2 =	simm.s32 @!p0 $0x1C01  }
0x65: {  	[timem:s3], [sflag:s2] =	dma.local @!p0 [hbm:s0], s1  }
0x66: {  	s0 =	simm.s32 @!p0 $0x1  }
0x67: {  	_ =	swait.ge @!p0 [sflag:s0], s1  }
0x68: {  	s1 =	ssub.s32 @!p0 $0x0, s1;
	[sflag:s0] =	ssyncset.done @!p0 $0x0  }
0x69: {  	[sflag:s0] =	ssyncadd.s32 @!p0 s1  }
0x6a: {  	[bflag:$0x3] =	sbarrier.arrive $0xFFFF  }
0x6b: {  	_ =	shalt  }

</sc_bundles>
